<compile_context>
chip_gen: v7x
topology: tpu7x:2x2x1
jax: 0.10.2.dev20260603
libtpu: 0.0.44.dev20260713+nightly
codegen_flags: <defaults>
</compile_context>

<pallas_src>
import functools

import jax
import jax.numpy as jnp
from jax import lax
from jax.experimental import pallas as pl
from jax.experimental.pallas import tpu as pltpu
from jax.experimental.pallas import tpu_sc as plsc

B, C, H, W = 8, 4, 512, 512
HW = H * W
N = B * HW
GAMMA = 2.0
SMOOTH = 1e-05

SB_SC = 3
TB_TC = B - SB_SC

NC, NS, L = 2, 16, 16
NW = NC * NS
ROWS_W = SB_SC * H // NW
CHUNKR = 16
NCHUNK = ROWS_W // CHUNKR
NVEC = CHUNKR * W // L

HB_TC = 128
LN2 = 0.6931471805599453
K_SEL = 1.0 - SMOOTH - SMOOTH / (C - 1)
K_SUM = SMOOTH / (C - 1)


def _fast_log(x):
    bits = lax.bitcast_convert_type(x, jnp.int32)
    ef = jnp.right_shift(bits, 23).astype(jnp.float32)
    mbits = jnp.bitwise_or(jnp.bitwise_and(bits, 0x007FFFFF), 0x3F800000)
    m = lax.bitcast_convert_type(mbits, jnp.float32)
    z = (m - 1.0) / (m + 1.0)
    z2 = z * z
    p = z * (2.0 + z2 * (2.0 / 3.0 + z2 * (2.0 / 5.0 + z2 * (2.0 / 7.0))))
    return ef * LN2 + (p - 127.0 * LN2)


def _sc_body(lr_hbm, tr_hbm, out_hbm,
             lb0_0, lb0_1, lb0_2, lb0_3, lb1_0, lb1_1, lb1_2, lb1_3,
             tb0_1, tb0_2, tb0_3, tb1_1, tb1_2, tb1_3,
             accbuf, sem0, sem1):
    cid = lax.axis_index("c")
    sid = lax.axis_index("s")
    wid = cid * NS + sid
    lbuf = ((lb0_0, lb0_1, lb0_2, lb0_3), (lb1_0, lb1_1, lb1_2, lb1_3))
    tbuf = ((tb0_1, tb0_2, tb0_3), (tb1_1, tb1_2, tb1_3))
    sems = (sem0, sem1)

    def start(k, slot):
        g0 = wid * ROWS_W + k * CHUNKR
        b = g0 // H
        h0 = g0 % H
        cps = []
        for c in range(C):
            cps.append(pltpu.async_copy(
                lr_hbm.at[b * C + c, pl.ds(h0, CHUNKR), :],
                lbuf[slot][c], sems[slot]))
        for c in range(1, C):
            cps.append(pltpu.async_copy(
                tr_hbm.at[b * C + c, pl.ds(h0, CHUNKR), :],
                tbuf[slot][c - 1], sems[slot]))
        return cps

    pending = {0: start(0, 0)}
    acc = (jnp.zeros((L,), jnp.float32), jnp.zeros((L,), jnp.float32))
    for k in range(NCHUNK):
        slot = k % 2
        if k + 1 < NCHUNK:
            pending[k + 1] = start(k + 1, (k + 1) % 2)
        for cp in pending.pop(k):
            cp.wait()
        l0r, l1r, l2r, l3r = lbuf[slot]
        t1r, t2r, t3r = tbuf[slot]

        def lane_step(r, sl, acc, l0r=l0r, l1r=l1r, l2r=l2r, l3r=l3r,
                      t1r=t1r, t2r=t2r, t3r=t3r):
            l0 = l0r[r, sl]
            l1 = l1r[r, sl]
            l2 = l2r[r, sl]
            l3 = l3r[r, sl]
            t1 = t1r[r, sl]
            t2 = t2r[r, sl]
            t3 = t3r[r, sl]
            lsel = jnp.where(t1 == 1, l1, l0)
            lsel = jnp.where(t2 == 1, l2, lsel)
            lsel = jnp.where(t3 == 1, l3, lsel)
            sm = (l0 + l1) + (l2 + l3)
            pt = lsel * K_SEL + sm * K_SUM + SMOOTH
            om = 1.0 - pt
            return acc - (om * om) * _fast_log(pt)

        @plsc.parallel_loop(0, NVEC // 2, unroll=4, carry=acc)
        def acc(i, accs):
            acc_a, acc_b = accs
            r = jnp.right_shift(i, 4)
            co = jnp.left_shift(jnp.bitwise_and(i, 15), 5)
            co = pl.multiple_of(co, 2 * L)
            acc_a = lane_step(r, pl.ds(co, L), acc_a)
            acc_b = lane_step(r, pl.ds(pl.multiple_of(co + L, L), L), acc_b)
            return acc_a, acc_b

    accbuf[...] = acc[0] + acc[1]
    pltpu.sync_copy(accbuf, out_hbm.at[pl.ds(wid * L, L)])


def _tc_body(lref, t1ref, t2ref, t3ref, oref):
    l0 = lref[0]
    l1 = lref[1]
    l2 = lref[2]
    l3 = lref[3]
    t1 = t1ref[0]
    t2 = t2ref[0]
    t3 = t3ref[0]
    lsel = jnp.where(t1 == 1, l1, l0)
    lsel = jnp.where(t2 == 1, l2, lsel)
    lsel = jnp.where(t3 == 1, l3, lsel)
    sm = (l0 + l1) + (l2 + l3)
    pt = lsel * K_SEL + sm * K_SUM + SMOOTH
    om = 1.0 - pt
    loss = (om * om) * jnp.log(pt)
    s = -jnp.sum(loss)
    first = jnp.logical_and(pl.program_id(0) == 0, pl.program_id(1) == 0)
    oref[0, 0] = jnp.where(first, s, oref[0, 0] + s)


@functools.partial(jax.jit, static_argnames=())
def kernel(logit, target):
    lr = logit.reshape(B * C, H, W)
    tr = target.astype(jnp.int32).reshape(B * C, H, W)

    mesh = plsc.VectorSubcoreMesh(core_axis_name="c", subcore_axis_name="s")
    sc_fn = pl.kernel(
        _sc_body,
        mesh=mesh,
        out_type=jax.ShapeDtypeStruct((NW * L,), jnp.float32),
        scratch_types=(
            [pltpu.VMEM((CHUNKR, W), jnp.float32) for _ in range(2 * C)]
            + [pltpu.VMEM((CHUNKR, W), jnp.int32) for _ in range(2 * (C - 1))]
            + [pltpu.VMEM((L,), jnp.float32),
               pltpu.SemaphoreType.DMA,
               pltpu.SemaphoreType.DMA]
        ),
        compiler_params=pltpu.CompilerParams(use_tc_tiling_on_sc=True),
    )
    sc_partials = sc_fn(lr, tr)

    tc_partials = pl.pallas_call(
        _tc_body,
        grid=(TB_TC, H // HB_TC),
        in_specs=[
            pl.BlockSpec((C, HB_TC, W), lambda b, j: (SB_SC + b, j, 0)),
            pl.BlockSpec((1, HB_TC, W),
                         lambda b, j: (C * (SB_SC + b) + 1, j, 0)),
            pl.BlockSpec((1, HB_TC, W),
                         lambda b, j: (C * (SB_SC + b) + 2, j, 0)),
            pl.BlockSpec((1, HB_TC, W),
                         lambda b, j: (C * (SB_SC + b) + 3, j, 0)),
        ],
        out_specs=pl.BlockSpec(memory_space=pltpu.SMEM),
        out_shape=jax.ShapeDtypeStruct((1, 1), jnp.float32),
        compiler_params=pltpu.CompilerParams(
            dimension_semantics=("arbitrary", "arbitrary")),
    )(lr, tr, tr, tr)

    return (jnp.sum(sc_partials) + tc_partials[0, 0]) / N

# --- scband reference (transcript-rebuilt; emitter-appended) ---
"""Pipeline reference for scband-focal-loss-22746146799661 (READ-ONLY COPY).

The authoritative reference and input builder live on the scoring server;
editing this copy changes nothing except your own understanding.
"""

import jax, jax.numpy as jnp
import numpy as np

B, C, H, W = 8, 4, 512, 512
GAMMA = 2.0
SMOOTH = 1e-05


def setup_inputs(seed: int = 0) -> dict:
    key = jax.random.key(seed)
    k1, k2 = jax.random.split(key)
    logit = jax.random.uniform(k1, (B, C, H, W), dtype=jnp.float32)
    target = jax.random.randint(k2, (B, C, H, W), 0, 2, dtype=jnp.int64)
    return {"logit": logit, "target": target}


def reference(logit, target):
    num_class = logit.shape[1]
    # decoding_label: for each pixel, class = last (highest) channel c where target==1, else 0
    mask = (target == 1)
    ch = jnp.arange(num_class, dtype=jnp.int32)[None, :, None, None]
    decoded = jnp.max(jnp.where(mask, ch, 0), axis=1)  # [B, H, W]

    b, c, h, w = logit.shape
    logit_flat = jnp.transpose(logit.reshape(b, c, h * w), (0, 2, 1)).reshape(-1, c)  # [N, C]
    tgt = decoded.reshape(-1)  # [N]

    # one-hot via scatter-set, then label smoothing clamp
    one_hot = jnp.zeros((tgt.shape[0], num_class), dtype=jnp.float32)
    one_hot = one_hot.at[jnp.arange(tgt.shape[0]), tgt].set(1.0)
    one_hot = jnp.clip(one_hot, SMOOTH / (num_class - 1), 1.0 - SMOOTH)

    pt = jnp.sum(one_hot * logit_flat, axis=1) + SMOOTH
    logpt = jnp.log(pt)

    # alpha is None -> ones(num_class); gather by target index
    alpha_vec = jnp.ones((num_class,), dtype=jnp.float32)
    alpha = alpha_vec[tgt]

    loss = -1.0 * alpha * jnp.power(1.0 - pt, GAMMA) * logpt
    return jnp.mean(loss)

if __name__ == "__main__":
    import jax
    _d = setup_inputs()
    print(jax.jit(kernel)(*tuple(_d.values())))

</pallas_src>

<mosaic_0001>
#map = affine_map<(d0, d1) -> (0, 0, 0)>
#map1 = affine_map<(d0, d1) -> (0)>
module attributes {stable_mosaic.version = 14 : i64} {
  func.func @_sc_body(%arg0: i32, %arg1: i32, %arg2: memref<32x512x512xf32, #tpu.memory_space<hbm>>, %arg3: memref<32x512x512xi32, #tpu.memory_space<hbm>>, %arg4: memref<512xf32, #tpu.memory_space<hbm>>, %arg5: memref<16x512xf32, #tpu.memory_space<vmem>>, %arg6: memref<16x512xf32, #tpu.memory_space<vmem>>, %arg7: memref<16x512xf32, #tpu.memory_space<vmem>>, %arg8: memref<16x512xf32, #tpu.memory_space<vmem>>, %arg9: memref<16x512xf32, #tpu.memory_space<vmem>>, %arg10: memref<16x512xf32, #tpu.memory_space<vmem>>, %arg11: memref<16x512xf32, #tpu.memory_space<vmem>>, %arg12: memref<16x512xf32, #tpu.memory_space<vmem>>, %arg13: memref<16x512xi32, #tpu.memory_space<vmem>>, %arg14: memref<16x512xi32, #tpu.memory_space<vmem>>, %arg15: memref<16x512xi32, #tpu.memory_space<vmem>>, %arg16: memref<16x512xi32, #tpu.memory_space<vmem>>, %arg17: memref<16x512xi32, #tpu.memory_space<vmem>>, %arg18: memref<16x512xi32, #tpu.memory_space<vmem>>, %arg19: memref<16xf32, #tpu.memory_space<vmem>>, %arg20: memref<!tpu.dma_semaphore, #tpu.memory_space<semaphore_mem>>, %arg21: memref<!tpu.dma_semaphore, #tpu.memory_space<semaphore_mem>>) attributes {dimension_semantics = [#tpu.dimension_semantics<core_parallel>, #tpu.dimension_semantics<subcore_parallel>], iteration_bounds = array<i64: 2, 16>, scalar_prefetch = 0 : i64, scratch_operands = 17 : i64, tpu.core_type = #tpu.core_type<sc_vector_subcore>, window_params = [{transform_indices = #map}, {transform_indices = #map}, {transform_indices = #map1}]} {
    %mul3A = arith.constant 16 : i32
    %mul3A_0 = arith.muli %arg0, %mul3A : i32
    %add3A = arith.addi %mul3A_0, %arg1 : i32
    %mul3A_1 = arith.constant 48 : i32
    %mul3A_2 = arith.muli %add3A, %mul3A_1 : i32
    %add3A_3 = arith.constant 0 : i32
    %add3A_4 = arith.addi %mul3A_2, %add3A_3 : i32
    %jit3A = arith.constant 512 : i32
    %div3A = arith.divsi %add3A_4, %jit3A : i32
    %sign3A = arith.constant 0 : i32
    %sign3A_5 = arith.cmpi sgt, %add3A_4, %sign3A : i32
    %sign3A_6 = arith.extui %sign3A_5 : i1 to i32
    %sign3A_7 = arith.constant 0 : i32
    %sign3A_8 = arith.cmpi slt, %add3A_4, %sign3A_7 : i32
    %sign3A_9 = arith.extui %sign3A_8 : i1 to i32
    %sign3A_10 = arith.subi %sign3A_6, %sign3A_9 : i32
    %sign3A_11 = arith.constant 0 : i32
    %sign3A_12 = arith.cmpi sgt, %jit3A, %sign3A_11 : i32
    %sign3A_13 = arith.extui %sign3A_12 : i1 to i32
    %sign3A_14 = arith.constant 0 : i32
    %sign3A_15 = arith.cmpi slt, %jit3A, %sign3A_14 : i32
    %sign3A_16 = arith.extui %sign3A_15 : i1 to i32
    %sign3A_17 = arith.subi %sign3A_13, %sign3A_16 : i32
    %ne3A = arith.cmpi ne, %sign3A_10, %sign3A_17 : i32
    %rem3A = arith.remsi %add3A_4, %jit3A : i32
    %ne3A_18 = arith.constant 0 : i32
    %ne3A_19 = arith.cmpi ne, %rem3A, %ne3A_18 : i32
    %and3A = arith.andi %ne3A, %ne3A_19 : i1
    %sub3A = arith.constant 1 : i32
    %sub3A_20 = arith.subi %div3A, %sub3A : i32
    %select_n3A = arith.select %and3A, %sub3A_20, %div3A : i32
    %jit3A_21 = arith.constant 512 : i32
    %eq3A = arith.constant 0 : i32
    %eq3A_22 = arith.cmpi eq, %jit3A_21, %eq3A : i32
    %jit3A_23 = arith.constant 1 : i32
    %select_n3A_24 = arith.select %eq3A_22, %jit3A_23, %jit3A_21 : i32
    %rem3A_25 = arith.remsi %add3A_4, %select_n3A_24 : i32
    %ne3A_26 = arith.constant 0 : i32
    %ne3A_27 = arith.cmpi ne, %rem3A_25, %ne3A_26 : i32
    %lt3A = arith.constant 0 : i32
    %lt3A_28 = arith.cmpi slt, %rem3A_25, %lt3A : i32
    %lt3A_29 = arith.constant 0 : i32
    %lt3A_30 = arith.cmpi slt, %select_n3A_24, %lt3A_29 : i32
    %ne3A_31 = arith.xori %lt3A_28, %lt3A_30 : i1
    %and3A_32 = arith.andi %ne3A_31, %ne3A_27 : i1
    %add3A_33 = arith.addi %rem3A_25, %select_n3A_24 : i32
    %select_n3A_34 = arith.select %and3A_32, %add3A_33, %rem3A_25 : i32
    %mul3A_35 = arith.constant 4 : i32
    %mul3A_36 = arith.muli %select_n3A, %mul3A_35 : i32
    %add3A_37 = arith.constant 0 : i32
    %add3A_38 = arith.addi %mul3A_36, %add3A_37 : i32
    %dma_start3A = arith.constant 0 : i32
    %dma_start3A_39 = tpu.memref_slice %arg2[%add3A_38, %select_n3A_34, %dma_start3A] : memref<32x512x512xf32, #tpu.memory_space<hbm>> -> memref<1x16x512xf32, #tpu.memory_space<hbm>>
    %dma_start3A_40 = tpu.memref_squeeze %dma_start3A_39 : memref<1x16x512xf32, #tpu.memory_space<hbm>> -> memref<16x512xf32, #tpu.memory_space<hbm>>
    %dma_start3A_41 = arith.constant 0 : i32
    %dma_start3A_42 = tpu.memref_slice %arg2[%add3A_38, %select_n3A_34, %dma_start3A_41] : memref<32x512x512xf32, #tpu.memory_space<hbm>> -> memref<1x16x512xf32, #tpu.memory_space<hbm>>
    %dma_start3A_43 = tpu.memref_squeeze %dma_start3A_42 : memref<1x16x512xf32, #tpu.memory_space<hbm>> -> memref<16x512xf32, #tpu.memory_space<hbm>>
    tpu.enqueue_dma source(%dma_start3A_43 : memref<16x512xf32, #tpu.memory_space<hbm>>) target(%arg5 : memref<16x512xf32, #tpu.memory_space<vmem>>) target_semaphore(%arg20 : memref<!tpu.dma_semaphore, #tpu.memory_space<semaphore_mem>>)
    %mul3A_44 = arith.constant 4 : i32
    %mul3A_45 = arith.muli %select_n3A, %mul3A_44 : i32
    %add3A_46 = arith.constant 1 : i32
    %add3A_47 = arith.addi %mul3A_45, %add3A_46 : i32
    %dma_start3A_48 = arith.constant 0 : i32
    %dma_start3A_49 = tpu.memref_slice %arg2[%add3A_47, %select_n3A_34, %dma_start3A_48] : memref<32x512x512xf32, #tpu.memory_space<hbm>> -> memref<1x16x512xf32, #tpu.memory_space<hbm>>
    %dma_start3A_50 = tpu.memref_squeeze %dma_start3A_49 : memref<1x16x512xf32, #tpu.memory_space<hbm>> -> memref<16x512xf32, #tpu.memory_space<hbm>>
    %dma_start3A_51 = arith.constant 0 : i32
    %dma_start3A_52 = tpu.memref_slice %arg2[%add3A_47, %select_n3A_34, %dma_start3A_51] : memref<32x512x512xf32, #tpu.memory_space<hbm>> -> memref<1x16x512xf32, #tpu.memory_space<hbm>>
    %dma_start3A_53 = tpu.memref_squeeze %dma_start3A_52 : memref<1x16x512xf32, #tpu.memory_space<hbm>> -> memref<16x512xf32, #tpu.memory_space<hbm>>
    tpu.enqueue_dma source(%dma_start3A_53 : memref<16x512xf32, #tpu.memory_space<hbm>>) target(%arg6 : memref<16x512xf32, #tpu.memory_space<vmem>>) target_semaphore(%arg20 : memref<!tpu.dma_semaphore, #tpu.memory_space<semaphore_mem>>)
    %mul3A_54 = arith.constant 4 : i32
    %mul3A_55 = arith.muli %select_n3A, %mul3A_54 : i32
    %add3A_56 = arith.constant 2 : i32
    %add3A_57 = arith.addi %mul3A_55, %add3A_56 : i32
    %dma_start3A_58 = arith.constant 0 : i32
    %dma_start3A_59 = tpu.memref_slice %arg2[%add3A_57, %select_n3A_34, %dma_start3A_58] : memref<32x512x512xf32, #tpu.memory_space<hbm>> -> memref<1x16x512xf32, #tpu.memory_space<hbm>>
    %dma_start3A_60 = tpu.memref_squeeze %dma_start3A_59 : memref<1x16x512xf32, #tpu.memory_space<hbm>> -> memref<16x512xf32, #tpu.memory_space<hbm>>
    %dma_start3A_61 = arith.constant 0 : i32
    %dma_start3A_62 = tpu.memref_slice %arg2[%add3A_57, %select_n3A_34, %dma_start3A_61] : memref<32x512x512xf32, #tpu.memory_space<hbm>> -> memref<1x16x512xf32, #tpu.memory_space<hbm>>
    %dma_start3A_63 = tpu.memref_squeeze %dma_start3A_62 : memref<1x16x512xf32, #tpu.memory_space<hbm>> -> memref<16x512xf32, #tpu.memory_space<hbm>>
    tpu.enqueue_dma source(%dma_start3A_63 : memref<16x512xf32, #tpu.memory_space<hbm>>) target(%arg7 : memref<16x512xf32, #tpu.memory_space<vmem>>) target_semaphore(%arg20 : memref<!tpu.dma_semaphore, #tpu.memory_space<semaphore_mem>>)
    %mul3A_64 = arith.constant 4 : i32
    %mul3A_65 = arith.muli %select_n3A, %mul3A_64 : i32
    %add3A_66 = arith.constant 3 : i32
    %add3A_67 = arith.addi %mul3A_65, %add3A_66 : i32
    %dma_start3A_68 = arith.constant 0 : i32
    %dma_start3A_69 = tpu.memref_slice %arg2[%add3A_67, %select_n3A_34, %dma_start3A_68] : memref<32x512x512xf32, #tpu.memory_space<hbm>> -> memref<1x16x512xf32, #tpu.memory_space<hbm>>
    %dma_start3A_70 = tpu.memref_squeeze %dma_start3A_69 : memref<1x16x512xf32, #tpu.memory_space<hbm>> -> memref<16x512xf32, #tpu.memory_space<hbm>>
    %dma_start3A_71 = arith.constant 0 : i32
    %dma_start3A_72 = tpu.memref_slice %arg2[%add3A_67, %select_n3A_34, %dma_start3A_71] : memref<32x512x512xf32, #tpu.memory_space<hbm>> -> memref<1x16x512xf32, #tpu.memory_space<hbm>>
    %dma_start3A_73 = tpu.memref_squeeze %dma_start3A_72 : memref<1x16x512xf32, #tpu.memory_space<hbm>> -> memref<16x512xf32, #tpu.memory_space<hbm>>
    tpu.enqueue_dma source(%dma_start3A_73 : memref<16x512xf32, #tpu.memory_space<hbm>>) target(%arg8 : memref<16x512xf32, #tpu.memory_space<vmem>>) target_semaphore(%arg20 : memref<!tpu.dma_semaphore, #tpu.memory_space<semaphore_mem>>)
    %mul3A_74 = arith.constant 4 : i32
    %mul3A_75 = arith.muli %select_n3A, %mul3A_74 : i32
    %add3A_76 = arith.constant 1 : i32
    %add3A_77 = arith.addi %mul3A_75, %add3A_76 : i32
    %dma_start3A_78 = arith.constant 0 : i32
    %dma_start3A_79 = tpu.memref_slice %arg3[%add3A_77, %select_n3A_34, %dma_start3A_78] : memref<32x512x512xi32, #tpu.memory_space<hbm>> -> memref<1x16x512xi32, #tpu.memory_space<hbm>>
    %dma_start3A_80 = tpu.memref_squeeze %dma_start3A_79 : memref<1x16x512xi32, #tpu.memory_space<hbm>> -> memref<16x512xi32, #tpu.memory_space<hbm>>
    %dma_start3A_81 = arith.constant 0 : i32
    %dma_start3A_82 = tpu.memref_slice %arg3[%add3A_77, %select_n3A_34, %dma_start3A_81] : memref<32x512x512xi32, #tpu.memory_space<hbm>> -> memref<1x16x512xi32, #tpu.memory_space<hbm>>
    %dma_start3A_83 = tpu.memref_squeeze %dma_start3A_82 : memref<1x16x512xi32, #tpu.memory_space<hbm>> -> memref<16x512xi32, #tpu.memory_space<hbm>>
    tpu.enqueue_dma source(%dma_start3A_83 : memref<16x512xi32, #tpu.memory_space<hbm>>) target(%arg13 : memref<16x512xi32, #tpu.memory_space<vmem>>) target_semaphore(%arg20 : memref<!tpu.dma_semaphore, #tpu.memory_space<semaphore_mem>>)
    %mul3A_84 = arith.constant 4 : i32
    %mul3A_85 = arith.muli %select_n3A, %mul3A_84 : i32
    %add3A_86 = arith.constant 2 : i32
    %add3A_87 = arith.addi %mul3A_85, %add3A_86 : i32
    %dma_start3A_88 = arith.constant 0 : i32
    %dma_start3A_89 = tpu.memref_slice %arg3[%add3A_87, %select_n3A_34, %dma_start3A_88] : memref<32x512x512xi32, #tpu.memory_space<hbm>> -> memref<1x16x512xi32, #tpu.memory_space<hbm>>
    %dma_start3A_90 = tpu.memref_squeeze %dma_start3A_89 : memref<1x16x512xi32, #tpu.memory_space<hbm>> -> memref<16x512xi32, #tpu.memory_space<hbm>>
    %dma_start3A_91 = arith.constant 0 : i32
    %dma_start3A_92 = tpu.memref_slice %arg3[%add3A_87, %select_n3A_34, %dma_start3A_91] : memref<32x512x512xi32, #tpu.memory_space<hbm>> -> memref<1x16x512xi32, #tpu.memory_space<hbm>>
    %dma_start3A_93 = tpu.memref_squeeze %dma_start3A_92 : memref<1x16x512xi32, #tpu.memory_space<hbm>> -> memref<16x512xi32, #tpu.memory_space<hbm>>
    tpu.enqueue_dma source(%dma_start3A_93 : memref<16x512xi32, #tpu.memory_space<hbm>>) target(%arg14 : memref<16x512xi32, #tpu.memory_space<vmem>>) target_semaphore(%arg20 : memref<!tpu.dma_semaphore, #tpu.memory_space<semaphore_mem>>)
    %mul3A_94 = arith.constant 4 : i32
    %mul3A_95 = arith.muli %select_n3A, %mul3A_94 : i32
    %add3A_96 = arith.constant 3 : i32
    %add3A_97 = arith.addi %mul3A_95, %add3A_96 : i32
    %dma_start3A_98 = arith.constant 0 : i32
    %dma_start3A_99 = tpu.memref_slice %arg3[%add3A_97, %select_n3A_34, %dma_start3A_98] : memref<32x512x512xi32, #tpu.memory_space<hbm>> -> memref<1x16x512xi32, #tpu.memory_space<hbm>>
    %dma_start3A_100 = tpu.memref_squeeze %dma_start3A_99 : memref<1x16x512xi32, #tpu.memory_space<hbm>> -> memref<16x512xi32, #tpu.memory_space<hbm>>
    %dma_start3A_101 = arith.constant 0 : i32
    %dma_start3A_102 = tpu.memref_slice %arg3[%add3A_97, %select_n3A_34, %dma_start3A_101] : memref<32x512x512xi32, #tpu.memory_space<hbm>> -> memref<1x16x512xi32, #tpu.memory_space<hbm>>
    %dma_start3A_103 = tpu.memref_squeeze %dma_start3A_102 : memref<1x16x512xi32, #tpu.memory_space<hbm>> -> memref<16x512xi32, #tpu.memory_space<hbm>>
    tpu.enqueue_dma source(%dma_start3A_103 : memref<16x512xi32, #tpu.memory_space<hbm>>) target(%arg15 : memref<16x512xi32, #tpu.memory_space<vmem>>) target_semaphore(%arg20 : memref<!tpu.dma_semaphore, #tpu.memory_space<semaphore_mem>>)
    %broadcast_in_dim3A = arith.constant 0.000000e+00 : f32
    %broadcast_in_dim3A_104 = vector.broadcast %broadcast_in_dim3A : f32 to vector<16xf32>
    %broadcast_in_dim3A_105 = arith.constant 0.000000e+00 : f32
    %broadcast_in_dim3A_106 = vector.broadcast %broadcast_in_dim3A_105 : f32 to vector<16xf32>
    %mul3A_107 = arith.constant 48 : i32
    %mul3A_108 = arith.muli %add3A, %mul3A_107 : i32
    %add3A_109 = arith.constant 16 : i32
    %add3A_110 = arith.addi %mul3A_108, %add3A_109 : i32
    %jit3A_111 = arith.constant 512 : i32
    %div3A_112 = arith.divsi %add3A_110, %jit3A_111 : i32
    %sign3A_113 = arith.constant 0 : i32
    %sign3A_114 = arith.cmpi sgt, %add3A_110, %sign3A_113 : i32
    %sign3A_115 = arith.extui %sign3A_114 : i1 to i32
    %sign3A_116 = arith.constant 0 : i32
    %sign3A_117 = arith.cmpi slt, %add3A_110, %sign3A_116 : i32
    %sign3A_118 = arith.extui %sign3A_117 : i1 to i32
    %sign3A_119 = arith.subi %sign3A_115, %sign3A_118 : i32
    %sign3A_120 = arith.constant 0 : i32
    %sign3A_121 = arith.cmpi sgt, %jit3A_111, %sign3A_120 : i32
    %sign3A_122 = arith.extui %sign3A_121 : i1 to i32
    %sign3A_123 = arith.constant 0 : i32
    %sign3A_124 = arith.cmpi slt, %jit3A_111, %sign3A_123 : i32
    %sign3A_125 = arith.extui %sign3A_124 : i1 to i32
    %sign3A_126 = arith.subi %sign3A_122, %sign3A_125 : i32
    %ne3A_127 = arith.cmpi ne, %sign3A_119, %sign3A_126 : i32
    %rem3A_128 = arith.remsi %add3A_110, %jit3A_111 : i32
    %ne3A_129 = arith.constant 0 : i32
    %ne3A_130 = arith.cmpi ne, %rem3A_128, %ne3A_129 : i32
    %and3A_131 = arith.andi %ne3A_127, %ne3A_130 : i1
    %sub3A_132 = arith.constant 1 : i32
    %sub3A_133 = arith.subi %div3A_112, %sub3A_132 : i32
    %select_n3A_134 = arith.select %and3A_131, %sub3A_133, %div3A_112 : i32
    %jit3A_135 = arith.constant 512 : i32
    %eq3A_136 = arith.constant 0 : i32
    %eq3A_137 = arith.cmpi eq, %jit3A_135, %eq3A_136 : i32
    %jit3A_138 = arith.constant 1 : i32
    %select_n3A_139 = arith.select %eq3A_137, %jit3A_138, %jit3A_135 : i32
    %rem3A_140 = arith.remsi %add3A_110, %select_n3A_139 : i32
    %ne3A_141 = arith.constant 0 : i32
    %ne3A_142 = arith.cmpi ne, %rem3A_140, %ne3A_141 : i32
    %lt3A_143 = arith.constant 0 : i32
    %lt3A_144 = arith.cmpi slt, %rem3A_140, %lt3A_143 : i32
    %lt3A_145 = arith.constant 0 : i32
    %lt3A_146 = arith.cmpi slt, %select_n3A_139, %lt3A_145 : i32
    %ne3A_147 = arith.xori %lt3A_144, %lt3A_146 : i1
    %and3A_148 = arith.andi %ne3A_147, %ne3A_142 : i1
    %add3A_149 = arith.addi %rem3A_140, %select_n3A_139 : i32
    %select_n3A_150 = arith.select %and3A_148, %add3A_149, %rem3A_140 : i32
    %mul3A_151 = arith.constant 4 : i32
    %mul3A_152 = arith.muli %select_n3A_134, %mul3A_151 : i32
    %add3A_153 = arith.constant 0 : i32
    %add3A_154 = arith.addi %mul3A_152, %add3A_153 : i32
    %dma_start3A_155 = arith.constant 0 : i32
    %dma_start3A_156 = tpu.memref_slice %arg2[%add3A_154, %select_n3A_150, %dma_start3A_155] : memref<32x512x512xf32, #tpu.memory_space<hbm>> -> memref<1x16x512xf32, #tpu.memory_space<hbm>>
    %dma_start3A_157 = tpu.memref_squeeze %dma_start3A_156 : memref<1x16x512xf32, #tpu.memory_space<hbm>> -> memref<16x512xf32, #tpu.memory_space<hbm>>
    %dma_start3A_158 = arith.constant 0 : i32
    %dma_start3A_159 = tpu.memref_slice %arg2[%add3A_154, %select_n3A_150, %dma_start3A_158] : memref<32x512x512xf32, #tpu.memory_space<hbm>> -> memref<1x16x512xf32, #tpu.memory_space<hbm>>
    %dma_start3A_160 = tpu.memref_squeeze %dma_start3A_159 : memref<1x16x512xf32, #tpu.memory_space<hbm>> -> memref<16x512xf32, #tpu.memory_space<hbm>>
    tpu.enqueue_dma source(%dma_start3A_160 : memref<16x512xf32, #tpu.memory_space<hbm>>) target(%arg9 : memref<16x512xf32, #tpu.memory_space<vmem>>) target_semaphore(%arg21 : memref<!tpu.dma_semaphore, #tpu.memory_space<semaphore_mem>>)
    %mul3A_161 = arith.constant 4 : i32
    %mul3A_162 = arith.muli %select_n3A_134, %mul3A_161 : i32
    %add3A_163 = arith.constant 1 : i32
    %add3A_164 = arith.addi %mul3A_162, %add3A_163 : i32
    %dma_start3A_165 = arith.constant 0 : i32
    %dma_start3A_166 = tpu.memref_slice %arg2[%add3A_164, %select_n3A_150, %dma_start3A_165] : memref<32x512x512xf32, #tpu.memory_space<hbm>> -> memref<1x16x512xf32, #tpu.memory_space<hbm>>
    %dma_start3A_167 = tpu.memref_squeeze %dma_start3A_166 : memref<1x16x512xf32, #tpu.memory_space<hbm>> -> memref<16x512xf32, #tpu.memory_space<hbm>>
    %dma_start3A_168 = arith.constant 0 : i32
    %dma_start3A_169 = tpu.memref_slice %arg2[%add3A_164, %select_n3A_150, %dma_start3A_168] : memref<32x512x512xf32, #tpu.memory_space<hbm>> -> memref<1x16x512xf32, #tpu.memory_space<hbm>>
    %dma_start3A_170 = tpu.memref_squeeze %dma_start3A_169 : memref<1x16x512xf32, #tpu.memory_space<hbm>> -> memref<16x512xf32, #tpu.memory_space<hbm>>
    tpu.enqueue_dma source(%dma_start3A_170 : memref<16x512xf32, #tpu.memory_space<hbm>>) target(%arg10 : memref<16x512xf32, #tpu.memory_space<vmem>>) target_semaphore(%arg21 : memref<!tpu.dma_semaphore, #tpu.memory_space<semaphore_mem>>)
    %mul3A_171 = arith.constant 4 : i32
    %mul3A_172 = arith.muli %select_n3A_134, %mul3A_171 : i32
    %add3A_173 = arith.constant 2 : i32
    %add3A_174 = arith.addi %mul3A_172, %add3A_173 : i32
    %dma_start3A_175 = arith.constant 0 : i32
    %dma_start3A_176 = tpu.memref_slice %arg2[%add3A_174, %select_n3A_150, %dma_start3A_175] : memref<32x512x512xf32, #tpu.memory_space<hbm>> -> memref<1x16x512xf32, #tpu.memory_space<hbm>>
    %dma_start3A_177 = tpu.memref_squeeze %dma_start3A_176 : memref<1x16x512xf32, #tpu.memory_space<hbm>> -> memref<16x512xf32, #tpu.memory_space<hbm>>
    %dma_start3A_178 = arith.constant 0 : i32
    %dma_start3A_179 = tpu.memref_slice %arg2[%add3A_174, %select_n3A_150, %dma_start3A_178] : memref<32x512x512xf32, #tpu.memory_space<hbm>> -> memref<1x16x512xf32, #tpu.memory_space<hbm>>
    %dma_start3A_180 = tpu.memref_squeeze %dma_start3A_179 : memref<1x16x512xf32, #tpu.memory_space<hbm>> -> memref<16x512xf32, #tpu.memory_space<hbm>>
    tpu.enqueue_dma source(%dma_start3A_180 : memref<16x512xf32, #tpu.memory_space<hbm>>) target(%arg11 : memref<16x512xf32, #tpu.memory_space<vmem>>) target_semaphore(%arg21 : memref<!tpu.dma_semaphore, #tpu.memory_space<semaphore_mem>>)
    %mul3A_181 = arith.constant 4 : i32
    %mul3A_182 = arith.muli %select_n3A_134, %mul3A_181 : i32
    %add3A_183 = arith.constant 3 : i32
    %add3A_184 = arith.addi %mul3A_182, %add3A_183 : i32
    %dma_start3A_185 = arith.constant 0 : i32
    %dma_start3A_186 = tpu.memref_slice %arg2[%add3A_184, %select_n3A_150, %dma_start3A_185] : memref<32x512x512xf32, #tpu.memory_space<hbm>> -> memref<1x16x512xf32, #tpu.memory_space<hbm>>
    %dma_start3A_187 = tpu.memref_squeeze %dma_start3A_186 : memref<1x16x512xf32, #tpu.memory_space<hbm>> -> memref<16x512xf32, #tpu.memory_space<hbm>>
    %dma_start3A_188 = arith.constant 0 : i32
    %dma_start3A_189 = tpu.memref_slice %arg2[%add3A_184, %select_n3A_150, %dma_start3A_188] : memref<32x512x512xf32, #tpu.memory_space<hbm>> -> memref<1x16x512xf32, #tpu.memory_space<hbm>>
    %dma_start3A_190 = tpu.memref_squeeze %dma_start3A_189 : memref<1x16x512xf32, #tpu.memory_space<hbm>> -> memref<16x512xf32, #tpu.memory_space<hbm>>
    tpu.enqueue_dma source(%dma_start3A_190 : memref<16x512xf32, #tpu.memory_space<hbm>>) target(%arg12 : memref<16x512xf32, #tpu.memory_space<vmem>>) target_semaphore(%arg21 : memref<!tpu.dma_semaphore, #tpu.memory_space<semaphore_mem>>)
    %mul3A_191 = arith.constant 4 : i32
    %mul3A_192 = arith.muli %select_n3A_134, %mul3A_191 : i32
    %add3A_193 = arith.constant 1 : i32
    %add3A_194 = arith.addi %mul3A_192, %add3A_193 : i32
    %dma_start3A_195 = arith.constant 0 : i32
    %dma_start3A_196 = tpu.memref_slice %arg3[%add3A_194, %select_n3A_150, %dma_start3A_195] : memref<32x512x512xi32, #tpu.memory_space<hbm>> -> memref<1x16x512xi32, #tpu.memory_space<hbm>>
    %dma_start3A_197 = tpu.memref_squeeze %dma_start3A_196 : memref<1x16x512xi32, #tpu.memory_space<hbm>> -> memref<16x512xi32, #tpu.memory_space<hbm>>
    %dma_start3A_198 = arith.constant 0 : i32
    %dma_start3A_199 = tpu.memref_slice %arg3[%add3A_194, %select_n3A_150, %dma_start3A_198] : memref<32x512x512xi32, #tpu.memory_space<hbm>> -> memref<1x16x512xi32, #tpu.memory_space<hbm>>
    %dma_start3A_200 = tpu.memref_squeeze %dma_start3A_199 : memref<1x16x512xi32, #tpu.memory_space<hbm>> -> memref<16x512xi32, #tpu.memory_space<hbm>>
    tpu.enqueue_dma source(%dma_start3A_200 : memref<16x512xi32, #tpu.memory_space<hbm>>) target(%arg16 : memref<16x512xi32, #tpu.memory_space<vmem>>) target_semaphore(%arg21 : memref<!tpu.dma_semaphore, #tpu.memory_space<semaphore_mem>>)
    %mul3A_201 = arith.constant 4 : i32
    %mul3A_202 = arith.muli %select_n3A_134, %mul3A_201 : i32
    %add3A_203 = arith.constant 2 : i32
    %add3A_204 = arith.addi %mul3A_202, %add3A_203 : i32
    %dma_start3A_205 = arith.constant 0 : i32
    %dma_start3A_206 = tpu.memref_slice %arg3[%add3A_204, %select_n3A_150, %dma_start3A_205] : memref<32x512x512xi32, #tpu.memory_space<hbm>> -> memref<1x16x512xi32, #tpu.memory_space<hbm>>
    %dma_start3A_207 = tpu.memref_squeeze %dma_start3A_206 : memref<1x16x512xi32, #tpu.memory_space<hbm>> -> memref<16x512xi32, #tpu.memory_space<hbm>>
    %dma_start3A_208 = arith.constant 0 : i32
    %dma_start3A_209 = tpu.memref_slice %arg3[%add3A_204, %select_n3A_150, %dma_start3A_208] : memref<32x512x512xi32, #tpu.memory_space<hbm>> -> memref<1x16x512xi32, #tpu.memory_space<hbm>>
    %dma_start3A_210 = tpu.memref_squeeze %dma_start3A_209 : memref<1x16x512xi32, #tpu.memory_space<hbm>> -> memref<16x512xi32, #tpu.memory_space<hbm>>
    tpu.enqueue_dma source(%dma_start3A_210 : memref<16x512xi32, #tpu.memory_space<hbm>>) target(%arg17 : memref<16x512xi32, #tpu.memory_space<vmem>>) target_semaphore(%arg21 : memref<!tpu.dma_semaphore, #tpu.memory_space<semaphore_mem>>)
    %mul3A_211 = arith.constant 4 : i32
    %mul3A_212 = arith.muli %select_n3A_134, %mul3A_211 : i32
    %add3A_213 = arith.constant 3 : i32
    %add3A_214 = arith.addi %mul3A_212, %add3A_213 : i32
    %dma_start3A_215 = arith.constant 0 : i32
    %dma_start3A_216 = tpu.memref_slice %arg3[%add3A_214, %select_n3A_150, %dma_start3A_215] : memref<32x512x512xi32, #tpu.memory_space<hbm>> -> memref<1x16x512xi32, #tpu.memory_space<hbm>>
    %dma_start3A_217 = tpu.memref_squeeze %dma_start3A_216 : memref<1x16x512xi32, #tpu.memory_space<hbm>> -> memref<16x512xi32, #tpu.memory_space<hbm>>
    %dma_start3A_218 = arith.constant 0 : i32
    %dma_start3A_219 = tpu.memref_slice %arg3[%add3A_214, %select_n3A_150, %dma_start3A_218] : memref<32x512x512xi32, #tpu.memory_space<hbm>> -> memref<1x16x512xi32, #tpu.memory_space<hbm>>
    %dma_start3A_220 = tpu.memref_squeeze %dma_start3A_219 : memref<1x16x512xi32, #tpu.memory_space<hbm>> -> memref<16x512xi32, #tpu.memory_space<hbm>>
    tpu.enqueue_dma source(%dma_start3A_220 : memref<16x512xi32, #tpu.memory_space<hbm>>) target(%arg18 : memref<16x512xi32, #tpu.memory_space<vmem>>) target_semaphore(%arg21 : memref<!tpu.dma_semaphore, #tpu.memory_space<semaphore_mem>>)
    %dma_wait3A = arith.constant 0 : i32
    %dma_wait3A_221 = tpu.memref_slice %arg2[%add3A_38, %select_n3A_34, %dma_wait3A] : memref<32x512x512xf32, #tpu.memory_space<hbm>> -> memref<1x16x512xf32, #tpu.memory_space<hbm>>
    %dma_wait3A_222 = tpu.memref_squeeze %dma_wait3A_221 : memref<1x16x512xf32, #tpu.memory_space<hbm>> -> memref<16x512xf32, #tpu.memory_space<hbm>>
    %dma_wait3A_223 = arith.constant 0 : i32
    %dma_wait3A_224 = tpu.memref_slice %arg2[%add3A_38, %select_n3A_34, %dma_wait3A_223] : memref<32x512x512xf32, #tpu.memory_space<hbm>> -> memref<1x16x512xf32, #tpu.memory_space<hbm>>
    %dma_wait3A_225 = tpu.memref_squeeze %dma_wait3A_224 : memref<1x16x512xf32, #tpu.memory_space<hbm>> -> memref<16x512xf32, #tpu.memory_space<hbm>>
    tpu.wait_dma2 semaphore(%arg20 : memref<!tpu.dma_semaphore, #tpu.memory_space<semaphore_mem>>) src(%dma_wait3A_225 : memref<16x512xf32, #tpu.memory_space<hbm>>) dst(%arg5 : memref<16x512xf32, #tpu.memory_space<vmem>>)
    %dma_wait3A_226 = arith.constant 0 : i32
    %dma_wait3A_227 = tpu.memref_slice %arg2[%add3A_47, %select_n3A_34, %dma_wait3A_226] : memref<32x512x512xf32, #tpu.memory_space<hbm>> -> memref<1x16x512xf32, #tpu.memory_space<hbm>>
    %dma_wait3A_228 = tpu.memref_squeeze %dma_wait3A_227 : memref<1x16x512xf32, #tpu.memory_space<hbm>> -> memref<16x512xf32, #tpu.memory_space<hbm>>
    %dma_wait3A_229 = arith.constant 0 : i32
    %dma_wait3A_230 = tpu.memref_slice %arg2[%add3A_47, %select_n3A_34, %dma_wait3A_229] : memref<32x512x512xf32, #tpu.memory_space<hbm>> -> memref<1x16x512xf32, #tpu.memory_space<hbm>>
    %dma_wait3A_231 = tpu.memref_squeeze %dma_wait3A_230 : memref<1x16x512xf32, #tpu.memory_space<hbm>> -> memref<16x512xf32, #tpu.memory_space<hbm>>
    tpu.wait_dma2 semaphore(%arg20 : memref<!tpu.dma_semaphore, #tpu.memory_space<semaphore_mem>>) src(%dma_wait3A_231 : memref<16x512xf32, #tpu.memory_space<hbm>>) dst(%arg6 : memref<16x512xf32, #tpu.memory_space<vmem>>)
    %dma_wait3A_232 = arith.constant 0 : i32
    %dma_wait3A_233 = tpu.memref_slice %arg2[%add3A_57, %select_n3A_34, %dma_wait3A_232] : memref<32x512x512xf32, #tpu.memory_space<hbm>> -> memref<1x16x512xf32, #tpu.memory_space<hbm>>
    %dma_wait3A_234 = tpu.memref_squeeze %dma_wait3A_233 : memref<1x16x512xf32, #tpu.memory_space<hbm>> -> memref<16x512xf32, #tpu.memory_space<hbm>>
    %dma_wait3A_235 = arith.constant 0 : i32
    %dma_wait3A_236 = tpu.memref_slice %arg2[%add3A_57, %select_n3A_34, %dma_wait3A_235] : memref<32x512x512xf32, #tpu.memory_space<hbm>> -> memref<1x16x512xf32, #tpu.memory_space<hbm>>
    %dma_wait3A_237 = tpu.memref_squeeze %dma_wait3A_236 : memref<1x16x512xf32, #tpu.memory_space<hbm>> -> memref<16x512xf32, #tpu.memory_space<hbm>>
    tpu.wait_dma2 semaphore(%arg20 : memref<!tpu.dma_semaphore, #tpu.memory_space<semaphore_mem>>) src(%dma_wait3A_237 : memref<16x512xf32, #tpu.memory_space<hbm>>) dst(%arg7 : memref<16x512xf32, #tpu.memory_space<vmem>>)
    %dma_wait3A_238 = arith.constant 0 : i32
    %dma_wait3A_239 = tpu.memref_slice %arg2[%add3A_67, %select_n3A_34, %dma_wait3A_238] : memref<32x512x512xf32, #tpu.memory_space<hbm>> -> memref<1x16x512xf32, #tpu.memory_space<hbm>>
    %dma_wait3A_240 = tpu.memref_squeeze %dma_wait3A_239 : memref<1x16x512xf32, #tpu.memory_space<hbm>> -> memref<16x512xf32, #tpu.memory_space<hbm>>
    %dma_wait3A_241 = arith.constant 0 : i32
    %dma_wait3A_242 = tpu.memref_slice %arg2[%add3A_67, %select_n3A_34, %dma_wait3A_241] : memref<32x512x512xf32, #tpu.memory_space<hbm>> -> memref<1x16x512xf32, #tpu.memory_space<hbm>>
    %dma_wait3A_243 = tpu.memref_squeeze %dma_wait3A_242 : memref<1x16x512xf32, #tpu.memory_space<hbm>> -> memref<16x512xf32, #tpu.memory_space<hbm>>
    tpu.wait_dma2 semaphore(%arg20 : memref<!tpu.dma_semaphore, #tpu.memory_space<semaphore_mem>>) src(%dma_wait3A_243 : memref<16x512xf32, #tpu.memory_space<hbm>>) dst(%arg8 : memref<16x512xf32, #tpu.memory_space<vmem>>)
    %dma_wait3A_244 = arith.constant 0 : i32
    %dma_wait3A_245 = tpu.memref_slice %arg3[%add3A_77, %select_n3A_34, %dma_wait3A_244] : memref<32x512x512xi32, #tpu.memory_space<hbm>> -> memref<1x16x512xi32, #tpu.memory_space<hbm>>
    %dma_wait3A_246 = tpu.memref_squeeze %dma_wait3A_245 : memref<1x16x512xi32, #tpu.memory_space<hbm>> -> memref<16x512xi32, #tpu.memory_space<hbm>>
    %dma_wait3A_247 = arith.constant 0 : i32
    %dma_wait3A_248 = tpu.memref_slice %arg3[%add3A_77, %select_n3A_34, %dma_wait3A_247] : memref<32x512x512xi32, #tpu.memory_space<hbm>> -> memref<1x16x512xi32, #tpu.memory_space<hbm>>
    %dma_wait3A_249 = tpu.memref_squeeze %dma_wait3A_248 : memref<1x16x512xi32, #tpu.memory_space<hbm>> -> memref<16x512xi32, #tpu.memory_space<hbm>>
    tpu.wait_dma2 semaphore(%arg20 : memref<!tpu.dma_semaphore, #tpu.memory_space<semaphore_mem>>) src(%dma_wait3A_249 : memref<16x512xi32, #tpu.memory_space<hbm>>) dst(%arg13 : memref<16x512xi32, #tpu.memory_space<vmem>>)
    %dma_wait3A_250 = arith.constant 0 : i32
    %dma_wait3A_251 = tpu.memref_slice %arg3[%add3A_87, %select_n3A_34, %dma_wait3A_250] : memref<32x512x512xi32, #tpu.memory_space<hbm>> -> memref<1x16x512xi32, #tpu.memory_space<hbm>>
    %dma_wait3A_252 = tpu.memref_squeeze %dma_wait3A_251 : memref<1x16x512xi32, #tpu.memory_space<hbm>> -> memref<16x512xi32, #tpu.memory_space<hbm>>
    %dma_wait3A_253 = arith.constant 0 : i32
    %dma_wait3A_254 = tpu.memref_slice %arg3[%add3A_87, %select_n3A_34, %dma_wait3A_253] : memref<32x512x512xi32, #tpu.memory_space<hbm>> -> memref<1x16x512xi32, #tpu.memory_space<hbm>>
    %dma_wait3A_255 = tpu.memref_squeeze %dma_wait3A_254 : memref<1x16x512xi32, #tpu.memory_space<hbm>> -> memref<16x512xi32, #tpu.memory_space<hbm>>
    tpu.wait_dma2 semaphore(%arg20 : memref<!tpu.dma_semaphore, #tpu.memory_space<semaphore_mem>>) src(%dma_wait3A_255 : memref<16x512xi32, #tpu.memory_space<hbm>>) dst(%arg14 : memref<16x512xi32, #tpu.memory_space<vmem>>)
    %dma_wait3A_256 = arith.constant 0 : i32
    %dma_wait3A_257 = tpu.memref_slice %arg3[%add3A_97, %select_n3A_34, %dma_wait3A_256] : memref<32x512x512xi32, #tpu.memory_space<hbm>> -> memref<1x16x512xi32, #tpu.memory_space<hbm>>
    %dma_wait3A_258 = tpu.memref_squeeze %dma_wait3A_257 : memref<1x16x512xi32, #tpu.memory_space<hbm>> -> memref<16x512xi32, #tpu.memory_space<hbm>>
    %dma_wait3A_259 = arith.constant 0 : i32
    %dma_wait3A_260 = tpu.memref_slice %arg3[%add3A_97, %select_n3A_34, %dma_wait3A_259] : memref<32x512x512xi32, #tpu.memory_space<hbm>> -> memref<1x16x512xi32, #tpu.memory_space<hbm>>
    %dma_wait3A_261 = tpu.memref_squeeze %dma_wait3A_260 : memref<1x16x512xi32, #tpu.memory_space<hbm>> -> memref<16x512xi32, #tpu.memory_space<hbm>>
    tpu.wait_dma2 semaphore(%arg20 : memref<!tpu.dma_semaphore, #tpu.memory_space<semaphore_mem>>) src(%dma_wait3A_261 : memref<16x512xi32, #tpu.memory_space<hbm>>) dst(%arg15 : memref<16x512xi32, #tpu.memory_space<vmem>>)
    %parallel_loop3A = arith.constant 0 : i32
    %parallel_loop3A_262 = arith.constant 256 : i32
    %parallel_loop3A_263 = arith.constant 1 : i32
    %parallel_loop3A_264:2 = scf.for %parallel_loop3A_477 = %parallel_loop3A to %parallel_loop3A_262 step %parallel_loop3A_263 iter_args(%parallel_loop3A_478 = %broadcast_in_dim3A_104, %parallel_loop3A_479 = %broadcast_in_dim3A_106) -> (vector<16xf32>, vector<16xf32>)  : i32 {
      %parallel_loop3A_480 = arith.constant 4 : i32
      %parallel_loop3A_481 = arith.shrsi %parallel_loop3A_477, %parallel_loop3A_480 : i32
      %parallel_loop3A_482 = arith.constant 15 : i32
      %parallel_loop3A_483 = arith.andi %parallel_loop3A_477, %parallel_loop3A_482 : i32
      %parallel_loop3A_484 = arith.constant 5 : i32
      %parallel_loop3A_485 = arith.shli %parallel_loop3A_483, %parallel_loop3A_484 : i32
      %parallel_loop3A_486 = tpu.assume_multiple %parallel_loop3A_485, 32 : i32
      %parallel_loop3A_487 = arith.index_cast %parallel_loop3A_481 : i32 to index
      %parallel_loop3A_488 = arith.index_cast %parallel_loop3A_486 : i32 to index
      %parallel_loop3A_489 = tpu.vector_load %arg5[%parallel_loop3A_487, %parallel_loop3A_488] {strides = array<i32>} : memref<16x512xf32, #tpu.memory_space<vmem>>, vector<1x16xf32>,
      %parallel_loop3A_490 = vector.shape_cast %parallel_loop3A_489 : vector<1x16xf32> to vector<16xf32>
      %parallel_loop3A_491 = arith.index_cast %parallel_loop3A_481 : i32 to index
      %parallel_loop3A_492 = arith.index_cast %parallel_loop3A_486 : i32 to index
      %parallel_loop3A_493 = tpu.vector_load %arg6[%parallel_loop3A_491, %parallel_loop3A_492] {strides = array<i32>} : memref<16x512xf32, #tpu.memory_space<vmem>>, vector<1x16xf32>,
      %parallel_loop3A_494 = vector.shape_cast %parallel_loop3A_493 : vector<1x16xf32> to vector<16xf32>
      %parallel_loop3A_495 = arith.index_cast %parallel_loop3A_481 : i32 to index
      %parallel_loop3A_496 = arith.index_cast %parallel_loop3A_486 : i32 to index
      %parallel_loop3A_497 = tpu.vector_load %arg7[%parallel_loop3A_495, %parallel_loop3A_496] {strides = array<i32>} : memref<16x512xf32, #tpu.memory_space<vmem>>, vector<1x16xf32>,
      %parallel_loop3A_498 = vector.shape_cast %parallel_loop3A_497 : vector<1x16xf32> to vector<16xf32>
      %parallel_loop3A_499 = arith.index_cast %parallel_loop3A_481 : i32 to index
      %parallel_loop3A_500 = arith.index_cast %parallel_loop3A_486 : i32 to index
      %parallel_loop3A_501 = tpu.vector_load %arg8[%parallel_loop3A_499, %parallel_loop3A_500] {strides = array<i32>} : memref<16x512xf32, #tpu.memory_space<vmem>>, vector<1x16xf32>,
      %parallel_loop3A_502 = vector.shape_cast %parallel_loop3A_501 : vector<1x16xf32> to vector<16xf32>
      %parallel_loop3A_503 = arith.index_cast %parallel_loop3A_481 : i32 to index
      %parallel_loop3A_504 = arith.index_cast %parallel_loop3A_486 : i32 to index
      %parallel_loop3A_505 = tpu.vector_load %arg13[%parallel_loop3A_503, %parallel_loop3A_504] {strides = array<i32>} : memref<16x512xi32, #tpu.memory_space<vmem>>, vector<1x16xi32>,
      %parallel_loop3A_506 = vector.shape_cast %parallel_loop3A_505 : vector<1x16xi32> to vector<16xi32>
      %parallel_loop3A_507 = arith.index_cast %parallel_loop3A_481 : i32 to index
      %parallel_loop3A_508 = arith.index_cast %parallel_loop3A_486 : i32 to index
      %parallel_loop3A_509 = tpu.vector_load %arg14[%parallel_loop3A_507, %parallel_loop3A_508] {strides = array<i32>} : memref<16x512xi32, #tpu.memory_space<vmem>>, vector<1x16xi32>,
      %parallel_loop3A_510 = vector.shape_cast %parallel_loop3A_509 : vector<1x16xi32> to vector<16xi32>
      %parallel_loop3A_511 = arith.index_cast %parallel_loop3A_481 : i32 to index
      %parallel_loop3A_512 = arith.index_cast %parallel_loop3A_486 : i32 to index
      %parallel_loop3A_513 = tpu.vector_load %arg15[%parallel_loop3A_511, %parallel_loop3A_512] {strides = array<i32>} : memref<16x512xi32, #tpu.memory_space<vmem>>, vector<1x16xi32>,
      %parallel_loop3A_514 = vector.shape_cast %parallel_loop3A_513 : vector<1x16xi32> to vector<16xi32>
      %parallel_loop3A_515 = arith.constant 1 : i32
      %parallel_loop3A_516 = vector.broadcast %parallel_loop3A_515 : i32 to vector<16xi32>
      %parallel_loop3A_517 = arith.cmpi eq, %parallel_loop3A_506, %parallel_loop3A_516 : vector<16xi32>
      %parallel_loop3A_518 = arith.select %parallel_loop3A_517, %parallel_loop3A_494, %parallel_loop3A_490 : vector<16xi1>, vector<16xf32>
      %parallel_loop3A_519 = arith.constant 1 : i32
      %parallel_loop3A_520 = vector.broadcast %parallel_loop3A_519 : i32 to vector<16xi32>
      %parallel_loop3A_521 = arith.cmpi eq, %parallel_loop3A_510, %parallel_loop3A_520 : vector<16xi32>
      %parallel_loop3A_522 = arith.select %parallel_loop3A_521, %parallel_loop3A_498, %parallel_loop3A_518 : vector<16xi1>, vector<16xf32>
      %parallel_loop3A_523 = arith.constant 1 : i32
      %parallel_loop3A_524 = vector.broadcast %parallel_loop3A_523 : i32 to vector<16xi32>
      %parallel_loop3A_525 = arith.cmpi eq, %parallel_loop3A_514, %parallel_loop3A_524 : vector<16xi32>
      %parallel_loop3A_526 = arith.select %parallel_loop3A_525, %parallel_loop3A_502, %parallel_loop3A_522 : vector<16xi1>, vector<16xf32>
      %parallel_loop3A_527 = arith.addf %parallel_loop3A_490, %parallel_loop3A_494 : vector<16xf32>
      %parallel_loop3A_528 = arith.addf %parallel_loop3A_498, %parallel_loop3A_502 : vector<16xf32>
      %parallel_loop3A_529 = arith.addf %parallel_loop3A_527, %parallel_loop3A_528 : vector<16xf32>
      %parallel_loop3A_530 = arith.constant 0.999986648 : f32
      %parallel_loop3A_531 = vector.broadcast %parallel_loop3A_530 : f32 to vector<16xf32>
      %parallel_loop3A_532 = arith.mulf %parallel_loop3A_526, %parallel_loop3A_531 : vector<16xf32>
      %parallel_loop3A_533 = arith.constant 3.33333332E-6 : f32
      %parallel_loop3A_534 = vector.broadcast %parallel_loop3A_533 : f32 to vector<16xf32>
      %parallel_loop3A_535 = arith.mulf %parallel_loop3A_529, %parallel_loop3A_534 : vector<16xf32>
      %parallel_loop3A_536 = arith.addf %parallel_loop3A_532, %parallel_loop3A_535 : vector<16xf32>
      %parallel_loop3A_537 = arith.constant 9.99999974E-6 : f32
      %parallel_loop3A_538 = vector.broadcast %parallel_loop3A_537 : f32 to vector<16xf32>
      %parallel_loop3A_539 = arith.addf %parallel_loop3A_536, %parallel_loop3A_538 : vector<16xf32>
      %parallel_loop3A_540 = arith.constant 1.000000e+00 : f32
      %parallel_loop3A_541 = vector.broadcast %parallel_loop3A_540 : f32 to vector<16xf32>
      %parallel_loop3A_542 = arith.subf %parallel_loop3A_541, %parallel_loop3A_539 : vector<16xf32>
      %parallel_loop3A_543 = arith.mulf %parallel_loop3A_542, %parallel_loop3A_542 : vector<16xf32>
      %parallel_loop3A_544 = tpu.bitcast %parallel_loop3A_539 : vector<16xf32> -> vector<16xi32>
      %parallel_loop3A_545 = arith.constant 23 : i32
      %parallel_loop3A_546 = vector.broadcast %parallel_loop3A_545 : i32 to vector<16xi32>
      %parallel_loop3A_547 = arith.shrsi %parallel_loop3A_544, %parallel_loop3A_546 : vector<16xi32>
      %parallel_loop3A_548 = arith.sitofp %parallel_loop3A_547 : vector<16xi32> to vector<16xf32>
      %parallel_loop3A_549 = arith.constant 8388607 : i32
      %parallel_loop3A_550 = vector.broadcast %parallel_loop3A_549 : i32 to vector<16xi32>
      %parallel_loop3A_551 = arith.andi %parallel_loop3A_544, %parallel_loop3A_550 : vector<16xi32>
      %parallel_loop3A_552 = arith.constant 1065353216 : i32
      %parallel_loop3A_553 = vector.broadcast %parallel_loop3A_552 : i32 to vector<16xi32>
      %parallel_loop3A_554 = arith.ori %parallel_loop3A_551, %parallel_loop3A_553 : vector<16xi32>
      %parallel_loop3A_555 = tpu.bitcast %parallel_loop3A_554 : vector<16xi32> -> vector<16xf32>
      %parallel_loop3A_556 = arith.constant 1.000000e+00 : f32
      %parallel_loop3A_557 = vector.broadcast %parallel_loop3A_556 : f32 to vector<16xf32>
      %parallel_loop3A_558 = arith.subf %parallel_loop3A_555, %parallel_loop3A_557 : vector<16xf32>
      %parallel_loop3A_559 = arith.constant 1.000000e+00 : f32
      %parallel_loop3A_560 = vector.broadcast %parallel_loop3A_559 : f32 to vector<16xf32>
      %parallel_loop3A_561 = arith.addf %parallel_loop3A_555, %parallel_loop3A_560 : vector<16xf32>
      %parallel_loop3A_562 = arith.divf %parallel_loop3A_558, %parallel_loop3A_561 : vector<16xf32>
      %parallel_loop3A_563 = arith.mulf %parallel_loop3A_562, %parallel_loop3A_562 : vector<16xf32>
      %parallel_loop3A_564 = arith.constant 0.285714298 : f32
      %parallel_loop3A_565 = vector.broadcast %parallel_loop3A_564 : f32 to vector<16xf32>
      %parallel_loop3A_566 = arith.mulf %parallel_loop3A_563, %parallel_loop3A_565 : vector<16xf32>
      %parallel_loop3A_567 = arith.constant 4.000000e-01 : f32
      %parallel_loop3A_568 = vector.broadcast %parallel_loop3A_567 : f32 to vector<16xf32>
      %parallel_loop3A_569 = arith.addf %parallel_loop3A_568, %parallel_loop3A_566 : vector<16xf32>
      %parallel_loop3A_570 = arith.mulf %parallel_loop3A_563, %parallel_loop3A_569 : vector<16xf32>
      %parallel_loop3A_571 = arith.constant 0.666666686 : f32
      %parallel_loop3A_572 = vector.broadcast %parallel_loop3A_571 : f32 to vector<16xf32>
      %parallel_loop3A_573 = arith.addf %parallel_loop3A_572, %parallel_loop3A_570 : vector<16xf32>
      %parallel_loop3A_574 = arith.mulf %parallel_loop3A_563, %parallel_loop3A_573 : vector<16xf32>
      %parallel_loop3A_575 = arith.constant 2.000000e+00 : f32
      %parallel_loop3A_576 = vector.broadcast %parallel_loop3A_575 : f32 to vector<16xf32>
      %parallel_loop3A_577 = arith.addf %parallel_loop3A_576, %parallel_loop3A_574 : vector<16xf32>
      %parallel_loop3A_578 = arith.mulf %parallel_loop3A_562, %parallel_loop3A_577 : vector<16xf32>
      %parallel_loop3A_579 = arith.constant 0.693147182 : f32
      %parallel_loop3A_580 = vector.broadcast %parallel_loop3A_579 : f32 to vector<16xf32>
      %parallel_loop3A_581 = arith.mulf %parallel_loop3A_548, %parallel_loop3A_580 : vector<16xf32>
      %parallel_loop3A_582 = arith.constant 88.0296936 : f32
      %parallel_loop3A_583 = vector.broadcast %parallel_loop3A_582 : f32 to vector<16xf32>
      %parallel_loop3A_584 = arith.subf %parallel_loop3A_578, %parallel_loop3A_583 : vector<16xf32>
      %parallel_loop3A_585 = arith.addf %parallel_loop3A_581, %parallel_loop3A_584 : vector<16xf32>
      %parallel_loop3A_586 = arith.mulf %parallel_loop3A_543, %parallel_loop3A_585 : vector<16xf32>
      %parallel_loop3A_587 = arith.subf %parallel_loop3A_478, %parallel_loop3A_586 : vector<16xf32>
      %parallel_loop3A_588 = arith.constant 16 : i32
      %parallel_loop3A_589 = arith.addi %parallel_loop3A_486, %parallel_loop3A_588 : i32
      %parallel_loop3A_590 = tpu.assume_multiple %parallel_loop3A_589, 16 : i32
      %parallel_loop3A_591 = arith.index_cast %parallel_loop3A_481 : i32 to index
      %parallel_loop3A_592 = arith.index_cast %parallel_loop3A_590 : i32 to index
      %parallel_loop3A_593 = tpu.vector_load %arg5[%parallel_loop3A_591, %parallel_loop3A_592] {strides = array<i32>} : memref<16x512xf32, #tpu.memory_space<vmem>>, vector<1x16xf32>,
      %parallel_loop3A_594 = vector.shape_cast %parallel_loop3A_593 : vector<1x16xf32> to vector<16xf32>
      %parallel_loop3A_595 = arith.index_cast %parallel_loop3A_481 : i32 to index
      %parallel_loop3A_596 = arith.index_cast %parallel_loop3A_590 : i32 to index
      %parallel_loop3A_597 = tpu.vector_load %arg6[%parallel_loop3A_595, %parallel_loop3A_596] {strides = array<i32>} : memref<16x512xf32, #tpu.memory_space<vmem>>, vector<1x16xf32>,
      %parallel_loop3A_598 = vector.shape_cast %parallel_loop3A_597 : vector<1x16xf32> to vector<16xf32>
      %parallel_loop3A_599 = arith.index_cast %parallel_loop3A_481 : i32 to index
      %parallel_loop3A_600 = arith.index_cast %parallel_loop3A_590 : i32 to index
      %parallel_loop3A_601 = tpu.vector_load %arg7[%parallel_loop3A_599, %parallel_loop3A_600] {strides = array<i32>} : memref<16x512xf32, #tpu.memory_space<vmem>>, vector<1x16xf32>,
      %parallel_loop3A_602 = vector.shape_cast %parallel_loop3A_601 : vector<1x16xf32> to vector<16xf32>
      %parallel_loop3A_603 = arith.index_cast %parallel_loop3A_481 : i32 to index
      %parallel_loop3A_604 = arith.index_cast %parallel_loop3A_590 : i32 to index
      %parallel_loop3A_605 = tpu.vector_load %arg8[%parallel_loop3A_603, %parallel_loop3A_604] {strides = array<i32>} : memref<16x512xf32, #tpu.memory_space<vmem>>, vector<1x16xf32>,
      %parallel_loop3A_606 = vector.shape_cast %parallel_loop3A_605 : vector<1x16xf32> to vector<16xf32>
      %parallel_loop3A_607 = arith.index_cast %parallel_loop3A_481 : i32 to index
      %parallel_loop3A_608 = arith.index_cast %parallel_loop3A_590 : i32 to index
      %parallel_loop3A_609 = tpu.vector_load %arg13[%parallel_loop3A_607, %parallel_loop3A_608] {strides = array<i32>} : memref<16x512xi32, #tpu.memory_space<vmem>>, vector<1x16xi32>,
      %parallel_loop3A_610 = vector.shape_cast %parallel_loop3A_609 : vector<1x16xi32> to vector<16xi32>
      %parallel_loop3A_611 = arith.index_cast %parallel_loop3A_481 : i32 to index
      %parallel_loop3A_612 = arith.index_cast %parallel_loop3A_590 : i32 to index
      %parallel_loop3A_613 = tpu.vector_load %arg14[%parallel_loop3A_611, %parallel_loop3A_612] {strides = array<i32>} : memref<16x512xi32, #tpu.memory_space<vmem>>, vector<1x16xi32>,
      %parallel_loop3A_614 = vector.shape_cast %parallel_loop3A_613 : vector<1x16xi32> to vector<16xi32>
      %parallel_loop3A_615 = arith.index_cast %parallel_loop3A_481 : i32 to index
      %parallel_loop3A_616 = arith.index_cast %parallel_loop3A_590 : i32 to index
      %parallel_loop3A_617 = tpu.vector_load %arg15[%parallel_loop3A_615, %parallel_loop3A_616] {strides = array<i32>} : memref<16x512xi32, #tpu.memory_space<vmem>>, vector<1x16xi32>,
      %parallel_loop3A_618 = vector.shape_cast %parallel_loop3A_617 : vector<1x16xi32> to vector<16xi32>
      %parallel_loop3A_619 = arith.constant 1 : i32
      %parallel_loop3A_620 = vector.broadcast %parallel_loop3A_619 : i32 to vector<16xi32>
      %parallel_loop3A_621 = arith.cmpi eq, %parallel_loop3A_610, %parallel_loop3A_620 : vector<16xi32>
      %parallel_loop3A_622 = arith.select %parallel_loop3A_621, %parallel_loop3A_598, %parallel_loop3A_594 : vector<16xi1>, vector<16xf32>
      %parallel_loop3A_623 = arith.constant 1 : i32
      %parallel_loop3A_624 = vector.broadcast %parallel_loop3A_623 : i32 to vector<16xi32>
      %parallel_loop3A_625 = arith.cmpi eq, %parallel_loop3A_614, %parallel_loop3A_624 : vector<16xi32>
      %parallel_loop3A_626 = arith.select %parallel_loop3A_625, %parallel_loop3A_602, %parallel_loop3A_622 : vector<16xi1>, vector<16xf32>
      %parallel_loop3A_627 = arith.constant 1 : i32
      %parallel_loop3A_628 = vector.broadcast %parallel_loop3A_627 : i32 to vector<16xi32>
      %parallel_loop3A_629 = arith.cmpi eq, %parallel_loop3A_618, %parallel_loop3A_628 : vector<16xi32>
      %parallel_loop3A_630 = arith.select %parallel_loop3A_629, %parallel_loop3A_606, %parallel_loop3A_626 : vector<16xi1>, vector<16xf32>
      %parallel_loop3A_631 = arith.addf %parallel_loop3A_594, %parallel_loop3A_598 : vector<16xf32>
      %parallel_loop3A_632 = arith.addf %parallel_loop3A_602, %parallel_loop3A_606 : vector<16xf32>
      %parallel_loop3A_633 = arith.addf %parallel_loop3A_631, %parallel_loop3A_632 : vector<16xf32>
      %parallel_loop3A_634 = arith.constant 0.999986648 : f32
      %parallel_loop3A_635 = vector.broadcast %parallel_loop3A_634 : f32 to vector<16xf32>
      %parallel_loop3A_636 = arith.mulf %parallel_loop3A_630, %parallel_loop3A_635 : vector<16xf32>
      %parallel_loop3A_637 = arith.constant 3.33333332E-6 : f32
      %parallel_loop3A_638 = vector.broadcast %parallel_loop3A_637 : f32 to vector<16xf32>
      %parallel_loop3A_639 = arith.mulf %parallel_loop3A_633, %parallel_loop3A_638 : vector<16xf32>
      %parallel_loop3A_640 = arith.addf %parallel_loop3A_636, %parallel_loop3A_639 : vector<16xf32>
      %parallel_loop3A_641 = arith.constant 9.99999974E-6 : f32
      %parallel_loop3A_642 = vector.broadcast %parallel_loop3A_641 : f32 to vector<16xf32>
      %parallel_loop3A_643 = arith.addf %parallel_loop3A_640, %parallel_loop3A_642 : vector<16xf32>
      %parallel_loop3A_644 = arith.constant 1.000000e+00 : f32
      %parallel_loop3A_645 = vector.broadcast %parallel_loop3A_644 : f32 to vector<16xf32>
      %parallel_loop3A_646 = arith.subf %parallel_loop3A_645, %parallel_loop3A_643 : vector<16xf32>
      %parallel_loop3A_647 = arith.mulf %parallel_loop3A_646, %parallel_loop3A_646 : vector<16xf32>
      %parallel_loop3A_648 = tpu.bitcast %parallel_loop3A_643 : vector<16xf32> -> vector<16xi32>
      %parallel_loop3A_649 = arith.constant 23 : i32
      %parallel_loop3A_650 = vector.broadcast %parallel_loop3A_649 : i32 to vector<16xi32>
      %parallel_loop3A_651 = arith.shrsi %parallel_loop3A_648, %parallel_loop3A_650 : vector<16xi32>
      %parallel_loop3A_652 = arith.sitofp %parallel_loop3A_651 : vector<16xi32> to vector<16xf32>
      %parallel_loop3A_653 = arith.constant 8388607 : i32
      %parallel_loop3A_654 = vector.broadcast %parallel_loop3A_653 : i32 to vector<16xi32>
      %parallel_loop3A_655 = arith.andi %parallel_loop3A_648, %parallel_loop3A_654 : vector<16xi32>
      %parallel_loop3A_656 = arith.constant 1065353216 : i32
      %parallel_loop3A_657 = vector.broadcast %parallel_loop3A_656 : i32 to vector<16xi32>
      %parallel_loop3A_658 = arith.ori %parallel_loop3A_655, %parallel_loop3A_657 : vector<16xi32>
      %parallel_loop3A_659 = tpu.bitcast %parallel_loop3A_658 : vector<16xi32> -> vector<16xf32>
      %parallel_loop3A_660 = arith.constant 1.000000e+00 : f32
      %parallel_loop3A_661 = vector.broadcast %parallel_loop3A_660 : f32 to vector<16xf32>
      %parallel_loop3A_662 = arith.subf %parallel_loop3A_659, %parallel_loop3A_661 : vector<16xf32>
      %parallel_loop3A_663 = arith.constant 1.000000e+00 : f32
      %parallel_loop3A_664 = vector.broadcast %parallel_loop3A_663 : f32 to vector<16xf32>
      %parallel_loop3A_665 = arith.addf %parallel_loop3A_659, %parallel_loop3A_664 : vector<16xf32>
      %parallel_loop3A_666 = arith.divf %parallel_loop3A_662, %parallel_loop3A_665 : vector<16xf32>
      %parallel_loop3A_667 = arith.mulf %parallel_loop3A_666, %parallel_loop3A_666 : vector<16xf32>
      %parallel_loop3A_668 = arith.constant 0.285714298 : f32
      %parallel_loop3A_669 = vector.broadcast %parallel_loop3A_668 : f32 to vector<16xf32>
      %parallel_loop3A_670 = arith.mulf %parallel_loop3A_667, %parallel_loop3A_669 : vector<16xf32>
      %parallel_loop3A_671 = arith.constant 4.000000e-01 : f32
      %parallel_loop3A_672 = vector.broadcast %parallel_loop3A_671 : f32 to vector<16xf32>
      %parallel_loop3A_673 = arith.addf %parallel_loop3A_672, %parallel_loop3A_670 : vector<16xf32>
      %parallel_loop3A_674 = arith.mulf %parallel_loop3A_667, %parallel_loop3A_673 : vector<16xf32>
      %parallel_loop3A_675 = arith.constant 0.666666686 : f32
      %parallel_loop3A_676 = vector.broadcast %parallel_loop3A_675 : f32 to vector<16xf32>
      %parallel_loop3A_677 = arith.addf %parallel_loop3A_676, %parallel_loop3A_674 : vector<16xf32>
      %parallel_loop3A_678 = arith.mulf %parallel_loop3A_667, %parallel_loop3A_677 : vector<16xf32>
      %parallel_loop3A_679 = arith.constant 2.000000e+00 : f32
      %parallel_loop3A_680 = vector.broadcast %parallel_loop3A_679 : f32 to vector<16xf32>
      %parallel_loop3A_681 = arith.addf %parallel_loop3A_680, %parallel_loop3A_678 : vector<16xf32>
      %parallel_loop3A_682 = arith.mulf %parallel_loop3A_666, %parallel_loop3A_681 : vector<16xf32>
      %parallel_loop3A_683 = arith.constant 0.693147182 : f32
      %parallel_loop3A_684 = vector.broadcast %parallel_loop3A_683 : f32 to vector<16xf32>
      %parallel_loop3A_685 = arith.mulf %parallel_loop3A_652, %parallel_loop3A_684 : vector<16xf32>
      %parallel_loop3A_686 = arith.constant 88.0296936 : f32
      %parallel_loop3A_687 = vector.broadcast %parallel_loop3A_686 : f32 to vector<16xf32>
      %parallel_loop3A_688 = arith.subf %parallel_loop3A_682, %parallel_loop3A_687 : vector<16xf32>
      %parallel_loop3A_689 = arith.addf %parallel_loop3A_685, %parallel_loop3A_688 : vector<16xf32>
      %parallel_loop3A_690 = arith.mulf %parallel_loop3A_647, %parallel_loop3A_689 : vector<16xf32>
      %parallel_loop3A_691 = arith.subf %parallel_loop3A_479, %parallel_loop3A_690 : vector<16xf32>
      scf.yield %parallel_loop3A_587, %parallel_loop3A_691 : vector<16xf32>, vector<16xf32>
    } {sc.loop_unroll_factor = 4 : i64, sc.parallel_access}
    %mul3A_265 = arith.constant 48 : i32
    %mul3A_266 = arith.muli %add3A, %mul3A_265 : i32
    %add3A_267 = arith.constant 32 : i32
    %add3A_268 = arith.addi %mul3A_266, %add3A_267 : i32
    %jit3A_269 = arith.constant 512 : i32
    %div3A_270 = arith.divsi %add3A_268, %jit3A_269 : i32
    %sign3A_271 = arith.constant 0 : i32
    %sign3A_272 = arith.cmpi sgt, %add3A_268, %sign3A_271 : i32
    %sign3A_273 = arith.extui %sign3A_272 : i1 to i32
    %sign3A_274 = arith.constant 0 : i32
    %sign3A_275 = arith.cmpi slt, %add3A_268, %sign3A_274 : i32
    %sign3A_276 = arith.extui %sign3A_275 : i1 to i32
    %sign3A_277 = arith.subi %sign3A_273, %sign3A_276 : i32
    %sign3A_278 = arith.constant 0 : i32
    %sign3A_279 = arith.cmpi sgt, %jit3A_269, %sign3A_278 : i32
    %sign3A_280 = arith.extui %sign3A_279 : i1 to i32
    %sign3A_281 = arith.constant 0 : i32
    %sign3A_282 = arith.cmpi slt, %jit3A_269, %sign3A_281 : i32
    %sign3A_283 = arith.extui %sign3A_282 : i1 to i32
    %sign3A_284 = arith.subi %sign3A_280, %sign3A_283 : i32
    %ne3A_285 = arith.cmpi ne, %sign3A_277, %sign3A_284 : i32
    %rem3A_286 = arith.remsi %add3A_268, %jit3A_269 : i32
    %ne3A_287 = arith.constant 0 : i32
    %ne3A_288 = arith.cmpi ne, %rem3A_286, %ne3A_287 : i32
    %and3A_289 = arith.andi %ne3A_285, %ne3A_288 : i1
    %sub3A_290 = arith.constant 1 : i32
    %sub3A_291 = arith.subi %div3A_270, %sub3A_290 : i32
    %select_n3A_292 = arith.select %and3A_289, %sub3A_291, %div3A_270 : i32
    %jit3A_293 = arith.constant 512 : i32
    %eq3A_294 = arith.constant 0 : i32
    %eq3A_295 = arith.cmpi eq, %jit3A_293, %eq3A_294 : i32
    %jit3A_296 = arith.constant 1 : i32
    %select_n3A_297 = arith.select %eq3A_295, %jit3A_296, %jit3A_293 : i32
    %rem3A_298 = arith.remsi %add3A_268, %select_n3A_297 : i32
    %ne3A_299 = arith.constant 0 : i32
    %ne3A_300 = arith.cmpi ne, %rem3A_298, %ne3A_299 : i32
    %lt3A_301 = arith.constant 0 : i32
    %lt3A_302 = arith.cmpi slt, %rem3A_298, %lt3A_301 : i32
    %lt3A_303 = arith.constant 0 : i32
    %lt3A_304 = arith.cmpi slt, %select_n3A_297, %lt3A_303 : i32
    %ne3A_305 = arith.xori %lt3A_302, %lt3A_304 : i1
    %and3A_306 = arith.andi %ne3A_305, %ne3A_300 : i1
    %add3A_307 = arith.addi %rem3A_298, %select_n3A_297 : i32
    %select_n3A_308 = arith.select %and3A_306, %add3A_307, %rem3A_298 : i32
    %mul3A_309 = arith.constant 4 : i32
    %mul3A_310 = arith.muli %select_n3A_292, %mul3A_309 : i32
    %add3A_311 = arith.constant 0 : i32
    %add3A_312 = arith.addi %mul3A_310, %add3A_311 : i32
    %dma_start3A_313 = arith.constant 0 : i32
    %dma_start3A_314 = tpu.memref_slice %arg2[%add3A_312, %select_n3A_308, %dma_start3A_313] : memref<32x512x512xf32, #tpu.memory_space<hbm>> -> memref<1x16x512xf32, #tpu.memory_space<hbm>>
    %dma_start3A_315 = tpu.memref_squeeze %dma_start3A_314 : memref<1x16x512xf32, #tpu.memory_space<hbm>> -> memref<16x512xf32, #tpu.memory_space<hbm>>
    %dma_start3A_316 = arith.constant 0 : i32
    %dma_start3A_317 = tpu.memref_slice %arg2[%add3A_312, %select_n3A_308, %dma_start3A_316] : memref<32x512x512xf32, #tpu.memory_space<hbm>> -> memref<1x16x512xf32, #tpu.memory_space<hbm>>
    %dma_start3A_318 = tpu.memref_squeeze %dma_start3A_317 : memref<1x16x512xf32, #tpu.memory_space<hbm>> -> memref<16x512xf32, #tpu.memory_space<hbm>>
    tpu.enqueue_dma source(%dma_start3A_318 : memref<16x512xf32, #tpu.memory_space<hbm>>) target(%arg5 : memref<16x512xf32, #tpu.memory_space<vmem>>) target_semaphore(%arg20 : memref<!tpu.dma_semaphore, #tpu.memory_space<semaphore_mem>>)
    %mul3A_319 = arith.constant 4 : i32
    %mul3A_320 = arith.muli %select_n3A_292, %mul3A_319 : i32
    %add3A_321 = arith.constant 1 : i32
    %add3A_322 = arith.addi %mul3A_320, %add3A_321 : i32
    %dma_start3A_323 = arith.constant 0 : i32
    %dma_start3A_324 = tpu.memref_slice %arg2[%add3A_322, %select_n3A_308, %dma_start3A_323] : memref<32x512x512xf32, #tpu.memory_space<hbm>> -> memref<1x16x512xf32, #tpu.memory_space<hbm>>
    %dma_start3A_325 = tpu.memref_squeeze %dma_start3A_324 : memref<1x16x512xf32, #tpu.memory_space<hbm>> -> memref<16x512xf32, #tpu.memory_space<hbm>>
    %dma_start3A_326 = arith.constant 0 : i32
    %dma_start3A_327 = tpu.memref_slice %arg2[%add3A_322, %select_n3A_308, %dma_start3A_326] : memref<32x512x512xf32, #tpu.memory_space<hbm>> -> memref<1x16x512xf32, #tpu.memory_space<hbm>>
    %dma_start3A_328 = tpu.memref_squeeze %dma_start3A_327 : memref<1x16x512xf32, #tpu.memory_space<hbm>> -> memref<16x512xf32, #tpu.memory_space<hbm>>
    tpu.enqueue_dma source(%dma_start3A_328 : memref<16x512xf32, #tpu.memory_space<hbm>>) target(%arg6 : memref<16x512xf32, #tpu.memory_space<vmem>>) target_semaphore(%arg20 : memref<!tpu.dma_semaphore, #tpu.memory_space<semaphore_mem>>)
    %mul3A_329 = arith.constant 4 : i32
    %mul3A_330 = arith.muli %select_n3A_292, %mul3A_329 : i32
    %add3A_331 = arith.constant 2 : i32
    %add3A_332 = arith.addi %mul3A_330, %add3A_331 : i32
    %dma_start3A_333 = arith.constant 0 : i32
    %dma_start3A_334 = tpu.memref_slice %arg2[%add3A_332, %select_n3A_308, %dma_start3A_333] : memref<32x512x512xf32, #tpu.memory_space<hbm>> -> memref<1x16x512xf32, #tpu.memory_space<hbm>>
    %dma_start3A_335 = tpu.memref_squeeze %dma_start3A_334 : memref<1x16x512xf32, #tpu.memory_space<hbm>> -> memref<16x512xf32, #tpu.memory_space<hbm>>
    %dma_start3A_336 = arith.constant 0 : i32
    %dma_start3A_337 = tpu.memref_slice %arg2[%add3A_332, %select_n3A_308, %dma_start3A_336] : memref<32x512x512xf32, #tpu.memory_space<hbm>> -> memref<1x16x512xf32, #tpu.memory_space<hbm>>
    %dma_start3A_338 = tpu.memref_squeeze %dma_start3A_337 : memref<1x16x512xf32, #tpu.memory_space<hbm>> -> memref<16x512xf32, #tpu.memory_space<hbm>>
    tpu.enqueue_dma source(%dma_start3A_338 : memref<16x512xf32, #tpu.memory_space<hbm>>) target(%arg7 : memref<16x512xf32, #tpu.memory_space<vmem>>) target_semaphore(%arg20 : memref<!tpu.dma_semaphore, #tpu.memory_space<semaphore_mem>>)
    %mul3A_339 = arith.constant 4 : i32
    %mul3A_340 = arith.muli %select_n3A_292, %mul3A_339 : i32
    %add3A_341 = arith.constant 3 : i32
    %add3A_342 = arith.addi %mul3A_340, %add3A_341 : i32
    %dma_start3A_343 = arith.constant 0 : i32
    %dma_start3A_344 = tpu.memref_slice %arg2[%add3A_342, %select_n3A_308, %dma_start3A_343] : memref<32x512x512xf32, #tpu.memory_space<hbm>> -> memref<1x16x512xf32, #tpu.memory_space<hbm>>
    %dma_start3A_345 = tpu.memref_squeeze %dma_start3A_344 : memref<1x16x512xf32, #tpu.memory_space<hbm>> -> memref<16x512xf32, #tpu.memory_space<hbm>>
    %dma_start3A_346 = arith.constant 0 : i32
    %dma_start3A_347 = tpu.memref_slice %arg2[%add3A_342, %select_n3A_308, %dma_start3A_346] : memref<32x512x512xf32, #tpu.memory_space<hbm>> -> memref<1x16x512xf32, #tpu.memory_space<hbm>>
    %dma_start3A_348 = tpu.memref_squeeze %dma_start3A_347 : memref<1x16x512xf32, #tpu.memory_space<hbm>> -> memref<16x512xf32, #tpu.memory_space<hbm>>
    tpu.enqueue_dma source(%dma_start3A_348 : memref<16x512xf32, #tpu.memory_space<hbm>>) target(%arg8 : memref<16x512xf32, #tpu.memory_space<vmem>>) target_semaphore(%arg20 : memref<!tpu.dma_semaphore, #tpu.memory_space<semaphore_mem>>)
    %mul3A_349 = arith.constant 4 : i32
    %mul3A_350 = arith.muli %select_n3A_292, %mul3A_349 : i32
    %add3A_351 = arith.constant 1 : i32
    %add3A_352 = arith.addi %mul3A_350, %add3A_351 : i32
    %dma_start3A_353 = arith.constant 0 : i32
    %dma_start3A_354 = tpu.memref_slice %arg3[%add3A_352, %select_n3A_308, %dma_start3A_353] : memref<32x512x512xi32, #tpu.memory_space<hbm>> -> memref<1x16x512xi32, #tpu.memory_space<hbm>>
    %dma_start3A_355 = tpu.memref_squeeze %dma_start3A_354 : memref<1x16x512xi32, #tpu.memory_space<hbm>> -> memref<16x512xi32, #tpu.memory_space<hbm>>
    %dma_start3A_356 = arith.constant 0 : i32
    %dma_start3A_357 = tpu.memref_slice %arg3[%add3A_352, %select_n3A_308, %dma_start3A_356] : memref<32x512x512xi32, #tpu.memory_space<hbm>> -> memref<1x16x512xi32, #tpu.memory_space<hbm>>
    %dma_start3A_358 = tpu.memref_squeeze %dma_start3A_357 : memref<1x16x512xi32, #tpu.memory_space<hbm>> -> memref<16x512xi32, #tpu.memory_space<hbm>>
    tpu.enqueue_dma source(%dma_start3A_358 : memref<16x512xi32, #tpu.memory_space<hbm>>) target(%arg13 : memref<16x512xi32, #tpu.memory_space<vmem>>) target_semaphore(%arg20 : memref<!tpu.dma_semaphore, #tpu.memory_space<semaphore_mem>>)
    %mul3A_359 = arith.constant 4 : i32
    %mul3A_360 = arith.muli %select_n3A_292, %mul3A_359 : i32
    %add3A_361 = arith.constant 2 : i32
    %add3A_362 = arith.addi %mul3A_360, %add3A_361 : i32
    %dma_start3A_363 = arith.constant 0 : i32
    %dma_start3A_364 = tpu.memref_slice %arg3[%add3A_362, %select_n3A_308, %dma_start3A_363] : memref<32x512x512xi32, #tpu.memory_space<hbm>> -> memref<1x16x512xi32, #tpu.memory_space<hbm>>
    %dma_start3A_365 = tpu.memref_squeeze %dma_start3A_364 : memref<1x16x512xi32, #tpu.memory_space<hbm>> -> memref<16x512xi32, #tpu.memory_space<hbm>>
    %dma_start3A_366 = arith.constant 0 : i32
    %dma_start3A_367 = tpu.memref_slice %arg3[%add3A_362, %select_n3A_308, %dma_start3A_366] : memref<32x512x512xi32, #tpu.memory_space<hbm>> -> memref<1x16x512xi32, #tpu.memory_space<hbm>>
    %dma_start3A_368 = tpu.memref_squeeze %dma_start3A_367 : memref<1x16x512xi32, #tpu.memory_space<hbm>> -> memref<16x512xi32, #tpu.memory_space<hbm>>
    tpu.enqueue_dma source(%dma_start3A_368 : memref<16x512xi32, #tpu.memory_space<hbm>>) target(%arg14 : memref<16x512xi32, #tpu.memory_space<vmem>>) target_semaphore(%arg20 : memref<!tpu.dma_semaphore, #tpu.memory_space<semaphore_mem>>)
    %mul3A_369 = arith.constant 4 : i32
    %mul3A_370 = arith.muli %select_n3A_292, %mul3A_369 : i32
    %add3A_371 = arith.constant 3 : i32
    %add3A_372 = arith.addi %mul3A_370, %add3A_371 : i32
    %dma_start3A_373 = arith.constant 0 : i32
    %dma_start3A_374 = tpu.memref_slice %arg3[%add3A_372, %select_n3A_308, %dma_start3A_373] : memref<32x512x512xi32, #tpu.memory_space<hbm>> -> memref<1x16x512xi32, #tpu.memory_space<hbm>>
    %dma_start3A_375 = tpu.memref_squeeze %dma_start3A_374 : memref<1x16x512xi32, #tpu.memory_space<hbm>> -> memref<16x512xi32, #tpu.memory_space<hbm>>
    %dma_start3A_376 = arith.constant 0 : i32
    %dma_start3A_377 = tpu.memref_slice %arg3[%add3A_372, %select_n3A_308, %dma_start3A_376] : memref<32x512x512xi32, #tpu.memory_space<hbm>> -> memref<1x16x512xi32, #tpu.memory_space<hbm>>
    %dma_start3A_378 = tpu.memref_squeeze %dma_start3A_377 : memref<1x16x512xi32, #tpu.memory_space<hbm>> -> memref<16x512xi32, #tpu.memory_space<hbm>>
    tpu.enqueue_dma source(%dma_start3A_378 : memref<16x512xi32, #tpu.memory_space<hbm>>) target(%arg15 : memref<16x512xi32, #tpu.memory_space<vmem>>) target_semaphore(%arg20 : memref<!tpu.dma_semaphore, #tpu.memory_space<semaphore_mem>>)
    %dma_wait3A_379 = arith.constant 0 : i32
    %dma_wait3A_380 = tpu.memref_slice %arg2[%add3A_154, %select_n3A_150, %dma_wait3A_379] : memref<32x512x512xf32, #tpu.memory_space<hbm>> -> memref<1x16x512xf32, #tpu.memory_space<hbm>>
    %dma_wait3A_381 = tpu.memref_squeeze %dma_wait3A_380 : memref<1x16x512xf32, #tpu.memory_space<hbm>> -> memref<16x512xf32, #tpu.memory_space<hbm>>
    %dma_wait3A_382 = arith.constant 0 : i32
    %dma_wait3A_383 = tpu.memref_slice %arg2[%add3A_154, %select_n3A_150, %dma_wait3A_382] : memref<32x512x512xf32, #tpu.memory_space<hbm>> -> memref<1x16x512xf32, #tpu.memory_space<hbm>>
    %dma_wait3A_384 = tpu.memref_squeeze %dma_wait3A_383 : memref<1x16x512xf32, #tpu.memory_space<hbm>> -> memref<16x512xf32, #tpu.memory_space<hbm>>
    tpu.wait_dma2 semaphore(%arg21 : memref<!tpu.dma_semaphore, #tpu.memory_space<semaphore_mem>>) src(%dma_wait3A_384 : memref<16x512xf32, #tpu.memory_space<hbm>>) dst(%arg9 : memref<16x512xf32, #tpu.memory_space<vmem>>)
    %dma_wait3A_385 = arith.constant 0 : i32
    %dma_wait3A_386 = tpu.memref_slice %arg2[%add3A_164, %select_n3A_150, %dma_wait3A_385] : memref<32x512x512xf32, #tpu.memory_space<hbm>> -> memref<1x16x512xf32, #tpu.memory_space<hbm>>
    %dma_wait3A_387 = tpu.memref_squeeze %dma_wait3A_386 : memref<1x16x512xf32, #tpu.memory_space<hbm>> -> memref<16x512xf32, #tpu.memory_space<hbm>>
    %dma_wait3A_388 = arith.constant 0 : i32
    %dma_wait3A_389 = tpu.memref_slice %arg2[%add3A_164, %select_n3A_150, %dma_wait3A_388] : memref<32x512x512xf32, #tpu.memory_space<hbm>> -> memref<1x16x512xf32, #tpu.memory_space<hbm>>
    %dma_wait3A_390 = tpu.memref_squeeze %dma_wait3A_389 : memref<1x16x512xf32, #tpu.memory_space<hbm>> -> memref<16x512xf32, #tpu.memory_space<hbm>>
    tpu.wait_dma2 semaphore(%arg21 : memref<!tpu.dma_semaphore, #tpu.memory_space<semaphore_mem>>) src(%dma_wait3A_390 : memref<16x512xf32, #tpu.memory_space<hbm>>) dst(%arg10 : memref<16x512xf32, #tpu.memory_space<vmem>>)
    %dma_wait3A_391 = arith.constant 0 : i32
    %dma_wait3A_392 = tpu.memref_slice %arg2[%add3A_174, %select_n3A_150, %dma_wait3A_391] : memref<32x512x512xf32, #tpu.memory_space<hbm>> -> memref<1x16x512xf32, #tpu.memory_space<hbm>>
    %dma_wait3A_393 = tpu.memref_squeeze %dma_wait3A_392 : memref<1x16x512xf32, #tpu.memory_space<hbm>> -> memref<16x512xf32, #tpu.memory_space<hbm>>
    %dma_wait3A_394 = arith.constant 0 : i32
    %dma_wait3A_395 = tpu.memref_slice %arg2[%add3A_174, %select_n3A_150, %dma_wait3A_394] : memref<32x512x512xf32, #tpu.memory_space<hbm>> -> memref<1x16x512xf32, #tpu.memory_space<hbm>>
    %dma_wait3A_396 = tpu.memref_squeeze %dma_wait3A_395 : memref<1x16x512xf32, #tpu.memory_space<hbm>> -> memref<16x512xf32, #tpu.memory_space<hbm>>
    tpu.wait_dma2 semaphore(%arg21 : memref<!tpu.dma_semaphore, #tpu.memory_space<semaphore_mem>>) src(%dma_wait3A_396 : memref<16x512xf32, #tpu.memory_space<hbm>>) dst(%arg11 : memref<16x512xf32, #tpu.memory_space<vmem>>)
    %dma_wait3A_397 = arith.constant 0 : i32
    %dma_wait3A_398 = tpu.memref_slice %arg2[%add3A_184, %select_n3A_150, %dma_wait3A_397] : memref<32x512x512xf32, #tpu.memory_space<hbm>> -> memref<1x16x512xf32, #tpu.memory_space<hbm>>
    %dma_wait3A_399 = tpu.memref_squeeze %dma_wait3A_398 : memref<1x16x512xf32, #tpu.memory_space<hbm>> -> memref<16x512xf32, #tpu.memory_space<hbm>>
    %dma_wait3A_400 = arith.constant 0 : i32
    %dma_wait3A_401 = tpu.memref_slice %arg2[%add3A_184, %select_n3A_150, %dma_wait3A_400] : memref<32x512x512xf32, #tpu.memory_space<hbm>> -> memref<1x16x512xf32, #tpu.memory_space<hbm>>
    %dma_wait3A_402 = tpu.memref_squeeze %dma_wait3A_401 : memref<1x16x512xf32, #tpu.memory_space<hbm>> -> memref<16x512xf32, #tpu.memory_space<hbm>>
    tpu.wait_dma2 semaphore(%arg21 : memref<!tpu.dma_semaphore, #tpu.memory_space<semaphore_mem>>) src(%dma_wait3A_402 : memref<16x512xf32, #tpu.memory_space<hbm>>) dst(%arg12 : memref<16x512xf32, #tpu.memory_space<vmem>>)
    %dma_wait3A_403 = arith.constant 0 : i32
    %dma_wait3A_404 = tpu.memref_slice %arg3[%add3A_194, %select_n3A_150, %dma_wait3A_403] : memref<32x512x512xi32, #tpu.memory_space<hbm>> -> memref<1x16x512xi32, #tpu.memory_space<hbm>>
    %dma_wait3A_405 = tpu.memref_squeeze %dma_wait3A_404 : memref<1x16x512xi32, #tpu.memory_space<hbm>> -> memref<16x512xi32, #tpu.memory_space<hbm>>
    %dma_wait3A_406 = arith.constant 0 : i32
    %dma_wait3A_407 = tpu.memref_slice %arg3[%add3A_194, %select_n3A_150, %dma_wait3A_406] : memref<32x512x512xi32, #tpu.memory_space<hbm>> -> memref<1x16x512xi32, #tpu.memory_space<hbm>>
    %dma_wait3A_408 = tpu.memref_squeeze %dma_wait3A_407 : memref<1x16x512xi32, #tpu.memory_space<hbm>> -> memref<16x512xi32, #tpu.memory_space<hbm>>
    tpu.wait_dma2 semaphore(%arg21 : memref<!tpu.dma_semaphore, #tpu.memory_space<semaphore_mem>>) src(%dma_wait3A_408 : memref<16x512xi32, #tpu.memory_space<hbm>>) dst(%arg16 : memref<16x512xi32, #tpu.memory_space<vmem>>)
    %dma_wait3A_409 = arith.constant 0 : i32
    %dma_wait3A_410 = tpu.memref_slice %arg3[%add3A_204, %select_n3A_150, %dma_wait3A_409] : memref<32x512x512xi32, #tpu.memory_space<hbm>> -> memref<1x16x512xi32, #tpu.memory_space<hbm>>
    %dma_wait3A_411 = tpu.memref_squeeze %dma_wait3A_410 : memref<1x16x512xi32, #tpu.memory_space<hbm>> -> memref<16x512xi32, #tpu.memory_space<hbm>>
    %dma_wait3A_412 = arith.constant 0 : i32
    %dma_wait3A_413 = tpu.memref_slice %arg3[%add3A_204, %select_n3A_150, %dma_wait3A_412] : memref<32x512x512xi32, #tpu.memory_space<hbm>> -> memref<1x16x512xi32, #tpu.memory_space<hbm>>
    %dma_wait3A_414 = tpu.memref_squeeze %dma_wait3A_413 : memref<1x16x512xi32, #tpu.memory_space<hbm>> -> memref<16x512xi32, #tpu.memory_space<hbm>>
    tpu.wait_dma2 semaphore(%arg21 : memref<!tpu.dma_semaphore, #tpu.memory_space<semaphore_mem>>) src(%dma_wait3A_414 : memref<16x512xi32, #tpu.memory_space<hbm>>) dst(%arg17 : memref<16x512xi32, #tpu.memory_space<vmem>>)
    %dma_wait3A_415 = arith.constant 0 : i32
    %dma_wait3A_416 = tpu.memref_slice %arg3[%add3A_214, %select_n3A_150, %dma_wait3A_415] : memref<32x512x512xi32, #tpu.memory_space<hbm>> -> memref<1x16x512xi32, #tpu.memory_space<hbm>>
    %dma_wait3A_417 = tpu.memref_squeeze %dma_wait3A_416 : memref<1x16x512xi32, #tpu.memory_space<hbm>> -> memref<16x512xi32, #tpu.memory_space<hbm>>
    %dma_wait3A_418 = arith.constant 0 : i32
    %dma_wait3A_419 = tpu.memref_slice %arg3[%add3A_214, %select_n3A_150, %dma_wait3A_418] : memref<32x512x512xi32, #tpu.memory_space<hbm>> -> memref<1x16x512xi32, #tpu.memory_space<hbm>>
    %dma_wait3A_420 = tpu.memref_squeeze %dma_wait3A_419 : memref<1x16x512xi32, #tpu.memory_space<hbm>> -> memref<16x512xi32, #tpu.memory_space<hbm>>
    tpu.wait_dma2 semaphore(%arg21 : memref<!tpu.dma_semaphore, #tpu.memory_space<semaphore_mem>>) src(%dma_wait3A_420 : memref<16x512xi32, #tpu.memory_space<hbm>>) dst(%arg18 : memref<16x512xi32, #tpu.memory_space<vmem>>)
    %parallel_loop3A_421 = arith.constant 0 : i32
    %parallel_loop3A_422 = arith.constant 256 : i32
    %parallel_loop3A_423 = arith.constant 1 : i32
    %parallel_loop3A_424:2 = scf.for %parallel_loop3A_477 = %parallel_loop3A_421 to %parallel_loop3A_422 step %parallel_loop3A_423 iter_args(%parallel_loop3A_478 = %parallel_loop3A_264#0, %parallel_loop3A_479 = %parallel_loop3A_264#1) -> (vector<16xf32>, vector<16xf32>)  : i32 {
      %parallel_loop3A_480 = arith.constant 4 : i32
      %parallel_loop3A_481 = arith.shrsi %parallel_loop3A_477, %parallel_loop3A_480 : i32
      %parallel_loop3A_482 = arith.constant 15 : i32
      %parallel_loop3A_483 = arith.andi %parallel_loop3A_477, %parallel_loop3A_482 : i32
      %parallel_loop3A_484 = arith.constant 5 : i32
      %parallel_loop3A_485 = arith.shli %parallel_loop3A_483, %parallel_loop3A_484 : i32
      %parallel_loop3A_486 = tpu.assume_multiple %parallel_loop3A_485, 32 : i32
      %parallel_loop3A_487 = arith.index_cast %parallel_loop3A_481 : i32 to index
      %parallel_loop3A_488 = arith.index_cast %parallel_loop3A_486 : i32 to index
      %parallel_loop3A_489 = tpu.vector_load %arg9[%parallel_loop3A_487, %parallel_loop3A_488] {strides = array<i32>} : memref<16x512xf32, #tpu.memory_space<vmem>>, vector<1x16xf32>,
      %parallel_loop3A_490 = vector.shape_cast %parallel_loop3A_489 : vector<1x16xf32> to vector<16xf32>
      %parallel_loop3A_491 = arith.index_cast %parallel_loop3A_481 : i32 to index
      %parallel_loop3A_492 = arith.index_cast %parallel_loop3A_486 : i32 to index
      %parallel_loop3A_493 = tpu.vector_load %arg10[%parallel_loop3A_491, %parallel_loop3A_492] {strides = array<i32>} : memref<16x512xf32, #tpu.memory_space<vmem>>, vector<1x16xf32>,
      %parallel_loop3A_494 = vector.shape_cast %parallel_loop3A_493 : vector<1x16xf32> to vector<16xf32>
      %parallel_loop3A_495 = arith.index_cast %parallel_loop3A_481 : i32 to index
      %parallel_loop3A_496 = arith.index_cast %parallel_loop3A_486 : i32 to index
      %parallel_loop3A_497 = tpu.vector_load %arg11[%parallel_loop3A_495, %parallel_loop3A_496] {strides = array<i32>} : memref<16x512xf32, #tpu.memory_space<vmem>>, vector<1x16xf32>,
      %parallel_loop3A_498 = vector.shape_cast %parallel_loop3A_497 : vector<1x16xf32> to vector<16xf32>
      %parallel_loop3A_499 = arith.index_cast %parallel_loop3A_481 : i32 to index
      %parallel_loop3A_500 = arith.index_cast %parallel_loop3A_486 : i32 to index
      %parallel_loop3A_501 = tpu.vector_load %arg12[%parallel_loop3A_499, %parallel_loop3A_500] {strides = array<i32>} : memref<16x512xf32, #tpu.memory_space<vmem>>, vector<1x16xf32>,
      %parallel_loop3A_502 = vector.shape_cast %parallel_loop3A_501 : vector<1x16xf32> to vector<16xf32>
      %parallel_loop3A_503 = arith.index_cast %parallel_loop3A_481 : i32 to index
      %parallel_loop3A_504 = arith.index_cast %parallel_loop3A_486 : i32 to index
      %parallel_loop3A_505 = tpu.vector_load %arg16[%parallel_loop3A_503, %parallel_loop3A_504] {strides = array<i32>} : memref<16x512xi32, #tpu.memory_space<vmem>>, vector<1x16xi32>,
      %parallel_loop3A_506 = vector.shape_cast %parallel_loop3A_505 : vector<1x16xi32> to vector<16xi32>
      %parallel_loop3A_507 = arith.index_cast %parallel_loop3A_481 : i32 to index
      %parallel_loop3A_508 = arith.index_cast %parallel_loop3A_486 : i32 to index
      %parallel_loop3A_509 = tpu.vector_load %arg17[%parallel_loop3A_507, %parallel_loop3A_508] {strides = array<i32>} : memref<16x512xi32, #tpu.memory_space<vmem>>, vector<1x16xi32>,
      %parallel_loop3A_510 = vector.shape_cast %parallel_loop3A_509 : vector<1x16xi32> to vector<16xi32>
      %parallel_loop3A_511 = arith.index_cast %parallel_loop3A_481 : i32 to index
      %parallel_loop3A_512 = arith.index_cast %parallel_loop3A_486 : i32 to index
      %parallel_loop3A_513 = tpu.vector_load %arg18[%parallel_loop3A_511, %parallel_loop3A_512] {strides = array<i32>} : memref<16x512xi32, #tpu.memory_space<vmem>>, vector<1x16xi32>,
      %parallel_loop3A_514 = vector.shape_cast %parallel_loop3A_513 : vector<1x16xi32> to vector<16xi32>
      %parallel_loop3A_515 = arith.constant 1 : i32
      %parallel_loop3A_516 = vector.broadcast %parallel_loop3A_515 : i32 to vector<16xi32>
      %parallel_loop3A_517 = arith.cmpi eq, %parallel_loop3A_506, %parallel_loop3A_516 : vector<16xi32>
      %parallel_loop3A_518 = arith.select %parallel_loop3A_517, %parallel_loop3A_494, %parallel_loop3A_490 : vector<16xi1>, vector<16xf32>
      %parallel_loop3A_519 = arith.constant 1 : i32
      %parallel_loop3A_520 = vector.broadcast %parallel_loop3A_519 : i32 to vector<16xi32>
      %parallel_loop3A_521 = arith.cmpi eq, %parallel_loop3A_510, %parallel_loop3A_520 : vector<16xi32>
      %parallel_loop3A_522 = arith.select %parallel_loop3A_521, %parallel_loop3A_498, %parallel_loop3A_518 : vector<16xi1>, vector<16xf32>
      %parallel_loop3A_523 = arith.constant 1 : i32
      %parallel_loop3A_524 = vector.broadcast %parallel_loop3A_523 : i32 to vector<16xi32>
      %parallel_loop3A_525 = arith.cmpi eq, %parallel_loop3A_514, %parallel_loop3A_524 : vector<16xi32>
      %parallel_loop3A_526 = arith.select %parallel_loop3A_525, %parallel_loop3A_502, %parallel_loop3A_522 : vector<16xi1>, vector<16xf32>
      %parallel_loop3A_527 = arith.addf %parallel_loop3A_490, %parallel_loop3A_494 : vector<16xf32>
      %parallel_loop3A_528 = arith.addf %parallel_loop3A_498, %parallel_loop3A_502 : vector<16xf32>
      %parallel_loop3A_529 = arith.addf %parallel_loop3A_527, %parallel_loop3A_528 : vector<16xf32>
      %parallel_loop3A_530 = arith.constant 0.999986648 : f32
      %parallel_loop3A_531 = vector.broadcast %parallel_loop3A_530 : f32 to vector<16xf32>
      %parallel_loop3A_532 = arith.mulf %parallel_loop3A_526, %parallel_loop3A_531 : vector<16xf32>
      %parallel_loop3A_533 = arith.constant 3.33333332E-6 : f32
      %parallel_loop3A_534 = vector.broadcast %parallel_loop3A_533 : f32 to vector<16xf32>
      %parallel_loop3A_535 = arith.mulf %parallel_loop3A_529, %parallel_loop3A_534 : vector<16xf32>
      %parallel_loop3A_536 = arith.addf %parallel_loop3A_532, %parallel_loop3A_535 : vector<16xf32>
      %parallel_loop3A_537 = arith.constant 9.99999974E-6 : f32
      %parallel_loop3A_538 = vector.broadcast %parallel_loop3A_537 : f32 to vector<16xf32>
      %parallel_loop3A_539 = arith.addf %parallel_loop3A_536, %parallel_loop3A_538 : vector<16xf32>
      %parallel_loop3A_540 = arith.constant 1.000000e+00 : f32
      %parallel_loop3A_541 = vector.broadcast %parallel_loop3A_540 : f32 to vector<16xf32>
      %parallel_loop3A_542 = arith.subf %parallel_loop3A_541, %parallel_loop3A_539 : vector<16xf32>
      %parallel_loop3A_543 = arith.mulf %parallel_loop3A_542, %parallel_loop3A_542 : vector<16xf32>
      %parallel_loop3A_544 = tpu.bitcast %parallel_loop3A_539 : vector<16xf32> -> vector<16xi32>
      %parallel_loop3A_545 = arith.constant 23 : i32
      %parallel_loop3A_546 = vector.broadcast %parallel_loop3A_545 : i32 to vector<16xi32>
      %parallel_loop3A_547 = arith.shrsi %parallel_loop3A_544, %parallel_loop3A_546 : vector<16xi32>
      %parallel_loop3A_548 = arith.sitofp %parallel_loop3A_547 : vector<16xi32> to vector<16xf32>
      %parallel_loop3A_549 = arith.constant 8388607 : i32
      %parallel_loop3A_550 = vector.broadcast %parallel_loop3A_549 : i32 to vector<16xi32>
      %parallel_loop3A_551 = arith.andi %parallel_loop3A_544, %parallel_loop3A_550 : vector<16xi32>
      %parallel_loop3A_552 = arith.constant 1065353216 : i32
      %parallel_loop3A_553 = vector.broadcast %parallel_loop3A_552 : i32 to vector<16xi32>
      %parallel_loop3A_554 = arith.ori %parallel_loop3A_551, %parallel_loop3A_553 : vector<16xi32>
      %parallel_loop3A_555 = tpu.bitcast %parallel_loop3A_554 : vector<16xi32> -> vector<16xf32>
      %parallel_loop3A_556 = arith.constant 1.000000e+00 : f32
      %parallel_loop3A_557 = vector.broadcast %parallel_loop3A_556 : f32 to vector<16xf32>
      %parallel_loop3A_558 = arith.subf %parallel_loop3A_555, %parallel_loop3A_557 : vector<16xf32>
      %parallel_loop3A_559 = arith.constant 1.000000e+00 : f32
      %parallel_loop3A_560 = vector.broadcast %parallel_loop3A_559 : f32 to vector<16xf32>
      %parallel_loop3A_561 = arith.addf %parallel_loop3A_555, %parallel_loop3A_560 : vector<16xf32>
      %parallel_loop3A_562 = arith.divf %parallel_loop3A_558, %parallel_loop3A_561 : vector<16xf32>
      %parallel_loop3A_563 = arith.mulf %parallel_loop3A_562, %parallel_loop3A_562 : vector<16xf32>
      %parallel_loop3A_564 = arith.constant 0.285714298 : f32
      %parallel_loop3A_565 = vector.broadcast %parallel_loop3A_564 : f32 to vector<16xf32>
      %parallel_loop3A_566 = arith.mulf %parallel_loop3A_563, %parallel_loop3A_565 : vector<16xf32>
      %parallel_loop3A_567 = arith.constant 4.000000e-01 : f32
      %parallel_loop3A_568 = vector.broadcast %parallel_loop3A_567 : f32 to vector<16xf32>
      %parallel_loop3A_569 = arith.addf %parallel_loop3A_568, %parallel_loop3A_566 : vector<16xf32>
      %parallel_loop3A_570 = arith.mulf %parallel_loop3A_563, %parallel_loop3A_569 : vector<16xf32>
      %parallel_loop3A_571 = arith.constant 0.666666686 : f32
      %parallel_loop3A_572 = vector.broadcast %parallel_loop3A_571 : f32 to vector<16xf32>
      %parallel_loop3A_573 = arith.addf %parallel_loop3A_572, %parallel_loop3A_570 : vector<16xf32>
      %parallel_loop3A_574 = arith.mulf %parallel_loop3A_563, %parallel_loop3A_573 : vector<16xf32>
      %parallel_loop3A_575 = arith.constant 2.000000e+00 : f32
      %parallel_loop3A_576 = vector.broadcast %parallel_loop3A_575 : f32 to vector<16xf32>
      %parallel_loop3A_577 = arith.addf %parallel_loop3A_576, %parallel_loop3A_574 : vector<16xf32>
      %parallel_loop3A_578 = arith.mulf %parallel_loop3A_562, %parallel_loop3A_577 : vector<16xf32>
      %parallel_loop3A_579 = arith.constant 0.693147182 : f32
      %parallel_loop3A_580 = vector.broadcast %parallel_loop3A_579 : f32 to vector<16xf32>
      %parallel_loop3A_581 = arith.mulf %parallel_loop3A_548, %parallel_loop3A_580 : vector<16xf32>
      %parallel_loop3A_582 = arith.constant 88.0296936 : f32
      %parallel_loop3A_583 = vector.broadcast %parallel_loop3A_582 : f32 to vector<16xf32>
      %parallel_loop3A_584 = arith.subf %parallel_loop3A_578, %parallel_loop3A_583 : vector<16xf32>
      %parallel_loop3A_585 = arith.addf %parallel_loop3A_581, %parallel_loop3A_584 : vector<16xf32>
      %parallel_loop3A_586 = arith.mulf %parallel_loop3A_543, %parallel_loop3A_585 : vector<16xf32>
      %parallel_loop3A_587 = arith.subf %parallel_loop3A_478, %parallel_loop3A_586 : vector<16xf32>
      %parallel_loop3A_588 = arith.constant 16 : i32
      %parallel_loop3A_589 = arith.addi %parallel_loop3A_486, %parallel_loop3A_588 : i32
      %parallel_loop3A_590 = tpu.assume_multiple %parallel_loop3A_589, 16 : i32
      %parallel_loop3A_591 = arith.index_cast %parallel_loop3A_481 : i32 to index
      %parallel_loop3A_592 = arith.index_cast %parallel_loop3A_590 : i32 to index
      %parallel_loop3A_593 = tpu.vector_load %arg9[%parallel_loop3A_591, %parallel_loop3A_592] {strides = array<i32>} : memref<16x512xf32, #tpu.memory_space<vmem>>, vector<1x16xf32>,
      %parallel_loop3A_594 = vector.shape_cast %parallel_loop3A_593 : vector<1x16xf32> to vector<16xf32>
      %parallel_loop3A_595 = arith.index_cast %parallel_loop3A_481 : i32 to index
      %parallel_loop3A_596 = arith.index_cast %parallel_loop3A_590 : i32 to index
      %parallel_loop3A_597 = tpu.vector_load %arg10[%parallel_loop3A_595, %parallel_loop3A_596] {strides = array<i32>} : memref<16x512xf32, #tpu.memory_space<vmem>>, vector<1x16xf32>,
      %parallel_loop3A_598 = vector.shape_cast %parallel_loop3A_597 : vector<1x16xf32> to vector<16xf32>
      %parallel_loop3A_599 = arith.index_cast %parallel_loop3A_481 : i32 to index
      %parallel_loop3A_600 = arith.index_cast %parallel_loop3A_590 : i32 to index
      %parallel_loop3A_601 = tpu.vector_load %arg11[%parallel_loop3A_599, %parallel_loop3A_600] {strides = array<i32>} : memref<16x512xf32, #tpu.memory_space<vmem>>, vector<1x16xf32>,
      %parallel_loop3A_602 = vector.shape_cast %parallel_loop3A_601 : vector<1x16xf32> to vector<16xf32>
      %parallel_loop3A_603 = arith.index_cast %parallel_loop3A_481 : i32 to index
      %parallel_loop3A_604 = arith.index_cast %parallel_loop3A_590 : i32 to index
      %parallel_loop3A_605 = tpu.vector_load %arg12[%parallel_loop3A_603, %parallel_loop3A_604] {strides = array<i32>} : memref<16x512xf32, #tpu.memory_space<vmem>>, vector<1x16xf32>,
      %parallel_loop3A_606 = vector.shape_cast %parallel_loop3A_605 : vector<1x16xf32> to vector<16xf32>
      %parallel_loop3A_607 = arith.index_cast %parallel_loop3A_481 : i32 to index
      %parallel_loop3A_608 = arith.index_cast %parallel_loop3A_590 : i32 to index
      %parallel_loop3A_609 = tpu.vector_load %arg16[%parallel_loop3A_607, %parallel_loop3A_608] {strides = array<i32>} : memref<16x512xi32, #tpu.memory_space<vmem>>, vector<1x16xi32>,
      %parallel_loop3A_610 = vector.shape_cast %parallel_loop3A_609 : vector<1x16xi32> to vector<16xi32>
      %parallel_loop3A_611 = arith.index_cast %parallel_loop3A_481 : i32 to index
      %parallel_loop3A_612 = arith.index_cast %parallel_loop3A_590 : i32 to index
      %parallel_loop3A_613 = tpu.vector_load %arg17[%parallel_loop3A_611, %parallel_loop3A_612] {strides = array<i32>} : memref<16x512xi32, #tpu.memory_space<vmem>>, vector<1x16xi32>,
      %parallel_loop3A_614 = vector.shape_cast %parallel_loop3A_613 : vector<1x16xi32> to vector<16xi32>
      %parallel_loop3A_615 = arith.index_cast %parallel_loop3A_481 : i32 to index
      %parallel_loop3A_616 = arith.index_cast %parallel_loop3A_590 : i32 to index
      %parallel_loop3A_617 = tpu.vector_load %arg18[%parallel_loop3A_615, %parallel_loop3A_616] {strides = array<i32>} : memref<16x512xi32, #tpu.memory_space<vmem>>, vector<1x16xi32>,
      %parallel_loop3A_618 = vector.shape_cast %parallel_loop3A_617 : vector<1x16xi32> to vector<16xi32>
      %parallel_loop3A_619 = arith.constant 1 : i32
      %parallel_loop3A_620 = vector.broadcast %parallel_loop3A_619 : i32 to vector<16xi32>
      %parallel_loop3A_621 = arith.cmpi eq, %parallel_loop3A_610, %parallel_loop3A_620 : vector<16xi32>
      %parallel_loop3A_622 = arith.select %parallel_loop3A_621, %parallel_loop3A_598, %parallel_loop3A_594 : vector<16xi1>, vector<16xf32>
      %parallel_loop3A_623 = arith.constant 1 : i32
      %parallel_loop3A_624 = vector.broadcast %parallel_loop3A_623 : i32 to vector<16xi32>
      %parallel_loop3A_625 = arith.cmpi eq, %parallel_loop3A_614, %parallel_loop3A_624 : vector<16xi32>
      %parallel_loop3A_626 = arith.select %parallel_loop3A_625, %parallel_loop3A_602, %parallel_loop3A_622 : vector<16xi1>, vector<16xf32>
      %parallel_loop3A_627 = arith.constant 1 : i32
      %parallel_loop3A_628 = vector.broadcast %parallel_loop3A_627 : i32 to vector<16xi32>
      %parallel_loop3A_629 = arith.cmpi eq, %parallel_loop3A_618, %parallel_loop3A_628 : vector<16xi32>
      %parallel_loop3A_630 = arith.select %parallel_loop3A_629, %parallel_loop3A_606, %parallel_loop3A_626 : vector<16xi1>, vector<16xf32>
      %parallel_loop3A_631 = arith.addf %parallel_loop3A_594, %parallel_loop3A_598 : vector<16xf32>
      %parallel_loop3A_632 = arith.addf %parallel_loop3A_602, %parallel_loop3A_606 : vector<16xf32>
      %parallel_loop3A_633 = arith.addf %parallel_loop3A_631, %parallel_loop3A_632 : vector<16xf32>
      %parallel_loop3A_634 = arith.constant 0.999986648 : f32
      %parallel_loop3A_635 = vector.broadcast %parallel_loop3A_634 : f32 to vector<16xf32>
      %parallel_loop3A_636 = arith.mulf %parallel_loop3A_630, %parallel_loop3A_635 : vector<16xf32>
      %parallel_loop3A_637 = arith.constant 3.33333332E-6 : f32
      %parallel_loop3A_638 = vector.broadcast %parallel_loop3A_637 : f32 to vector<16xf32>
      %parallel_loop3A_639 = arith.mulf %parallel_loop3A_633, %parallel_loop3A_638 : vector<16xf32>
      %parallel_loop3A_640 = arith.addf %parallel_loop3A_636, %parallel_loop3A_639 : vector<16xf32>
      %parallel_loop3A_641 = arith.constant 9.99999974E-6 : f32
      %parallel_loop3A_642 = vector.broadcast %parallel_loop3A_641 : f32 to vector<16xf32>
      %parallel_loop3A_643 = arith.addf %parallel_loop3A_640, %parallel_loop3A_642 : vector<16xf32>
      %parallel_loop3A_644 = arith.constant 1.000000e+00 : f32
      %parallel_loop3A_645 = vector.broadcast %parallel_loop3A_644 : f32 to vector<16xf32>
      %parallel_loop3A_646 = arith.subf %parallel_loop3A_645, %parallel_loop3A_643 : vector<16xf32>
      %parallel_loop3A_647 = arith.mulf %parallel_loop3A_646, %parallel_loop3A_646 : vector<16xf32>
      %parallel_loop3A_648 = tpu.bitcast %parallel_loop3A_643 : vector<16xf32> -> vector<16xi32>
      %parallel_loop3A_649 = arith.constant 23 : i32
      %parallel_loop3A_650 = vector.broadcast %parallel_loop3A_649 : i32 to vector<16xi32>
      %parallel_loop3A_651 = arith.shrsi %parallel_loop3A_648, %parallel_loop3A_650 : vector<16xi32>
      %parallel_loop3A_652 = arith.sitofp %parallel_loop3A_651 : vector<16xi32> to vector<16xf32>
      %parallel_loop3A_653 = arith.constant 8388607 : i32
      %parallel_loop3A_654 = vector.broadcast %parallel_loop3A_653 : i32 to vector<16xi32>
      %parallel_loop3A_655 = arith.andi %parallel_loop3A_648, %parallel_loop3A_654 : vector<16xi32>
      %parallel_loop3A_656 = arith.constant 1065353216 : i32
      %parallel_loop3A_657 = vector.broadcast %parallel_loop3A_656 : i32 to vector<16xi32>
      %parallel_loop3A_658 = arith.ori %parallel_loop3A_655, %parallel_loop3A_657 : vector<16xi32>
      %parallel_loop3A_659 = tpu.bitcast %parallel_loop3A_658 : vector<16xi32> -> vector<16xf32>
      %parallel_loop3A_660 = arith.constant 1.000000e+00 : f32
      %parallel_loop3A_661 = vector.broadcast %parallel_loop3A_660 : f32 to vector<16xf32>
      %parallel_loop3A_662 = arith.subf %parallel_loop3A_659, %parallel_loop3A_661 : vector<16xf32>
      %parallel_loop3A_663 = arith.constant 1.000000e+00 : f32
      %parallel_loop3A_664 = vector.broadcast %parallel_loop3A_663 : f32 to vector<16xf32>
      %parallel_loop3A_665 = arith.addf %parallel_loop3A_659, %parallel_loop3A_664 : vector<16xf32>
      %parallel_loop3A_666 = arith.divf %parallel_loop3A_662, %parallel_loop3A_665 : vector<16xf32>
      %parallel_loop3A_667 = arith.mulf %parallel_loop3A_666, %parallel_loop3A_666 : vector<16xf32>
      %parallel_loop3A_668 = arith.constant 0.285714298 : f32
      %parallel_loop3A_669 = vector.broadcast %parallel_loop3A_668 : f32 to vector<16xf32>
      %parallel_loop3A_670 = arith.mulf %parallel_loop3A_667, %parallel_loop3A_669 : vector<16xf32>
      %parallel_loop3A_671 = arith.constant 4.000000e-01 : f32
      %parallel_loop3A_672 = vector.broadcast %parallel_loop3A_671 : f32 to vector<16xf32>
      %parallel_loop3A_673 = arith.addf %parallel_loop3A_672, %parallel_loop3A_670 : vector<16xf32>
      %parallel_loop3A_674 = arith.mulf %parallel_loop3A_667, %parallel_loop3A_673 : vector<16xf32>
      %parallel_loop3A_675 = arith.constant 0.666666686 : f32
      %parallel_loop3A_676 = vector.broadcast %parallel_loop3A_675 : f32 to vector<16xf32>
      %parallel_loop3A_677 = arith.addf %parallel_loop3A_676, %parallel_loop3A_674 : vector<16xf32>
      %parallel_loop3A_678 = arith.mulf %parallel_loop3A_667, %parallel_loop3A_677 : vector<16xf32>
      %parallel_loop3A_679 = arith.constant 2.000000e+00 : f32
      %parallel_loop3A_680 = vector.broadcast %parallel_loop3A_679 : f32 to vector<16xf32>
      %parallel_loop3A_681 = arith.addf %parallel_loop3A_680, %parallel_loop3A_678 : vector<16xf32>
      %parallel_loop3A_682 = arith.mulf %parallel_loop3A_666, %parallel_loop3A_681 : vector<16xf32>
      %parallel_loop3A_683 = arith.constant 0.693147182 : f32
      %parallel_loop3A_684 = vector.broadcast %parallel_loop3A_683 : f32 to vector<16xf32>
      %parallel_loop3A_685 = arith.mulf %parallel_loop3A_652, %parallel_loop3A_684 : vector<16xf32>
      %parallel_loop3A_686 = arith.constant 88.0296936 : f32
      %parallel_loop3A_687 = vector.broadcast %parallel_loop3A_686 : f32 to vector<16xf32>
      %parallel_loop3A_688 = arith.subf %parallel_loop3A_682, %parallel_loop3A_687 : vector<16xf32>
      %parallel_loop3A_689 = arith.addf %parallel_loop3A_685, %parallel_loop3A_688 : vector<16xf32>
      %parallel_loop3A_690 = arith.mulf %parallel_loop3A_647, %parallel_loop3A_689 : vector<16xf32>
      %parallel_loop3A_691 = arith.subf %parallel_loop3A_479, %parallel_loop3A_690 : vector<16xf32>
      scf.yield %parallel_loop3A_587, %parallel_loop3A_691 : vector<16xf32>, vector<16xf32>
    } {sc.loop_unroll_factor = 4 : i64, sc.parallel_access}
    %dma_wait3A_425 = arith.constant 0 : i32
    %dma_wait3A_426 = tpu.memref_slice %arg2[%add3A_312, %select_n3A_308, %dma_wait3A_425] : memref<32x512x512xf32, #tpu.memory_space<hbm>> -> memref<1x16x512xf32, #tpu.memory_space<hbm>>
    %dma_wait3A_427 = tpu.memref_squeeze %dma_wait3A_426 : memref<1x16x512xf32, #tpu.memory_space<hbm>> -> memref<16x512xf32, #tpu.memory_space<hbm>>
    %dma_wait3A_428 = arith.constant 0 : i32
    %dma_wait3A_429 = tpu.memref_slice %arg2[%add3A_312, %select_n3A_308, %dma_wait3A_428] : memref<32x512x512xf32, #tpu.memory_space<hbm>> -> memref<1x16x512xf32, #tpu.memory_space<hbm>>
    %dma_wait3A_430 = tpu.memref_squeeze %dma_wait3A_429 : memref<1x16x512xf32, #tpu.memory_space<hbm>> -> memref<16x512xf32, #tpu.memory_space<hbm>>
    tpu.wait_dma2 semaphore(%arg20 : memref<!tpu.dma_semaphore, #tpu.memory_space<semaphore_mem>>) src(%dma_wait3A_430 : memref<16x512xf32, #tpu.memory_space<hbm>>) dst(%arg5 : memref<16x512xf32, #tpu.memory_space<vmem>>)
    %dma_wait3A_431 = arith.constant 0 : i32
    %dma_wait3A_432 = tpu.memref_slice %arg2[%add3A_322, %select_n3A_308, %dma_wait3A_431] : memref<32x512x512xf32, #tpu.memory_space<hbm>> -> memref<1x16x512xf32, #tpu.memory_space<hbm>>
    %dma_wait3A_433 = tpu.memref_squeeze %dma_wait3A_432 : memref<1x16x512xf32, #tpu.memory_space<hbm>> -> memref<16x512xf32, #tpu.memory_space<hbm>>
    %dma_wait3A_434 = arith.constant 0 : i32
    %dma_wait3A_435 = tpu.memref_slice %arg2[%add3A_322, %select_n3A_308, %dma_wait3A_434] : memref<32x512x512xf32, #tpu.memory_space<hbm>> -> memref<1x16x512xf32, #tpu.memory_space<hbm>>
    %dma_wait3A_436 = tpu.memref_squeeze %dma_wait3A_435 : memref<1x16x512xf32, #tpu.memory_space<hbm>> -> memref<16x512xf32, #tpu.memory_space<hbm>>
    tpu.wait_dma2 semaphore(%arg20 : memref<!tpu.dma_semaphore, #tpu.memory_space<semaphore_mem>>) src(%dma_wait3A_436 : memref<16x512xf32, #tpu.memory_space<hbm>>) dst(%arg6 : memref<16x512xf32, #tpu.memory_space<vmem>>)
    %dma_wait3A_437 = arith.constant 0 : i32
    %dma_wait3A_438 = tpu.memref_slice %arg2[%add3A_332, %select_n3A_308, %dma_wait3A_437] : memref<32x512x512xf32, #tpu.memory_space<hbm>> -> memref<1x16x512xf32, #tpu.memory_space<hbm>>
    %dma_wait3A_439 = tpu.memref_squeeze %dma_wait3A_438 : memref<1x16x512xf32, #tpu.memory_space<hbm>> -> memref<16x512xf32, #tpu.memory_space<hbm>>
    %dma_wait3A_440 = arith.constant 0 : i32
    %dma_wait3A_441 = tpu.memref_slice %arg2[%add3A_332, %select_n3A_308, %dma_wait3A_440] : memref<32x512x512xf32, #tpu.memory_space<hbm>> -> memref<1x16x512xf32, #tpu.memory_space<hbm>>
    %dma_wait3A_442 = tpu.memref_squeeze %dma_wait3A_441 : memref<1x16x512xf32, #tpu.memory_space<hbm>> -> memref<16x512xf32, #tpu.memory_space<hbm>>
    tpu.wait_dma2 semaphore(%arg20 : memref<!tpu.dma_semaphore, #tpu.memory_space<semaphore_mem>>) src(%dma_wait3A_442 : memref<16x512xf32, #tpu.memory_space<hbm>>) dst(%arg7 : memref<16x512xf32, #tpu.memory_space<vmem>>)
    %dma_wait3A_443 = arith.constant 0 : i32
    %dma_wait3A_444 = tpu.memref_slice %arg2[%add3A_342, %select_n3A_308, %dma_wait3A_443] : memref<32x512x512xf32, #tpu.memory_space<hbm>> -> memref<1x16x512xf32, #tpu.memory_space<hbm>>
    %dma_wait3A_445 = tpu.memref_squeeze %dma_wait3A_444 : memref<1x16x512xf32, #tpu.memory_space<hbm>> -> memref<16x512xf32, #tpu.memory_space<hbm>>
    %dma_wait3A_446 = arith.constant 0 : i32
    %dma_wait3A_447 = tpu.memref_slice %arg2[%add3A_342, %select_n3A_308, %dma_wait3A_446] : memref<32x512x512xf32, #tpu.memory_space<hbm>> -> memref<1x16x512xf32, #tpu.memory_space<hbm>>
    %dma_wait3A_448 = tpu.memref_squeeze %dma_wait3A_447 : memref<1x16x512xf32, #tpu.memory_space<hbm>> -> memref<16x512xf32, #tpu.memory_space<hbm>>
    tpu.wait_dma2 semaphore(%arg20 : memref<!tpu.dma_semaphore, #tpu.memory_space<semaphore_mem>>) src(%dma_wait3A_448 : memref<16x512xf32, #tpu.memory_space<hbm>>) dst(%arg8 : memref<16x512xf32, #tpu.memory_space<vmem>>)
    %dma_wait3A_449 = arith.constant 0 : i32
    %dma_wait3A_450 = tpu.memref_slice %arg3[%add3A_352, %select_n3A_308, %dma_wait3A_449] : memref<32x512x512xi32, #tpu.memory_space<hbm>> -> memref<1x16x512xi32, #tpu.memory_space<hbm>>
    %dma_wait3A_451 = tpu.memref_squeeze %dma_wait3A_450 : memref<1x16x512xi32, #tpu.memory_space<hbm>> -> memref<16x512xi32, #tpu.memory_space<hbm>>
    %dma_wait3A_452 = arith.constant 0 : i32
    %dma_wait3A_453 = tpu.memref_slice %arg3[%add3A_352, %select_n3A_308, %dma_wait3A_452] : memref<32x512x512xi32, #tpu.memory_space<hbm>> -> memref<1x16x512xi32, #tpu.memory_space<hbm>>
    %dma_wait3A_454 = tpu.memref_squeeze %dma_wait3A_453 : memref<1x16x512xi32, #tpu.memory_space<hbm>> -> memref<16x512xi32, #tpu.memory_space<hbm>>
    tpu.wait_dma2 semaphore(%arg20 : memref<!tpu.dma_semaphore, #tpu.memory_space<semaphore_mem>>) src(%dma_wait3A_454 : memref<16x512xi32, #tpu.memory_space<hbm>>) dst(%arg13 : memref<16x512xi32, #tpu.memory_space<vmem>>)
    %dma_wait3A_455 = arith.constant 0 : i32
    %dma_wait3A_456 = tpu.memref_slice %arg3[%add3A_362, %select_n3A_308, %dma_wait3A_455] : memref<32x512x512xi32, #tpu.memory_space<hbm>> -> memref<1x16x512xi32, #tpu.memory_space<hbm>>
    %dma_wait3A_457 = tpu.memref_squeeze %dma_wait3A_456 : memref<1x16x512xi32, #tpu.memory_space<hbm>> -> memref<16x512xi32, #tpu.memory_space<hbm>>
    %dma_wait3A_458 = arith.constant 0 : i32
    %dma_wait3A_459 = tpu.memref_slice %arg3[%add3A_362, %select_n3A_308, %dma_wait3A_458] : memref<32x512x512xi32, #tpu.memory_space<hbm>> -> memref<1x16x512xi32, #tpu.memory_space<hbm>>
    %dma_wait3A_460 = tpu.memref_squeeze %dma_wait3A_459 : memref<1x16x512xi32, #tpu.memory_space<hbm>> -> memref<16x512xi32, #tpu.memory_space<hbm>>
    tpu.wait_dma2 semaphore(%arg20 : memref<!tpu.dma_semaphore, #tpu.memory_space<semaphore_mem>>) src(%dma_wait3A_460 : memref<16x512xi32, #tpu.memory_space<hbm>>) dst(%arg14 : memref<16x512xi32, #tpu.memory_space<vmem>>)
    %dma_wait3A_461 = arith.constant 0 : i32
    %dma_wait3A_462 = tpu.memref_slice %arg3[%add3A_372, %select_n3A_308, %dma_wait3A_461] : memref<32x512x512xi32, #tpu.memory_space<hbm>> -> memref<1x16x512xi32, #tpu.memory_space<hbm>>
    %dma_wait3A_463 = tpu.memref_squeeze %dma_wait3A_462 : memref<1x16x512xi32, #tpu.memory_space<hbm>> -> memref<16x512xi32, #tpu.memory_space<hbm>>
    %dma_wait3A_464 = arith.constant 0 : i32
    %dma_wait3A_465 = tpu.memref_slice %arg3[%add3A_372, %select_n3A_308, %dma_wait3A_464] : memref<32x512x512xi32, #tpu.memory_space<hbm>> -> memref<1x16x512xi32, #tpu.memory_space<hbm>>
    %dma_wait3A_466 = tpu.memref_squeeze %dma_wait3A_465 : memref<1x16x512xi32, #tpu.memory_space<hbm>> -> memref<16x512xi32, #tpu.memory_space<hbm>>
    tpu.wait_dma2 semaphore(%arg20 : memref<!tpu.dma_semaphore, #tpu.memory_space<semaphore_mem>>) src(%dma_wait3A_466 : memref<16x512xi32, #tpu.memory_space<hbm>>) dst(%arg15 : memref<16x512xi32, #tpu.memory_space<vmem>>)
    %parallel_loop3A_467 = arith.constant 0 : i32
    %parallel_loop3A_468 = arith.constant 256 : i32
    %parallel_loop3A_469 = arith.constant 1 : i32
    %parallel_loop3A_470:2 = scf.for %parallel_loop3A_477 = %parallel_loop3A_467 to %parallel_loop3A_468 step %parallel_loop3A_469 iter_args(%parallel_loop3A_478 = %parallel_loop3A_424#0, %parallel_loop3A_479 = %parallel_loop3A_424#1) -> (vector<16xf32>, vector<16xf32>)  : i32 {
      %parallel_loop3A_480 = arith.constant 4 : i32
      %parallel_loop3A_481 = arith.shrsi %parallel_loop3A_477, %parallel_loop3A_480 : i32
      %parallel_loop3A_482 = arith.constant 15 : i32
      %parallel_loop3A_483 = arith.andi %parallel_loop3A_477, %parallel_loop3A_482 : i32
      %parallel_loop3A_484 = arith.constant 5 : i32
      %parallel_loop3A_485 = arith.shli %parallel_loop3A_483, %parallel_loop3A_484 : i32
      %parallel_loop3A_486 = tpu.assume_multiple %parallel_loop3A_485, 32 : i32
      %parallel_loop3A_487 = arith.index_cast %parallel_loop3A_481 : i32 to index
      %parallel_loop3A_488 = arith.index_cast %parallel_loop3A_486 : i32 to index
      %parallel_loop3A_489 = tpu.vector_load %arg5[%parallel_loop3A_487, %parallel_loop3A_488] {strides = array<i32>} : memref<16x512xf32, #tpu.memory_space<vmem>>, vector<1x16xf32>,
      %parallel_loop3A_490 = vector.shape_cast %parallel_loop3A_489 : vector<1x16xf32> to vector<16xf32>
      %parallel_loop3A_491 = arith.index_cast %parallel_loop3A_481 : i32 to index
      %parallel_loop3A_492 = arith.index_cast %parallel_loop3A_486 : i32 to index
      %parallel_loop3A_493 = tpu.vector_load %arg6[%parallel_loop3A_491, %parallel_loop3A_492] {strides = array<i32>} : memref<16x512xf32, #tpu.memory_space<vmem>>, vector<1x16xf32>,
      %parallel_loop3A_494 = vector.shape_cast %parallel_loop3A_493 : vector<1x16xf32> to vector<16xf32>
      %parallel_loop3A_495 = arith.index_cast %parallel_loop3A_481 : i32 to index
      %parallel_loop3A_496 = arith.index_cast %parallel_loop3A_486 : i32 to index
      %parallel_loop3A_497 = tpu.vector_load %arg7[%parallel_loop3A_495, %parallel_loop3A_496] {strides = array<i32>} : memref<16x512xf32, #tpu.memory_space<vmem>>, vector<1x16xf32>,
      %parallel_loop3A_498 = vector.shape_cast %parallel_loop3A_497 : vector<1x16xf32> to vector<16xf32>
      %parallel_loop3A_499 = arith.index_cast %parallel_loop3A_481 : i32 to index
      %parallel_loop3A_500 = arith.index_cast %parallel_loop3A_486 : i32 to index
      %parallel_loop3A_501 = tpu.vector_load %arg8[%parallel_loop3A_499, %parallel_loop3A_500] {strides = array<i32>} : memref<16x512xf32, #tpu.memory_space<vmem>>, vector<1x16xf32>,
      %parallel_loop3A_502 = vector.shape_cast %parallel_loop3A_501 : vector<1x16xf32> to vector<16xf32>
      %parallel_loop3A_503 = arith.index_cast %parallel_loop3A_481 : i32 to index
      %parallel_loop3A_504 = arith.index_cast %parallel_loop3A_486 : i32 to index
      %parallel_loop3A_505 = tpu.vector_load %arg13[%parallel_loop3A_503, %parallel_loop3A_504] {strides = array<i32>} : memref<16x512xi32, #tpu.memory_space<vmem>>, vector<1x16xi32>,
      %parallel_loop3A_506 = vector.shape_cast %parallel_loop3A_505 : vector<1x16xi32> to vector<16xi32>
      %parallel_loop3A_507 = arith.index_cast %parallel_loop3A_481 : i32 to index
      %parallel_loop3A_508 = arith.index_cast %parallel_loop3A_486 : i32 to index
      %parallel_loop3A_509 = tpu.vector_load %arg14[%parallel_loop3A_507, %parallel_loop3A_508] {strides = array<i32>} : memref<16x512xi32, #tpu.memory_space<vmem>>, vector<1x16xi32>,
      %parallel_loop3A_510 = vector.shape_cast %parallel_loop3A_509 : vector<1x16xi32> to vector<16xi32>
      %parallel_loop3A_511 = arith.index_cast %parallel_loop3A_481 : i32 to index
      %parallel_loop3A_512 = arith.index_cast %parallel_loop3A_486 : i32 to index
      %parallel_loop3A_513 = tpu.vector_load %arg15[%parallel_loop3A_511, %parallel_loop3A_512] {strides = array<i32>} : memref<16x512xi32, #tpu.memory_space<vmem>>, vector<1x16xi32>,
      %parallel_loop3A_514 = vector.shape_cast %parallel_loop3A_513 : vector<1x16xi32> to vector<16xi32>
      %parallel_loop3A_515 = arith.constant 1 : i32
      %parallel_loop3A_516 = vector.broadcast %parallel_loop3A_515 : i32 to vector<16xi32>
      %parallel_loop3A_517 = arith.cmpi eq, %parallel_loop3A_506, %parallel_loop3A_516 : vector<16xi32>
      %parallel_loop3A_518 = arith.select %parallel_loop3A_517, %parallel_loop3A_494, %parallel_loop3A_490 : vector<16xi1>, vector<16xf32>
      %parallel_loop3A_519 = arith.constant 1 : i32
      %parallel_loop3A_520 = vector.broadcast %parallel_loop3A_519 : i32 to vector<16xi32>
      %parallel_loop3A_521 = arith.cmpi eq, %parallel_loop3A_510, %parallel_loop3A_520 : vector<16xi32>
      %parallel_loop3A_522 = arith.select %parallel_loop3A_521, %parallel_loop3A_498, %parallel_loop3A_518 : vector<16xi1>, vector<16xf32>
      %parallel_loop3A_523 = arith.constant 1 : i32
      %parallel_loop3A_524 = vector.broadcast %parallel_loop3A_523 : i32 to vector<16xi32>
      %parallel_loop3A_525 = arith.cmpi eq, %parallel_loop3A_514, %parallel_loop3A_524 : vector<16xi32>
      %parallel_loop3A_526 = arith.select %parallel_loop3A_525, %parallel_loop3A_502, %parallel_loop3A_522 : vector<16xi1>, vector<16xf32>
      %parallel_loop3A_527 = arith.addf %parallel_loop3A_490, %parallel_loop3A_494 : vector<16xf32>
      %parallel_loop3A_528 = arith.addf %parallel_loop3A_498, %parallel_loop3A_502 : vector<16xf32>
      %parallel_loop3A_529 = arith.addf %parallel_loop3A_527, %parallel_loop3A_528 : vector<16xf32>
      %parallel_loop3A_530 = arith.constant 0.999986648 : f32
      %parallel_loop3A_531 = vector.broadcast %parallel_loop3A_530 : f32 to vector<16xf32>
      %parallel_loop3A_532 = arith.mulf %parallel_loop3A_526, %parallel_loop3A_531 : vector<16xf32>
      %parallel_loop3A_533 = arith.constant 3.33333332E-6 : f32
      %parallel_loop3A_534 = vector.broadcast %parallel_loop3A_533 : f32 to vector<16xf32>
      %parallel_loop3A_535 = arith.mulf %parallel_loop3A_529, %parallel_loop3A_534 : vector<16xf32>
      %parallel_loop3A_536 = arith.addf %parallel_loop3A_532, %parallel_loop3A_535 : vector<16xf32>
      %parallel_loop3A_537 = arith.constant 9.99999974E-6 : f32
      %parallel_loop3A_538 = vector.broadcast %parallel_loop3A_537 : f32 to vector<16xf32>
      %parallel_loop3A_539 = arith.addf %parallel_loop3A_536, %parallel_loop3A_538 : vector<16xf32>
      %parallel_loop3A_540 = arith.constant 1.000000e+00 : f32
      %parallel_loop3A_541 = vector.broadcast %parallel_loop3A_540 : f32 to vector<16xf32>
      %parallel_loop3A_542 = arith.subf %parallel_loop3A_541, %parallel_loop3A_539 : vector<16xf32>
      %parallel_loop3A_543 = arith.mulf %parallel_loop3A_542, %parallel_loop3A_542 : vector<16xf32>
      %parallel_loop3A_544 = tpu.bitcast %parallel_loop3A_539 : vector<16xf32> -> vector<16xi32>
      %parallel_loop3A_545 = arith.constant 23 : i32
      %parallel_loop3A_546 = vector.broadcast %parallel_loop3A_545 : i32 to vector<16xi32>
      %parallel_loop3A_547 = arith.shrsi %parallel_loop3A_544, %parallel_loop3A_546 : vector<16xi32>
      %parallel_loop3A_548 = arith.sitofp %parallel_loop3A_547 : vector<16xi32> to vector<16xf32>
      %parallel_loop3A_549 = arith.constant 8388607 : i32
      %parallel_loop3A_550 = vector.broadcast %parallel_loop3A_549 : i32 to vector<16xi32>
      %parallel_loop3A_551 = arith.andi %parallel_loop3A_544, %parallel_loop3A_550 : vector<16xi32>
      %parallel_loop3A_552 = arith.constant 1065353216 : i32
      %parallel_loop3A_553 = vector.broadcast %parallel_loop3A_552 : i32 to vector<16xi32>
      %parallel_loop3A_554 = arith.ori %parallel_loop3A_551, %parallel_loop3A_553 : vector<16xi32>
      %parallel_loop3A_555 = tpu.bitcast %parallel_loop3A_554 : vector<16xi32> -> vector<16xf32>
      %parallel_loop3A_556 = arith.constant 1.000000e+00 : f32
      %parallel_loop3A_557 = vector.broadcast %parallel_loop3A_556 : f32 to vector<16xf32>
      %parallel_loop3A_558 = arith.subf %parallel_loop3A_555, %parallel_loop3A_557 : vector<16xf32>
      %parallel_loop3A_559 = arith.constant 1.000000e+00 : f32
      %parallel_loop3A_560 = vector.broadcast %parallel_loop3A_559 : f32 to vector<16xf32>
      %parallel_loop3A_561 = arith.addf %parallel_loop3A_555, %parallel_loop3A_560 : vector<16xf32>
      %parallel_loop3A_562 = arith.divf %parallel_loop3A_558, %parallel_loop3A_561 : vector<16xf32>
      %parallel_loop3A_563 = arith.mulf %parallel_loop3A_562, %parallel_loop3A_562 : vector<16xf32>
      %parallel_loop3A_564 = arith.constant 0.285714298 : f32
      %parallel_loop3A_565 = vector.broadcast %parallel_loop3A_564 : f32 to vector<16xf32>
      %parallel_loop3A_566 = arith.mulf %parallel_loop3A_563, %parallel_loop3A_565 : vector<16xf32>
      %parallel_loop3A_567 = arith.constant 4.000000e-01 : f32
      %parallel_loop3A_568 = vector.broadcast %parallel_loop3A_567 : f32 to vector<16xf32>
      %parallel_loop3A_569 = arith.addf %parallel_loop3A_568, %parallel_loop3A_566 : vector<16xf32>
      %parallel_loop3A_570 = arith.mulf %parallel_loop3A_563, %parallel_loop3A_569 : vector<16xf32>
      %parallel_loop3A_571 = arith.constant 0.666666686 : f32
      %parallel_loop3A_572 = vector.broadcast %parallel_loop3A_571 : f32 to vector<16xf32>
      %parallel_loop3A_573 = arith.addf %parallel_loop3A_572, %parallel_loop3A_570 : vector<16xf32>
      %parallel_loop3A_574 = arith.mulf %parallel_loop3A_563, %parallel_loop3A_573 : vector<16xf32>
      %parallel_loop3A_575 = arith.constant 2.000000e+00 : f32
      %parallel_loop3A_576 = vector.broadcast %parallel_loop3A_575 : f32 to vector<16xf32>
      %parallel_loop3A_577 = arith.addf %parallel_loop3A_576, %parallel_loop3A_574 : vector<16xf32>
      %parallel_loop3A_578 = arith.mulf %parallel_loop3A_562, %parallel_loop3A_577 : vector<16xf32>
      %parallel_loop3A_579 = arith.constant 0.693147182 : f32
      %parallel_loop3A_580 = vector.broadcast %parallel_loop3A_579 : f32 to vector<16xf32>
      %parallel_loop3A_581 = arith.mulf %parallel_loop3A_548, %parallel_loop3A_580 : vector<16xf32>
      %parallel_loop3A_582 = arith.constant 88.0296936 : f32
      %parallel_loop3A_583 = vector.broadcast %parallel_loop3A_582 : f32 to vector<16xf32>
      %parallel_loop3A_584 = arith.subf %parallel_loop3A_578, %parallel_loop3A_583 : vector<16xf32>
      %parallel_loop3A_585 = arith.addf %parallel_loop3A_581, %parallel_loop3A_584 : vector<16xf32>
      %parallel_loop3A_586 = arith.mulf %parallel_loop3A_543, %parallel_loop3A_585 : vector<16xf32>
      %parallel_loop3A_587 = arith.subf %parallel_loop3A_478, %parallel_loop3A_586 : vector<16xf32>
      %parallel_loop3A_588 = arith.constant 16 : i32
      %parallel_loop3A_589 = arith.addi %parallel_loop3A_486, %parallel_loop3A_588 : i32
      %parallel_loop3A_590 = tpu.assume_multiple %parallel_loop3A_589, 16 : i32
      %parallel_loop3A_591 = arith.index_cast %parallel_loop3A_481 : i32 to index
      %parallel_loop3A_592 = arith.index_cast %parallel_loop3A_590 : i32 to index
      %parallel_loop3A_593 = tpu.vector_load %arg5[%parallel_loop3A_591, %parallel_loop3A_592] {strides = array<i32>} : memref<16x512xf32, #tpu.memory_space<vmem>>, vector<1x16xf32>,
      %parallel_loop3A_594 = vector.shape_cast %parallel_loop3A_593 : vector<1x16xf32> to vector<16xf32>
      %parallel_loop3A_595 = arith.index_cast %parallel_loop3A_481 : i32 to index
      %parallel_loop3A_596 = arith.index_cast %parallel_loop3A_590 : i32 to index
      %parallel_loop3A_597 = tpu.vector_load %arg6[%parallel_loop3A_595, %parallel_loop3A_596] {strides = array<i32>} : memref<16x512xf32, #tpu.memory_space<vmem>>, vector<1x16xf32>,
      %parallel_loop3A_598 = vector.shape_cast %parallel_loop3A_597 : vector<1x16xf32> to vector<16xf32>
      %parallel_loop3A_599 = arith.index_cast %parallel_loop3A_481 : i32 to index
      %parallel_loop3A_600 = arith.index_cast %parallel_loop3A_590 : i32 to index
      %parallel_loop3A_601 = tpu.vector_load %arg7[%parallel_loop3A_599, %parallel_loop3A_600] {strides = array<i32>} : memref<16x512xf32, #tpu.memory_space<vmem>>, vector<1x16xf32>,
      %parallel_loop3A_602 = vector.shape_cast %parallel_loop3A_601 : vector<1x16xf32> to vector<16xf32>
      %parallel_loop3A_603 = arith.index_cast %parallel_loop3A_481 : i32 to index
      %parallel_loop3A_604 = arith.index_cast %parallel_loop3A_590 : i32 to index
      %parallel_loop3A_605 = tpu.vector_load %arg8[%parallel_loop3A_603, %parallel_loop3A_604] {strides = array<i32>} : memref<16x512xf32, #tpu.memory_space<vmem>>, vector<1x16xf32>,
      %parallel_loop3A_606 = vector.shape_cast %parallel_loop3A_605 : vector<1x16xf32> to vector<16xf32>
      %parallel_loop3A_607 = arith.index_cast %parallel_loop3A_481 : i32 to index
      %parallel_loop3A_608 = arith.index_cast %parallel_loop3A_590 : i32 to index
      %parallel_loop3A_609 = tpu.vector_load %arg13[%parallel_loop3A_607, %parallel_loop3A_608] {strides = array<i32>} : memref<16x512xi32, #tpu.memory_space<vmem>>, vector<1x16xi32>,
      %parallel_loop3A_610 = vector.shape_cast %parallel_loop3A_609 : vector<1x16xi32> to vector<16xi32>
      %parallel_loop3A_611 = arith.index_cast %parallel_loop3A_481 : i32 to index
      %parallel_loop3A_612 = arith.index_cast %parallel_loop3A_590 : i32 to index
      %parallel_loop3A_613 = tpu.vector_load %arg14[%parallel_loop3A_611, %parallel_loop3A_612] {strides = array<i32>} : memref<16x512xi32, #tpu.memory_space<vmem>>, vector<1x16xi32>,
      %parallel_loop3A_614 = vector.shape_cast %parallel_loop3A_613 : vector<1x16xi32> to vector<16xi32>
      %parallel_loop3A_615 = arith.index_cast %parallel_loop3A_481 : i32 to index
      %parallel_loop3A_616 = arith.index_cast %parallel_loop3A_590 : i32 to index
      %parallel_loop3A_617 = tpu.vector_load %arg15[%parallel_loop3A_615, %parallel_loop3A_616] {strides = array<i32>} : memref<16x512xi32, #tpu.memory_space<vmem>>, vector<1x16xi32>,
      %parallel_loop3A_618 = vector.shape_cast %parallel_loop3A_617 : vector<1x16xi32> to vector<16xi32>
      %parallel_loop3A_619 = arith.constant 1 : i32
      %parallel_loop3A_620 = vector.broadcast %parallel_loop3A_619 : i32 to vector<16xi32>
      %parallel_loop3A_621 = arith.cmpi eq, %parallel_loop3A_610, %parallel_loop3A_620 : vector<16xi32>
      %parallel_loop3A_622 = arith.select %parallel_loop3A_621, %parallel_loop3A_598, %parallel_loop3A_594 : vector<16xi1>, vector<16xf32>
      %parallel_loop3A_623 = arith.constant 1 : i32
      %parallel_loop3A_624 = vector.broadcast %parallel_loop3A_623 : i32 to vector<16xi32>
      %parallel_loop3A_625 = arith.cmpi eq, %parallel_loop3A_614, %parallel_loop3A_624 : vector<16xi32>
      %parallel_loop3A_626 = arith.select %parallel_loop3A_625, %parallel_loop3A_602, %parallel_loop3A_622 : vector<16xi1>, vector<16xf32>
      %parallel_loop3A_627 = arith.constant 1 : i32
      %parallel_loop3A_628 = vector.broadcast %parallel_loop3A_627 : i32 to vector<16xi32>
      %parallel_loop3A_629 = arith.cmpi eq, %parallel_loop3A_618, %parallel_loop3A_628 : vector<16xi32>
      %parallel_loop3A_630 = arith.select %parallel_loop3A_629, %parallel_loop3A_606, %parallel_loop3A_626 : vector<16xi1>, vector<16xf32>
      %parallel_loop3A_631 = arith.addf %parallel_loop3A_594, %parallel_loop3A_598 : vector<16xf32>
      %parallel_loop3A_632 = arith.addf %parallel_loop3A_602, %parallel_loop3A_606 : vector<16xf32>
      %parallel_loop3A_633 = arith.addf %parallel_loop3A_631, %parallel_loop3A_632 : vector<16xf32>
      %parallel_loop3A_634 = arith.constant 0.999986648 : f32
      %parallel_loop3A_635 = vector.broadcast %parallel_loop3A_634 : f32 to vector<16xf32>
      %parallel_loop3A_636 = arith.mulf %parallel_loop3A_630, %parallel_loop3A_635 : vector<16xf32>
      %parallel_loop3A_637 = arith.constant 3.33333332E-6 : f32
      %parallel_loop3A_638 = vector.broadcast %parallel_loop3A_637 : f32 to vector<16xf32>
      %parallel_loop3A_639 = arith.mulf %parallel_loop3A_633, %parallel_loop3A_638 : vector<16xf32>
      %parallel_loop3A_640 = arith.addf %parallel_loop3A_636, %parallel_loop3A_639 : vector<16xf32>
      %parallel_loop3A_641 = arith.constant 9.99999974E-6 : f32
      %parallel_loop3A_642 = vector.broadcast %parallel_loop3A_641 : f32 to vector<16xf32>
      %parallel_loop3A_643 = arith.addf %parallel_loop3A_640, %parallel_loop3A_642 : vector<16xf32>
      %parallel_loop3A_644 = arith.constant 1.000000e+00 : f32
      %parallel_loop3A_645 = vector.broadcast %parallel_loop3A_644 : f32 to vector<16xf32>
      %parallel_loop3A_646 = arith.subf %parallel_loop3A_645, %parallel_loop3A_643 : vector<16xf32>
      %parallel_loop3A_647 = arith.mulf %parallel_loop3A_646, %parallel_loop3A_646 : vector<16xf32>
      %parallel_loop3A_648 = tpu.bitcast %parallel_loop3A_643 : vector<16xf32> -> vector<16xi32>
      %parallel_loop3A_649 = arith.constant 23 : i32
      %parallel_loop3A_650 = vector.broadcast %parallel_loop3A_649 : i32 to vector<16xi32>
      %parallel_loop3A_651 = arith.shrsi %parallel_loop3A_648, %parallel_loop3A_650 : vector<16xi32>
      %parallel_loop3A_652 = arith.sitofp %parallel_loop3A_651 : vector<16xi32> to vector<16xf32>
      %parallel_loop3A_653 = arith.constant 8388607 : i32
      %parallel_loop3A_654 = vector.broadcast %parallel_loop3A_653 : i32 to vector<16xi32>
      %parallel_loop3A_655 = arith.andi %parallel_loop3A_648, %parallel_loop3A_654 : vector<16xi32>
      %parallel_loop3A_656 = arith.constant 1065353216 : i32
      %parallel_loop3A_657 = vector.broadcast %parallel_loop3A_656 : i32 to vector<16xi32>
      %parallel_loop3A_658 = arith.ori %parallel_loop3A_655, %parallel_loop3A_657 : vector<16xi32>
      %parallel_loop3A_659 = tpu.bitcast %parallel_loop3A_658 : vector<16xi32> -> vector<16xf32>
      %parallel_loop3A_660 = arith.constant 1.000000e+00 : f32
      %parallel_loop3A_661 = vector.broadcast %parallel_loop3A_660 : f32 to vector<16xf32>
      %parallel_loop3A_662 = arith.subf %parallel_loop3A_659, %parallel_loop3A_661 : vector<16xf32>
      %parallel_loop3A_663 = arith.constant 1.000000e+00 : f32
      %parallel_loop3A_664 = vector.broadcast %parallel_loop3A_663 : f32 to vector<16xf32>
      %parallel_loop3A_665 = arith.addf %parallel_loop3A_659, %parallel_loop3A_664 : vector<16xf32>
      %parallel_loop3A_666 = arith.divf %parallel_loop3A_662, %parallel_loop3A_665 : vector<16xf32>
      %parallel_loop3A_667 = arith.mulf %parallel_loop3A_666, %parallel_loop3A_666 : vector<16xf32>
      %parallel_loop3A_668 = arith.constant 0.285714298 : f32
      %parallel_loop3A_669 = vector.broadcast %parallel_loop3A_668 : f32 to vector<16xf32>
      %parallel_loop3A_670 = arith.mulf %parallel_loop3A_667, %parallel_loop3A_669 : vector<16xf32>
      %parallel_loop3A_671 = arith.constant 4.000000e-01 : f32
      %parallel_loop3A_672 = vector.broadcast %parallel_loop3A_671 : f32 to vector<16xf32>
      %parallel_loop3A_673 = arith.addf %parallel_loop3A_672, %parallel_loop3A_670 : vector<16xf32>
      %parallel_loop3A_674 = arith.mulf %parallel_loop3A_667, %parallel_loop3A_673 : vector<16xf32>
      %parallel_loop3A_675 = arith.constant 0.666666686 : f32
      %parallel_loop3A_676 = vector.broadcast %parallel_loop3A_675 : f32 to vector<16xf32>
      %parallel_loop3A_677 = arith.addf %parallel_loop3A_676, %parallel_loop3A_674 : vector<16xf32>
      %parallel_loop3A_678 = arith.mulf %parallel_loop3A_667, %parallel_loop3A_677 : vector<16xf32>
      %parallel_loop3A_679 = arith.constant 2.000000e+00 : f32
      %parallel_loop3A_680 = vector.broadcast %parallel_loop3A_679 : f32 to vector<16xf32>
      %parallel_loop3A_681 = arith.addf %parallel_loop3A_680, %parallel_loop3A_678 : vector<16xf32>
      %parallel_loop3A_682 = arith.mulf %parallel_loop3A_666, %parallel_loop3A_681 : vector<16xf32>
      %parallel_loop3A_683 = arith.constant 0.693147182 : f32
      %parallel_loop3A_684 = vector.broadcast %parallel_loop3A_683 : f32 to vector<16xf32>
      %parallel_loop3A_685 = arith.mulf %parallel_loop3A_652, %parallel_loop3A_684 : vector<16xf32>
      %parallel_loop3A_686 = arith.constant 88.0296936 : f32
      %parallel_loop3A_687 = vector.broadcast %parallel_loop3A_686 : f32 to vector<16xf32>
      %parallel_loop3A_688 = arith.subf %parallel_loop3A_682, %parallel_loop3A_687 : vector<16xf32>
      %parallel_loop3A_689 = arith.addf %parallel_loop3A_685, %parallel_loop3A_688 : vector<16xf32>
      %parallel_loop3A_690 = arith.mulf %parallel_loop3A_647, %parallel_loop3A_689 : vector<16xf32>
      %parallel_loop3A_691 = arith.subf %parallel_loop3A_479, %parallel_loop3A_690 : vector<16xf32>
      scf.yield %parallel_loop3A_587, %parallel_loop3A_691 : vector<16xf32>, vector<16xf32>
    } {sc.loop_unroll_factor = 4 : i64, sc.parallel_access}
    %add3A_471 = arith.addf %parallel_loop3A_470#0, %parallel_loop3A_470#1 : vector<16xf32>
    %swap3A = arith.constant 0 : index
    %swap3A_472 = tpu.vector_load %arg19[%swap3A] {strides = array<i32>} : memref<16xf32, #tpu.memory_space<vmem>>, vector<16xf32>,
    %swap3A_473 = vector.shape_cast %swap3A_472 : vector<16xf32> to vector<16xf32>
    %swap3A_474 = vector.shape_cast %add3A_471 : vector<16xf32> to vector<16xf32>
    tpu.vector_store %arg19[%swap3A], %swap3A_474 {strides = array<i32>} : memref<16xf32, #tpu.memory_space<vmem>>, vector<16xf32>,
    %mul3A_475 = arith.constant 16 : i32
    %mul3A_476 = arith.muli %add3A, %mul3A_475 : i32
    "tpu.region"() ({
      %run_scoped3A = tpu.sem_alloc : memref<!tpu.dma_semaphore, #tpu.memory_space<semaphore_mem>>
      %dma_start3A_477 = tpu.memref_slice %arg4[%mul3A_476] : memref<512xf32, #tpu.memory_space<hbm>> -> memref<16xf32, #tpu.memory_space<hbm>>
      %dma_start3A_478 = tpu.memref_slice %arg4[%mul3A_476] : memref<512xf32, #tpu.memory_space<hbm>> -> memref<16xf32, #tpu.memory_space<hbm>>
      tpu.enqueue_dma source(%arg19 : memref<16xf32, #tpu.memory_space<vmem>>) target(%dma_start3A_478 : memref<16xf32, #tpu.memory_space<hbm>>) target_semaphore(%run_scoped3A : memref<!tpu.dma_semaphore, #tpu.memory_space<semaphore_mem>>)
      %dma_wait3A_479 = tpu.memref_slice %arg4[%mul3A_476] : memref<512xf32, #tpu.memory_space<hbm>> -> memref<16xf32, #tpu.memory_space<hbm>>
      %dma_wait3A_480 = tpu.memref_slice %arg4[%mul3A_476] : memref<512xf32, #tpu.memory_space<hbm>> -> memref<16xf32, #tpu.memory_space<hbm>>
      tpu.wait_dma2 semaphore(%run_scoped3A : memref<!tpu.dma_semaphore, #tpu.memory_space<semaphore_mem>>) src(%arg19 : memref<16xf32, #tpu.memory_space<vmem>>) dst(%dma_wait3A_480 : memref<16xf32, #tpu.memory_space<hbm>>)
      tpu.yield
    }) : () -> ()
    return
  }
}

module attributes {stable_mosaic.version = 14 : i64} {
  func.func @_tc_body(%arg0: i32, %arg1: i32, %arg2: memref<4x128x512xf32, #tpu.memory_space<vmem>>, %arg3: memref<1x128x512xi32, #tpu.memory_space<vmem>>, %arg4: memref<1x128x512xi32, #tpu.memory_space<vmem>>, %arg5: memref<1x128x512xi32, #tpu.memory_space<vmem>>, %arg6: memref<1x1xf32, #tpu.memory_space<smem>>) attributes {dimension_semantics = [#tpu.dimension_semantics<arbitrary>, #tpu.dimension_semantics<arbitrary>], iteration_bounds = array<i64: 5, 4>, scalar_prefetch = 0 : i64, scratch_operands = 0 : i64, tpu.core_type = #tpu.core_type<tc>, window_params = [{transform_indices = @transform_0, window_bounds = array<i64: 4, 128, 512>}, {transform_indices = @transform_1, window_bounds = array<i64: 1, 128, 512>}, {transform_indices = @transform_2, window_bounds = array<i64: 1, 128, 512>}, {transform_indices = @transform_3, window_bounds = array<i64: 1, 128, 512>}, {transform_indices = @transform_4, window_bounds = array<i64: 1, 1>}]} {
    %get3A = arith.constant 0 : index
    %get3A_0 = arith.constant 0 : index
    %get3A_1 = arith.constant 0 : index
    %get3A_2 = vector.load %arg2[%get3A, %get3A_0, %get3A_1] : memref<4x128x512xf32, #tpu.memory_space<vmem>>, vector<1x128x512xf32>
    %get3A_3 = vector.shape_cast %get3A_2 : vector<1x128x512xf32> to vector<128x512xf32>
    %get3A_4 = arith.constant 1 : index
    %get3A_5 = arith.constant 0 : index
    %get3A_6 = arith.constant 0 : index
    %get3A_7 = vector.load %arg2[%get3A_4, %get3A_5, %get3A_6] : memref<4x128x512xf32, #tpu.memory_space<vmem>>, vector<1x128x512xf32>
    %get3A_8 = vector.shape_cast %get3A_7 : vector<1x128x512xf32> to vector<128x512xf32>
    %get3A_9 = arith.constant 2 : index
    %get3A_10 = arith.constant 0 : index
    %get3A_11 = arith.constant 0 : index
    %get3A_12 = vector.load %arg2[%get3A_9, %get3A_10, %get3A_11] : memref<4x128x512xf32, #tpu.memory_space<vmem>>, vector<1x128x512xf32>
    %get3A_13 = vector.shape_cast %get3A_12 : vector<1x128x512xf32> to vector<128x512xf32>
    %get3A_14 = arith.constant 3 : index
    %get3A_15 = arith.constant 0 : index
    %get3A_16 = arith.constant 0 : index
    %get3A_17 = vector.load %arg2[%get3A_14, %get3A_15, %get3A_16] : memref<4x128x512xf32, #tpu.memory_space<vmem>>, vector<1x128x512xf32>
    %get3A_18 = vector.shape_cast %get3A_17 : vector<1x128x512xf32> to vector<128x512xf32>
    %get3A_19 = arith.constant 0 : index
    %get3A_20 = arith.constant 0 : index
    %get3A_21 = arith.constant 0 : index
    %get3A_22 = vector.load %arg3[%get3A_19, %get3A_20, %get3A_21] : memref<1x128x512xi32, #tpu.memory_space<vmem>>, vector<1x128x512xi32>
    %get3A_23 = vector.shape_cast %get3A_22 : vector<1x128x512xi32> to vector<128x512xi32>
    %get3A_24 = arith.constant 0 : index
    %get3A_25 = arith.constant 0 : index
    %get3A_26 = arith.constant 0 : index
    %get3A_27 = vector.load %arg4[%get3A_24, %get3A_25, %get3A_26] : memref<1x128x512xi32, #tpu.memory_space<vmem>>, vector<1x128x512xi32>
    %get3A_28 = vector.shape_cast %get3A_27 : vector<1x128x512xi32> to vector<128x512xi32>
    %get3A_29 = arith.constant 0 : index
    %get3A_30 = arith.constant 0 : index
    %get3A_31 = arith.constant 0 : index
    %get3A_32 = vector.load %arg5[%get3A_29, %get3A_30, %get3A_31] : memref<1x128x512xi32, #tpu.memory_space<vmem>>, vector<1x128x512xi32>
    %get3A_33 = vector.shape_cast %get3A_32 : vector<1x128x512xi32> to vector<128x512xi32>
    %eq3A = arith.constant 1 : i32
    %eq3A_34 = vector.broadcast %eq3A : i32 to vector<128x512xi32>
    %eq3A_35 = arith.cmpi eq, %get3A_23, %eq3A_34 : vector<128x512xi32>
    %select_n3A = arith.select %eq3A_35, %get3A_8, %get3A_3 : vector<128x512xi1>, vector<128x512xf32>
    %eq3A_36 = arith.constant 1 : i32
    %eq3A_37 = vector.broadcast %eq3A_36 : i32 to vector<128x512xi32>
    %eq3A_38 = arith.cmpi eq, %get3A_28, %eq3A_37 : vector<128x512xi32>
    %select_n3A_39 = arith.select %eq3A_38, %get3A_13, %select_n3A : vector<128x512xi1>, vector<128x512xf32>
    %eq3A_40 = arith.constant 1 : i32
    %eq3A_41 = vector.broadcast %eq3A_40 : i32 to vector<128x512xi32>
    %eq3A_42 = arith.cmpi eq, %get3A_33, %eq3A_41 : vector<128x512xi32>
    %select_n3A_43 = arith.select %eq3A_42, %get3A_18, %select_n3A_39 : vector<128x512xi1>, vector<128x512xf32>
    %add3A = arith.addf %get3A_3, %get3A_8 : vector<128x512xf32>
    %add3A_44 = arith.addf %get3A_13, %get3A_18 : vector<128x512xf32>
    %add3A_45 = arith.addf %add3A, %add3A_44 : vector<128x512xf32>
    %mul3A = arith.constant 0.999986648 : f32
    %mul3A_46 = vector.broadcast %mul3A : f32 to vector<128x512xf32>
    %mul3A_47 = arith.mulf %select_n3A_43, %mul3A_46 : vector<128x512xf32>
    %mul3A_48 = arith.constant 3.33333332E-6 : f32
    %mul3A_49 = vector.broadcast %mul3A_48 : f32 to vector<128x512xf32>
    %mul3A_50 = arith.mulf %add3A_45, %mul3A_49 : vector<128x512xf32>
    %add3A_51 = arith.addf %mul3A_47, %mul3A_50 : vector<128x512xf32>
    %add3A_52 = arith.constant 9.99999974E-6 : f32
    %add3A_53 = vector.broadcast %add3A_52 : f32 to vector<128x512xf32>
    %add3A_54 = arith.addf %add3A_51, %add3A_53 : vector<128x512xf32>
    %sub3A = arith.constant 1.000000e+00 : f32
    %sub3A_55 = vector.broadcast %sub3A : f32 to vector<128x512xf32>
    %sub3A_56 = arith.subf %sub3A_55, %add3A_54 : vector<128x512xf32>
    %mul3A_57 = arith.mulf %sub3A_56, %sub3A_56 : vector<128x512xf32>
    %log3A = math.log %add3A_54 : vector<128x512xf32>
    %mul3A_58 = arith.mulf %mul3A_57, %log3A : vector<128x512xf32>
    %reduce_sum3A = vector.shape_cast %mul3A_58 : vector<128x512xf32> to vector<1x128x512xf32>
    %reduce_sum3A_59 = arith.constant dense<0.000000e+00> : vector<1xf32>
    %reduce_sum3A_60 = vector.multi_reduction <add>, %reduce_sum3A, %reduce_sum3A_59 [1, 2] : vector<1x128x512xf32> to vector<1xf32>
    %reduce_sum3A_61 = vector.shape_cast %reduce_sum3A_60 : vector<1xf32> to vector<1x1x1xf32>
    %reduce_sum3A_62 = vector.extract %reduce_sum3A_61[0, 0, 0] : f32 from vector<1x1x1xf32>
    %neg3A = arith.constant 0.000000e+00 : f32
    %neg3A_63 = arith.subf %neg3A, %reduce_sum3A_62 : f32
    %eq3A_64 = arith.constant 0 : i32
    %eq3A_65 = arith.cmpi eq, %arg0, %eq3A_64 : i32
    %eq3A_66 = arith.constant 0 : i32
    %eq3A_67 = arith.cmpi eq, %arg1, %eq3A_66 : i32
    %and3A = arith.andi %eq3A_65, %eq3A_67 : i1
    %get3A_68 = arith.constant 0 : index
    %get3A_69 = arith.constant 0 : index
    %get3A_70 = memref.load %arg6[%get3A_68, %get3A_69] : memref<1x1xf32, #tpu.memory_space<smem>>
    %add3A_71 = arith.addf %get3A_70, %neg3A_63 : f32
    %select_n3A_72 = arith.select %and3A, %neg3A_63, %add3A_71 : f32
    %swap3A = arith.constant 0 : index
    %swap3A_73 = arith.constant 0 : index
    %swap3A_74 = memref.load %arg6[%swap3A, %swap3A_73] : memref<1x1xf32, #tpu.memory_space<smem>>
    memref.store %select_n3A_72, %arg6[%swap3A, %swap3A_73] : memref<1x1xf32, #tpu.memory_space<smem>>
    return
  }
  func.func @transform_0(%arg0: i32, %arg1: i32) -> (i32, i32, i32) {
    %add3A = arith.constant 3 : i32
    %add3A_0 = arith.addi %add3A, %arg0 : i32
    %c0_i32 = arith.constant 0 : i32
    %c0_i32_1 = arith.constant 0 : i32
    return %add3A_0, %arg1, %c0_i32 : i32, i32, i32
  }
  func.func @transform_1(%arg0: i32, %arg1: i32) -> (i32, i32, i32) {
    %add3A = arith.constant 3 : i32
    %add3A_0 = arith.addi %add3A, %arg0 : i32
    %mul3A = arith.constant 4 : i32
    %mul3A_1 = arith.muli %mul3A, %add3A_0 : i32
    %add3A_2 = arith.constant 1 : i32
    %add3A_3 = arith.addi %mul3A_1, %add3A_2 : i32
    %c0_i32 = arith.constant 0 : i32
    %c0_i32_4 = arith.constant 0 : i32
    return %add3A_3, %arg1, %c0_i32 : i32, i32, i32
  }
  func.func @transform_2(%arg0: i32, %arg1: i32) -> (i32, i32, i32) {
    %add3A = arith.constant 3 : i32
    %add3A_0 = arith.addi %add3A, %arg0 : i32
    %mul3A = arith.constant 4 : i32
    %mul3A_1 = arith.muli %mul3A, %add3A_0 : i32
    %add3A_2 = arith.constant 2 : i32
    %add3A_3 = arith.addi %mul3A_1, %add3A_2 : i32
    %c0_i32 = arith.constant 0 : i32
    %c0_i32_4 = arith.constant 0 : i32
    return %add3A_3, %arg1, %c0_i32 : i32, i32, i32
  }
  func.func @transform_3(%arg0: i32, %arg1: i32) -> (i32, i32, i32) {
    %add3A = arith.constant 3 : i32
    %add3A_0 = arith.addi %add3A, %arg0 : i32
    %mul3A = arith.constant 4 : i32
    %mul3A_1 = arith.muli %mul3A, %add3A_0 : i32
    %add3A_2 = arith.constant 3 : i32
    %add3A_3 = arith.addi %mul3A_1, %add3A_2 : i32
    %c0_i32 = arith.constant 0 : i32
    %c0_i32_4 = arith.constant 0 : i32
    return %add3A_3, %arg1, %c0_i32 : i32, i32, i32
  }
  func.func @transform_4(%arg0: i32, %arg1: i32) -> (i32, i32) {
    %c0_i32 = arith.constant 0 : i32
    %c0_i32_0 = arith.constant 0 : i32
    %c0_i32_1 = arith.constant 0 : i32
    return %c0_i32, %c0_i32_0 : i32, i32
  }
}

</mosaic_0001>

<sc_bundles>
// kernel: kernel.4.cloned.1.call-start
scs
__scs_entry_jumppad:
0x0: {  	(pc) =	sbr.rel $0x88, $3  }
0x1: {  	(tag) =	ssettag $0x0;
	lr =	simm.s32 $0x1  }
0x2: {  	[smem:$0x3F9F] =	sst lr;
	_ =	strace $0xD0000000  }
0x3: {  	_ = 	snop  }
0x4: {  	_ = 	snop  }
0x5: {  	_ = 	snop  }
0x6: {  	_ = 	snop  }
0x7: {  	_ = 	snop  }
__scs_overlays_trampoline_lowered:
0x8: {  	[smem:$0x3FAE] =	sst s0  }
0x9: {  	[smem:$0x3FAF] =	sst s1  }
0xa: {  	[smem:$0x3FB0] =	sst s2  }
0xb: {  	[smem:$0x3FB1] =	sst s3  }
0xc: {  	[smem:$0x3FB2] =	sst s4  }
0xd: {  	[smem:$0x3FB3] =	sst s5  }
0xe: {  	[smem:$0x3FB4] =	sst s6  }
0xf: {  	[smem:$0x3FB5] =	sst s7  }
0x10: {  	[smem:$0x3FB6] =	sst s8  }
0x11: {  	[smem:$0x3FB7] =	sst s9;
	s0 =	simm.s32 @!p0 $0x0  }
0x12: {  	s1 =	sld [smem:$0x3F9D];
	s0 =	simm.s32 @p0 $0x1  }
0x13: {  	[smem:$0x3FB8] =	sst s0;
	s0 =	simm.s32 @!p1 $0x0  }
0x14: {  	s2 =	sld [smem:$0x3F9C];
	s0 =	simm.s32 @p1 $0x1  }
0x15: {  	[smem:$0x3FB9] =	sst s0;
	s0 =	simm.s32 @!p2 $0x0  }
0x16: {  	s3 =	sld [smem:$0x3FDB];
	s0 =	simm.s32 @p2 $0x1  }
0x17: {  	s4 =	simm.s32 $0x1BF5;
	[smem:$0x3FBB] =	sst s0  }
0x18: {  	s0 =	sld [smem:$0x3F9E];
	_ =	swait.ge [sflag:s4], $0x0  }
0x19: {  	s7 =	sld [smem:$0x3F9F]  }
0x1a: {  	s8 =	sadd.s32 $0xFFFFE003, lr  }
0x1b: {  	s9 =	sadd.s32 $0xFFFFFEF7, lr;
	s5 =	simm.s32 $0xFFFFFFFF;
	p2 =	slt.u32 s8, $0xFFFFF086  }
0x1c: {  	p1 =	slt.u32 s9, $0xF7A;
	s5 =	simm.s32 @!p2 $0x0  }
0x1d: {  	s5 =	simm.s32 @p1 $0x1;
	p0 =	seq.s32 s7, s2  }
0x1e: {  	s7 =	smul.u32 @!p0 $0xF7A, s2;
	p2 =	seq.s32 @!p0 s5, $0x0  }
0x1f: {  	s9 =	smul.u32 $0xF7A, s1;
	s8 =	simm.s32 @!p0 $0x1BF5;
	p2 =	por !p2, p0  }
0x20: {  	[sflag:s8] =	ssyncset.s32 @!p0 $0xFFFFF086;
	s6 =	sadd.s32 @!p0 s3, s7;
	s7 =	simm.s32 @!p0 $0x108  }
0x21: {  	s3 =	sadd.s32 s3, s9;
	s6 =	sadd.s32 @!p0 $0x88, s6;
	s7 =	simm.s32 @p2 $0x1082  }
0x22: {  	[simem:s7], [sflag:s8] =	dma.local @!p0 [hbm:s6], $0xF7A  }
0x23: {  	s9 =	sor.u32 $0xD0000000, s2;
	s6 =	simm.s32 $0x108;
	_ =	swait.ge @!p0 [sflag:s8], $0x0  }
0x24: {  	s3 =	sadd.s32 $0x88, s3;
	s6 =	simm.s32 @!p1 $0x1082;
	[sflag:s4] =	ssyncset.s32 $0xFFFFF086  }
0x25: {  	[simem:s6], [sflag:s4] =	dma.local [hbm:s3], $0xF7A  }
0x26: {  	[smem:$0x3F9F] =	sst s1;
	(tag) =	ssettag s2;
	_ =	strace s9  }
0x27: {  	s1 =	sld [smem:$0x3FAF]  }
0x28: {  	s2 =	sld [smem:$0x3FB0]  }
0x29: {  	s4 =	sld [smem:$0x3FB2]  }
0x2a: {  	p0 =	seq.s32 s5, $0x0;
	s5 =	sld [smem:$0x3FB3]  }
0x2b: {  	s6 =	sld [smem:$0x3FB4]  }
0x2c: {  	s7 =	sld [smem:$0x3FB5]  }
0x2d: {  	s3 =	simm.s32 $0x108;
	s8 =	sld [smem:$0x3FB6]  }
0x2e: {  	s3 =	simm.s32 @!p0 $0x1082;
	s9 =	sld [smem:$0x3FB7]  }
0x2f: {  	lr =	sadd.s32 s0, s3;
	s0 =	sld [smem:$0x3FAE]  }
0x30: {  	s3 =	sld [smem:$0x3FB1]  }
0x31: {  	[smem:$0x3FBA] =	sst s10  }
0x32: {  	s10 =	sld [smem:$0x3FB8];
	_ =	sdelay $0x3  }
0x33: {  	p0 =	seq.s32 s10, $0x1;
	s10 =	sld [smem:$0x3FBA];
	_ =	sdelay $0x3  }
0x34: {  	[smem:$0x3FBA] =	sst s10  }
0x35: {  	s10 =	sld [smem:$0x3FB9];
	_ =	sdelay $0x3  }
0x36: {  	p1 =	seq.s32 s10, $0x1;
	s10 =	sld [smem:$0x3FBA];
	_ =	sdelay $0x3  }
0x37: {  	[smem:$0x3FBA] =	sst s10  }
0x38: {  	s10 =	sld [smem:$0x3FBB]  }
0x39: {  	_ = 	snop;
	(pc) =	sbr.ind lr, $3  }
0x3a: {  	_ = 	snop  }
0x3b: {  	_ = 	snop  }
0x3c: {  	p2 =	seq.s32 s10, $0x1;
	s10 =	sld [smem:$0x3FBA]  }
0x3d: {  	_ =	shalt  }
0x3e: {  	_ =	shalt  }
0x3f: {  	_ =	shalt  }
0x40: {  	_ =	shalt  }
0x41: {  	_ =	shalt  }
0x42: {  	_ =	shalt  }
0x43: {  	_ =	shalt  }
0x44: {  	_ =	shalt  }
0x45: {  	_ =	shalt  }
0x46: {  	_ =	shalt  }
0x47: {  	_ =	shalt  }
0x48: {  	_ =	shalt  }
0x49: {  	_ =	shalt  }
0x4a: {  	_ =	shalt  }
0x4b: {  	_ =	shalt  }
0x4c: {  	_ =	shalt  }
0x4d: {  	_ =	shalt  }
0x4e: {  	_ =	shalt  }
0x4f: {  	_ =	shalt  }
0x50: {  	_ =	shalt  }
0x51: {  	_ =	shalt  }
0x52: {  	_ =	shalt  }
0x53: {  	_ =	shalt  }
0x54: {  	_ =	shalt  }
0x55: {  	_ =	shalt  }
0x56: {  	_ =	shalt  }
0x57: {  	_ =	shalt  }
0x58: {  	_ =	shalt  }
0x59: {  	_ =	shalt  }
0x5a: {  	_ =	shalt  }
0x5b: {  	_ =	shalt  }
0x5c: {  	_ =	shalt  }
0x5d: {  	_ =	shalt  }
0x5e: {  	_ =	shalt  }
0x5f: {  	_ =	shalt  }
0x60: {  	_ =	shalt  }
0x61: {  	_ =	shalt  }
0x62: {  	_ =	shalt  }
0x63: {  	_ =	shalt  }
0x64: {  	_ =	shalt  }
0x65: {  	_ =	shalt  }
0x66: {  	_ =	shalt  }
0x67: {  	_ =	shalt  }
0x68: {  	_ =	shalt  }
0x69: {  	_ =	shalt  }
0x6a: {  	_ =	shalt  }
0x6b: {  	_ =	shalt  }
0x6c: {  	_ =	shalt  }
0x6d: {  	_ =	shalt  }
0x6e: {  	_ =	shalt  }
0x6f: {  	_ =	shalt  }
0x70: {  	_ =	shalt  }
0x71: {  	_ =	shalt  }
0x72: {  	_ =	shalt  }
0x73: {  	_ =	shalt  }
0x74: {  	_ =	shalt  }
0x75: {  	_ =	shalt  }
0x76: {  	_ =	shalt  }
0x77: {  	_ =	shalt  }
0x78: {  	_ =	shalt  }
0x79: {  	_ =	shalt  }
0x7a: {  	_ =	shalt  }
0x7b: {  	_ =	shalt  }
0x7c: {  	_ =	shalt  }
0x7d: {  	_ =	shalt  }
0x7e: {  	_ =	shalt  }
0x7f: {  	_ =	shalt  }
0x80: {  	_ =	shalt  }
0x81: {  	_ =	shalt  }
0x82: {  	_ =	shalt  }
0x83: {  	_ =	shalt  }
0x84: {  	_ =	shalt  }
0x85: {  	_ =	shalt  }
0x86: {  	_ =	shalt  }
0x87: {  	_ =	shalt  }
.Lfunc_end0:
.L_simem_size_0:
called_computation_lowered:
.L_overlay_start_0:
0x88: {  	s2 =	sld [smem:$0x3FD9]  }
0x89: {  	s3 =	sld [smem:$0x3FFE];
	_ =	sdelay $0x1  }
0x8a: {  	s1 =	srdreg.scid  }
0x8b: {  	s0 =	sand.u32 $0x1, s1  }
0x8c: {  	s17 =	sshll.u32 s0, $0xA;
	s2 =	sadd.s32 s3, s2  }
0x8d: {  	s2 =	sadd.s32 s2, s17  }
0x8e: {  	[smem:$0x3FC6] =	sst s2  }
0x8f: {  	_ = 	snop  }
0x90: {  	s2 =	sld [smem:$0x3FC9]  }
0x91: {  	s18 =	sld [smem:$0x3FC8];
	(tm) =	ssettm $0x1  }
0x92: {  	s4 =	sld [smem:$0x3FFB];
	_ =	sdelay $0x3  }
0x93: {  	_ =	strace s4  }
0x94: {  	s4 =	sld [smem:$0x3FFC];
	_ =	sdelay $0x3  }
0x95: {  	_ =	strace s4  }
0x96: {  	s4 =	sld [smem:$0x3FFD];
	_ =	sdelay $0x3  }
0x97: {  	_ =	strace s4  }
0x98: {  	_ =	strace $0x8FFFFFFF  }
0x99: {  	s19 =	sld [smem:$0x3FDB];
	_ =	sdelay $0x1  }
0x9a: {  	s5 =	simm.s32 $_scs_section_size  }
0x9b: {  	s6 =	simm.s32 $_size__tile_overlayer_lowered;
	s7 =	simm.s32 $_tile_overlayer_lowered  }
0x9c: {  	s22 =	simm.s32 $0x1BFF;
	s21 =	sshll.u32 s7, $0x1;
	s4 =	sadd.s32 s5, s19  }
0x9d: {  	s8 =	simm.s32 $0x0;
	s20 =	sshll.u32 s6, $0x1;
	s6 =	sadd.s32 s21, s4  }
0x9e: {  	[timem:s8], [sflag:s22] =	dma.local [hbm:s6], s20  }
0x9f: {  	_ =	swait.ge [sflag:s22], s20  }
0xa0: {  	s5 =	ssub.s32 $0x0, s20;
	[sflag:s22] =	ssyncset.done $0x0  }
0xa1: {  	[sflag:s22] =	ssyncadd.s32 s5;
	_ =	sdelay $0x1  }
0xa2: {  	s23 =	simm.s32 $0x1B8B  }
0xa3: {  	_ =	swait.ge [sflag:s23], $0x1  }
0xa4: {  	[sflag:s23] =	ssyncset.done $0x0  }
0xa5: {  	s25 =	simm.s32 $0x1B8E;
	s24 =	sld [smem:$0x3FFE];
	[sflag:s23] =	ssyncadd.s32 $0xFFFFFFFF  }
0xa6: {  	s26 =	simm.s32 $execute0_lowered;
	[smem:$0x3FD2] =	sst s25  }
0xa7: {  	s6 =	sshll.u32 s26, $0x1;
	_ =	strace $0x80000046;
	[dreg:$0x1] =	wrdreg $0xFFFFFFFF  }
0xa8: {  	s28 =	simm.s32 $_size_execute0_lowered;
	s4 =	sadd.s32 s4, s6;
	[dreg:$0x0] =	wrdreg $0x0  }
0xa9: {  	s6 =	sshll.u32 s28, $0x1;
	[dreg:$0x2] =	wrdreg s4  }
0xaa: {  	[dreg:$0x3] =	wrdreg s6  }
0xab: {  	[dreg:$0x4] =	wrdreg $0xC0  }
0xac: {  	_ =	task [dreg:s8], $0x5FFFF  }
0xad: {  	[dreg:$0x1] =	wrdreg $0xFFFFFFFF  }
0xae: {  	[dreg:$0x0] =	wrdreg $0x60  }
0xaf: {  	[dreg:$0x2] =	wrdreg s2  }
0xb0: {  	[dreg:$0x3] =	wrdreg s18  }
0xb1: {  	[dreg:$0x4] =	wrdreg s24  }
0xb2: {  	[dreg:$0x5] =	wrdreg $0x9  }
0xb3: {  	_ =	task.clear_ibuf [dreg:s8], $0x6FFFF;
	_ =	strace $0x90000046  }
0xb4: {  	s29 =	simm.s32 $0x9;
	_ =	strace $0x80000048  }
0xb5: {  	_ =	swait.ge [sflag:s29], $0x1  }
0xb6: {  	[sflag:s29] =	ssyncadd.s32 $0xFFFFFFFF  }
0xb7: {  	_ =	strace $0x90000048  }
0xb8: {  	_ =	sfence  }
0xb9: {  	s30 =	sld [smem:$0x0];
	_ =	sdelay $0x2  }
0xba: {  	s31 =	sshll.u32 s1, $0xD;
	s1 =	sshrl.u32 s1, $0x2  }
0xbb: {  	s3 =	sand.u32 $0x4000, s31;
	s1 =	sadd.s32 s1, s30  }
0xbc: {  	s0 =	sor.u32 s3, s0;
	s1 =	sshll.u32 s1, $0x11  }
0xbd: {  	s0 =	sor.u32 s1, s0  }
0xbe: {  	s0 =	sadd.s32 $0x8F2B, s0  }
0xbf: {  	[sflag:s0] =	ssyncadd.remote.s32 $0x1  }
0xc0: {  	_ =	sfence.sel $0xFFFF  }
0xc1: {  	[dreg:$0x0] =	wrdreg $0xFFFFFFFF;
	(pc) =	sbr.abs _section_cstart, $3  }
0xc2: {  	[dreg:$0x1] =	wrdreg $0xFFFFFFFF  }
0xc3: {  	_ =	task.clear_ibuf [dreg:s8], $0x2FFFF;
	_ =	strace $0x9FFFFFFF  }
0xc4: {  	(tm) =	ssettm $0x7FFFFFFF  }
0xc5: {  	_ =	shalt  }
tec
execute0_lowered:
.L_overlay_start_1:
0x0: {  	(tag) =	ssettag $0x1  }
0x1: {  	s0 =	srdreg.scid  }
0x2: {  	s0 =	sand.u32 $0x1, s0  }
0x3: {  	s2 =	stileid.u32;
	s4 =	rddreg [dreg:$0x0];
	s1 =	sshll.u32 s0, $0x4  }
0x4: {  	s6 =	rddreg [dreg:$0x1];
	s2 =	sor.u32 s2, s1  }
0x5: {  	s28 =	rddreg [dreg:$0x2];
	s29 =	simm.s32 $0x6000;
	s3 =	smul.u32 $0x18000, s2  }
0x6: {  	s30 =	simm.s32 $0x10000;
	s0 =	ssub.s32 $0x2, s0;
	s5 =	smul.u32 $0x6000, s2  }
0x7: {  	s1 =	simm.s32 $0x0;
	s7 =	sshrl.u32 s0, $0x1;
	s15 =	smul.u32 $0x30, s2  }
0x8: {  	s31 =	simm.s32 $0x12000;
	[smem:$0x7FF] =	sst s1;
	s0 =	ssub.s32 s0, s7  }
0x9: {  	s3 =	sand.u32 $0x300000, s3;
	s5 =	sand.u32 $0x3E000, s5;
	s19 =	sadd.s32 $0x10, s15  }
0xa: {  	s2 =	sshll.u32 s2, $0x1;
	s3 =	sor.u32 s5, s3;
	s10 =	sshll.u32 s19, $0x8  }
0xb: {  	s5 =	sadd.s32 $0x20, s15;
	s3 =	sshrl.u32 s3, $0x3;
	s10 =	sand.u32 $0xE0000, s10  }
0xc: {  	s12 =	sshll.u32 s5, $0x8;
	s16 =	sadd.s32 s4, s3;
	s17 =	sor.u32 $0x8000, s3  }
0xd: {  	s8 =	sor.u32 $0x10000, s3;
	[dreg:$0x4] =	wrdreg s16;
	s9 =	sadd.s32 s4, s17  }
0xe: {  	s3 =	sor.u32 $0x18000, s3;
	s18 =	sadd.s32 s4, s8;
	[dreg:$0x5] =	wrdreg s9  }
0xf: {  	s5 =	sshll.u32 s5, $0x6;
	s11 =	sadd.s32 s4, s3;
	[dreg:$0x6] =	wrdreg s18  }
0x10: {  	s14 =	sand.u32 $0xE0000, s12;
	s7 =	sadd.s32 s6, s17;
	[dreg:$0x7] =	wrdreg s11  }
0x11: {  	s5 =	sand.u32 $0x7C00, s5;
	s20 =	sadd.s32 s6, s8;
	[dreg:$0x8] =	wrdreg s7  }
0x12: {  	s3 =	sadd.s32 s6, s3;
	s25 =	sor.u32 s5, s14;
	[dreg:$0x9] =	wrdreg s20  }
0x13: {  	s9 =	sshll.u32 s19, $0x6;
	[dreg:$0xa] =	wrdreg s3;
	s16 =	sadd.s32 s4, s25  }
0x14: {  	s5 =	sor.u32 $0x8000, s25;
	s26 =	sor.u32 $0x10000, s25;
	s3 =	sor.u32 $0x18000, s25  }
0x15: {  	s25 =	smax.u32 s0, $0x1;
	s19 =	simm.s32 $0x14000;
	s9 =	sand.u32 $0x7C00, s9  }
0x16: {  	s0 =	simm.s32 $0x1;
	s17 =	sadd.s32 s4, s5;
	s21 =	sor.u32 s9, s10  }
0x17: {  	s18 =	sadd.s32 s4, s26;
	s20 =	sadd.s32 s4, s3;
	s22 =	sadd.s32 s4, s21  }
0x18: {  	s23 =	sor.u32 $0x8000, s21;
	s24 =	sor.u32 $0x10000, s21;
	s7 =	sor.u32 $0x18000, s21  }
0x19: {  	s21 =	sadd.s32 s6, s5;
	[dreg:$0xb] =	wrdreg s22;
	s10 =	sadd.s32 s4, s23  }
0x1a: {  	s11 =	sadd.s32 s4, s24;
	s12 =	sadd.s32 s4, s7;
	s13 =	sadd.s32 s6, s23  }
0x1b: {  	s14 =	sadd.s32 s6, s24;
	s15 =	sadd.s32 s6, s7;
	s22 =	sadd.s32 s6, s26  }
0x1c: {  	s23 =	sadd.s32 s6, s3;
	s24 =	sadd.s32 s28, s2;
	s2 =	simm.s32 $0x2  }
0x1d: {  	s3 =	simm.s32 $0x3;
	s4 =	simm.s32 $0x0;
	_ =	strace $0x80000047  }
.LBB2_1:
0x1e: {  	s5 =	rddreg [dreg:$0x4]  }
0x1f: {  	[tilespmem:s1], [sflag:$0x1] =	stream.linear.gather [hbm4b:s5+s1], $0x2000, $0x38;
	[tilespmem:$0x1C080] =	vst v63  }
0x20: {  	s28 =	rddreg [dreg:$0x5];
	s6 =	simm.s32 $0x2000  }
0x21: {  	[tilespmem:s6], [sflag:$0x1] =	stream.linear.gather [hbm4b:s28+s1], $0x2000, $0x38;
	[tilespmem:$0x1C080] =	vst v63  }
0x22: {  	s7 =	rddreg [dreg:$0x6];
	s8 =	simm.s32 $0x4000  }
0x23: {  	[tilespmem:s8], [sflag:$0x1] =	stream.linear.gather [hbm4b:s7+s1], $0x2000, $0x38;
	[tilespmem:$0x1C080] =	vst v63  }
0x24: {  	s9 =	rddreg [dreg:$0x7]  }
0x25: {  	[tilespmem:s29], [sflag:$0x1] =	stream.linear.gather [hbm4b:s9+s1], $0x2000, $0x38;
	[tilespmem:$0x1C080] =	vst v63  }
0x26: {  	s26 =	rddreg [dreg:$0x8]  }
0x27: {  	[tilespmem:s30], [sflag:$0x1] =	stream.linear.gather [hbm4b:s26+s1], $0x2000, $0x38;
	[tilespmem:$0x1C080] =	vst v63  }
0x28: {  	s28 =	rddreg [dreg:$0x9]  }
0x29: {  	[tilespmem:s31], [sflag:$0x1] =	stream.linear.gather [hbm4b:s28+s1], $0x2000, $0x38;
	[tilespmem:$0x1C080] =	vst v63  }
0x2a: {  	s6 =	rddreg [dreg:$0xa]  }
0x2b: {  	[tilespmem:s19], [sflag:$0x1] =	stream.linear.gather [hbm4b:s6+s1], $0x2000, $0x38;
	[tilespmem:$0x1C080] =	vst v63  }
0x2c: {  	s7 =	rddreg [dreg:$0xb];
	s8 =	simm.s32 $0x8000  }
0x2d: {  	[tilespmem:s8], [sflag:$0x2] =	stream.linear.gather [hbm4b:s7+s1], $0x2000, $0x38;
	[tilespmem:$0x1C080] =	vst v63  }
0x2e: {  	s9 =	simm.s32 $0xA000  }
0x2f: {  	[tilespmem:s9], [sflag:$0x2] =	stream.linear.gather [hbm4b:s10+s1], $0x2000, $0x38;
	[tilespmem:$0x1C080] =	vst v63  }
0x30: {  	s26 =	simm.s32 $0xC000  }
0x31: {  	[tilespmem:s26], [sflag:$0x2] =	stream.linear.gather [hbm4b:s11+s1], $0x2000, $0x38;
	[tilespmem:$0x1C080] =	vst v63  }
0x32: {  	s28 =	simm.s32 $0xE000  }
0x33: {  	[tilespmem:s28], [sflag:$0x2] =	stream.linear.gather [hbm4b:s12+s1], $0x2000, $0x38;
	[tilespmem:$0x1C080] =	vst v63  }
0x34: {  	s6 =	simm.s32 $0x16000  }
0x35: {  	[tilespmem:s6], [sflag:$0x2] =	stream.linear.gather [hbm4b:s13+s1], $0x2000, $0x38;
	[tilespmem:$0x1C080] =	vst v63  }
0x36: {  	s7 =	simm.s32 $0x18000  }
0x37: {  	[tilespmem:s7], [sflag:$0x2] =	stream.linear.gather [hbm4b:s14+s1], $0x2000, $0x38;
	[tilespmem:$0x1C080] =	vst v63  }
0x38: {  	s8 =	simm.s32 $0x1A000  }
0x39: {  	[tilespmem:s8], [sflag:$0x2] =	stream.linear.gather [hbm4b:s15+s1], $0x2000, $0x38;
	[tilespmem:$0x1C080] =	vst v63  }
0x3a: {  	_ =	swait.ge [sflag:s0], $0x2000  }
0x3b: {  	[sflag:s0] =	ssyncset.done $0x0  }
0x3c: {  	[sflag:s0] =	ssyncadd.s32 $0xFFFFE000  }
0x3d: {  	_ =	swait.ge [sflag:s0], $0x2000  }
0x3e: {  	[sflag:s0] =	ssyncset.done $0x0  }
0x3f: {  	[sflag:s0] =	ssyncadd.s32 $0xFFFFE000  }
0x40: {  	_ =	swait.ge [sflag:s0], $0x2000  }
0x41: {  	[sflag:s0] =	ssyncset.done $0x0  }
0x42: {  	[sflag:s0] =	ssyncadd.s32 $0xFFFFE000  }
0x43: {  	_ =	swait.ge [sflag:s0], $0x2000  }
0x44: {  	[sflag:s0] =	ssyncset.done $0x0  }
0x45: {  	[sflag:s0] =	ssyncadd.s32 $0xFFFFE000  }
0x46: {  	_ =	swait.ge [sflag:s0], $0x2000  }
0x47: {  	[sflag:s0] =	ssyncset.done $0x0  }
0x48: {  	[sflag:s0] =	ssyncadd.s32 $0xFFFFE000  }
0x49: {  	_ =	swait.ge [sflag:s0], $0x2000  }
0x4a: {  	s9 =	sand.u32 $0x60, s1;
	s26 =	simm.s32 $0x0;
	[sflag:s0] =	ssyncset.done $0x0  }
0x4b: {  	s6 =	sand.u32 $0x1000, s26;
	s7 =	sand.u32 $0xC00, s1;
	[sflag:s0] =	ssyncadd.s32 $0xFFFFE000  }
0x4c: {  	s5 =	sor.u32 s9, s7;
	s8 =	simm.s32 $0x0;
	_ =	swait.ge [sflag:s0], $0x2000  }
0x4d: {  	s5 =	sor.u32 s6, s5;
	s28 =	sand.u32 $0x380, s8;
	[sflag:s0] =	ssyncset.done $0x0  }
0x4e: {  	s5 =	sor.u32 s28, s5;
	[sflag:s0] =	ssyncadd.s32 $0xFFFFE000  }
0x4f: {  	v0 =	vld [tilespmem:s5+$0x10]  }
0x50: {  	v1 =	vld [tilespmem:s5+$0x2010]  }
0x51: {  	v2 =	vld [tilespmem:s5+$0x4010]  }
0x52: {  	v3 =	vld [tilespmem:s5+$0x6010]  }
0x53: {  	v4 =	vld [tilespmem:s5+$0x10010]  }
0x54: {  	v5 =	vld [tilespmem:s5+$0x12010]  }
0x55: {  	v6 =	vld [tilespmem:s5+$0x14010]  }
0x56: {  	v7 =	vld [tilespmem:s5+$0x0]  }
0x57: {  	v8 =	vld [tilespmem:s5+$0x2000]  }
0x58: {  	v10 =	vld [tilespmem:s5+$0x4000];
	vm0 =	veq.s32 v4, $0x1;
	v4 =	vadd.f32 v1, v0;
	v9 =	vadd.f32 v3, v2  }
0x59: {  	vm1 =	veq.s32 v5, $0x1;
	v0 =	vsel vm0, v1, v0;
	v1 =	vld [tilespmem:s5+$0x6000]  }
0x5a: {  	vm6 =	veq.s32 v6, $0x1;
	v0 =	vsel vm1, v2, v0;
	v2 =	vadd.f32 v9, v4;
	v4 =	vld [tilespmem:s5+$0x10000]  }
0x5b: {  	v5 =	vld [tilespmem:s5+$0x14000];
	v0 =	vsel vm6, v3, v0  }
0x5c: {  	v3 =	vld [tilespmem:s5+$0x12000];
	v0 =	vmul.f32 $9.999866480e-01, v0;
	v2 =	vmul.f32 $3.333333320e-06, v2;
	_ =	sdelay $0x1  }
0x5d: {  	s7 =	simm.s32 $0x20;
	s8 =	simm.s32 $0x100;
	v0 =	vadd.f32 v0, v2  }
0x5e: {  	s9 =	simm.s32 $0x20;
	s6 =	sand.u32 $0xC00, s8;
	s5 =	sand.u32 $0x60, s7;
	vm7 =	veq.s32 v4, $0x1;
	v4 =	vadd.f32 v1, v10  }
0x5f: {  	s26 =	simm.s32 $0x8;
	s7 =	sand.u32 $0x1000, s9;
	s5 =	sor.u32 s5, s6;
	v2 =	vadd.f32 $9.999999740e-06, v0;
	v0 =	vadd.f32 v8, v7  }
0x60: {  	s28 =	sand.u32 $0x380, s26;
	vm9 =	veq.s32 v5, $0x1;
	s5 =	sor.u32 s7, s5;
	v6 =	vsel vm7, v8, v7;
	vm8 =	veq.s32 v3, $0x1  }
0x61: {  	s5 =	sor.u32 s28, s5;
	v3 =	vand.u32 $0x7FFFFF, v2;
	v0 =	vadd.f32 v4, v0;
	v4 =	vsel vm8, v10, v6  }
0x62: {  	v5 =	vld [tilespmem:s5+$0x12010];
	v3 =	vor.u32 $0x3F800000, v3;
	v1 =	vsel vm9, v1, v4  }
0x63: {  	v8 =	vld [tilespmem:s5+$0x6010];
	v4 =	vadd.f32 $1.000000000e+00, v3;
	v0 =	vmul.f32 $3.333333320e-06, v0;
	v1 =	vmul.f32 $9.999866480e-01, v1  }
0x64: {  	v6 =	vld [tilespmem:s5+$0x10]  }
0x65: {  	(erf) = vrcp.f32 v4;
	v0 =	vadd.f32 v1, v0;
	v1 =	vld [tilespmem:s5+$0x2010]  }
0x66: {  	v4 =	vld [tilespmem:s5+$0x4010]  }
0x67: {  	v7 =	vadd.f32 $9.999999740e-06, v0;
	v0 =	vld [tilespmem:s5+$0x10010]  }
0x68: {  	v11 =	vld [tilespmem:s5+$0x14010]  }
0x69: {  	v13 =	vld [tilespmem:s5+$0x2000]  }
0x6a: {  	v14 =	vld [tilespmem:s5+$0x4000];
	v9 =	vand.u32 $0x7FFFFF, v7  }
0x6b: {  	v10 =	vld [tilespmem:s5+$0x0];
	vm10 =	veq.s32 v5, $0x1;
	v9 =	vor.u32 $0x3F800000, v9;
	v15 =	vadd.f32 v8, v4  }
0x6c: {  	v5 =	vld [tilespmem:s5+$0x6000];
	v12 =	vadd.f32 $1.000000000e+00, v9;
	vm11 =	veq.s32 v0, $0x1;
	v0 =	vadd.f32 v1, v6  }
0x6d: {  	v3 =	vadd.f32 $-1.000000000e+00, v3;
	vm12 =	veq.s32 v11, $0x1;
	v11 =	vld [tilespmem:s5+$0x14000];
	v1 =	vsel vm11, v1, v6  }
0x6e: {  	v6 =	vld [tilespmem:s5+$0x10000];
	v16 =	vpop (erf);
	v1 =	vsel vm10, v4, v1;
	(erf) = vrcp.f32 v12;
	v0 =	vadd.f32 v15, v0  }
0x6f: {  	v4 =	vld [tilespmem:s5+$0x12000];
	v3 =	vmul.f32 v16, v3;
	v1 =	vsel vm12, v8, v1  }
0x70: {  	v1 =	vmul.f32 $9.999866480e-01, v1;
	v12 =	vmul.f32 $3.333333320e-06, v0  }
0x71: {  	v8 =	vmul.f32 v3, v3  }
0x72: {  	v17 =	vadd.f32 v5, v14;
	vm15 =	veq.s32 v11, $0x1;
	v1 =	vadd.f32 v1, v12  }
0x73: {  	s8 =	simm.s32 $0x200;
	s7 =	simm.s32 $0x40;
	vm13 =	veq.s32 v6, $0x1;
	v6 =	vadd.f32 $-1.000000000e+00, v9;
	v16 =	vmul.f32 $2.857142980e-01, v8  }
0x74: {  	s9 =	simm.s32 $0x40;
	s6 =	sand.u32 $0xC00, s8;
	s5 =	sand.u32 $0x60, s7;
	v9 =	vsel vm13, v13, v10;
	vm14 =	veq.s32 v4, $0x1;
	v1 =	vadd.f32 $9.999999740e-06, v1  }
0x75: {  	s26 =	simm.s32 $0x10;
	v15 =	vadd.f32 v13, v10;
	s7 =	sand.u32 $0x1000, s9;
	s5 =	sor.u32 s5, s6;
	v9 =	vsel vm14, v14, v9;
	v10 =	vadd.f32 $4.000000060e-01, v16  }
0x76: {  	s28 =	sand.u32 $0x380, s26;
	s5 =	sor.u32 s7, s5;
	v5 =	vsel vm15, v5, v9;
	v9 =	vand.u32 $0x7FFFFF, v1  }
0x77: {  	s5 =	sor.u32 s28, s5;
	v4 =	vadd.f32 v17, v15;
	v10 =	vmul.f32 v10, v8;
	v11 =	vpop (erf);
	v9 =	vor.u32 $0x3F800000, v9  }
0x78: {  	v0 =	vimm.f32 $0.0e+00;
	v18 =	vld [tilespmem:s5+$0x10010];
	v11 =	vmul.f32 v11, v6;
	v6 =	vadd.f32 $1.000000000e+00, v9  }
0x79: {  	v12 =	vshra.s32 v7, $0x17;
	v19 =	vld [tilespmem:s5+$0x6010];
	v4 =	vmul.f32 $3.333333320e-06, v4;
	v10 =	vadd.f32 $6.666666860e-01, v10  }
0x7a: {  	v21 =	vld [tilespmem:s5+$0x14010];
	v15 =	vshra.s32 v2, $0x17;
	v5 =	vmul.f32 $9.999866480e-01, v5;
	(erf) = vrcp.f32 v6  }
0x7b: {  	v2 =	vsub.f32 $1.000000000e+00, v2;
	v15 =	vcvt.s32.f32 v15;
	v16 =	vld [tilespmem:s5+$0x4010];
	v8 =	vmul.f32 v10, v8  }
0x7c: {  	v12 =	vcvt.s32.f32 v12;
	v4 =	vadd.f32 v5, v4;
	v5 =	vsub.f32 $1.000000000e+00, v7;
	v7 =	vld [tilespmem:s5+$0x12010]  }
0x7d: {  	v2 =	vmul.f32 v2, v2;
	v15 =	vmul.f32 $6.931471820e-01, v15;
	v8 =	vadd.f32 $2.000000000e+00, v8  }
0x7e: {  	vm5 =	veq.s32 v18, $0x1;
	v13 =	vmul.f32 v11, v11;
	v4 =	vadd.f32 $9.999999740e-06, v4  }
0x7f: {  	v14 =	vld [tilespmem:s5+$0x10];
	vm6 =	veq.s32 v21, $0x1;
	v6 =	vmul.f32 v5, v5;
	v3 =	vmul.f32 v8, v3  }
0x80: {  	v5 =	vld [tilespmem:s5+$0x2010];
	v24 =	vadd.f32 v19, v16;
	v10 =	vmul.f32 $2.857142980e-01, v13;
	v17 =	vand.u32 $0x7FFFFF, v4  }
0x81: {  	v17 =	vor.u32 $0x3F800000, v17;
	vm4 =	veq.s32 v7, $0x1;
	v3 =	vadd.f32 $-8.802969360e+01, v3  }
0x82: {  	v7 =	vadd.f32 $-1.000000000e+00, v9;
	v10 =	vadd.f32 $4.000000060e-01, v10;
	v8 =	vshra.s32 v4, $0x17  }
0x83: {  	v23 =	vld [tilespmem:s5+$0x0];
	v22 =	vadd.f32 $1.000000000e+00, v17;
	v8 =	vcvt.s32.f32 v8;
	v3 =	vadd.f32 v3, v15;
	v9 =	vpop (erf)  }
0x84: {  	v18 =	vld [tilespmem:s5+$0x6000];
	v20 =	vmul.f32 v10, v13;
	v15 =	vadd.f32 $-1.000000000e+00, v17;
	v7 =	vmul.f32 v9, v7  }
0x85: {  	v17 =	vld [tilespmem:s5+$0x2000];
	v2 =	vmul.f32 v3, v2;
	v3 =	vadd.f32 v5, v14;
	v5 =	vsel vm5, v5, v14  }
0x86: {  	v10 =	vmul.f32 $6.931471820e-01, v8;
	(erf) = vrcp.f32 v22;
	v9 =	vld [tilespmem:s5+$0x10000];
	v5 =	vsel vm4, v16, v5  }
0x87: {  	v8 =	vld [tilespmem:s5+$0x4000];
	v14 =	vmul.f32 v7, v7;
	v5 =	vsel vm6, v19, v5;
	v3 =	vadd.f32 v24, v3  }
0x88: {  	v16 =	vadd.f32 $6.666666860e-01, v20;
	v19 =	vsub.f32 v0, v2;
	v2 =	vld [tilespmem:s5+$0x12000];
	v5 =	vmul.f32 $9.999866480e-01, v5  }
0x89: {  	v20 =	vld [tilespmem:s5+$0x14000];
	v54 =	vmul.f32 $2.857142980e-01, v14;
	v3 =	vmul.f32 $3.333333320e-06, v3  }
0x8a: {  	v55 =	vsub.f32 $1.000000000e+00, v4;
	v53 =	vadd.f32 v17, v23;
	v13 =	vmul.f32 v16, v13  }
0x8b: {  	vm7 =	veq.s32 v9, $0x1;
	v3 =	vadd.f32 v5, v3;
	v5 =	vadd.f32 $4.000000060e-01, v54  }
0x8c: {  	v16 =	vadd.f32 v18, v8;
	v9 =	vadd.f32 $2.000000000e+00, v13;
	v13 =	vsel vm7, v17, v23  }
0x8d: {  	s8 =	simm.s32 $0x60;
	s9 =	simm.s32 $0x300;
	vm8 =	veq.s32 v2, $0x1;
	v4 =	vadd.f32 $9.999999740e-06, v3;
	v2 =	vmul.f32 v5, v14  }
0x8e: {  	s26 =	simm.s32 $0x60;
	s6 =	sand.u32 $0xC00, s9;
	s5 =	sand.u32 $0x60, s8;
	v16 =	vadd.f32 v16, v53;
	vm9 =	veq.s32 v20, $0x1;
	v3 =	vsel vm8, v8, v13  }
0x8f: {  	s7 =	sand.u32 $0x1000, s26;
	s28 =	simm.s32 $0x18;
	s5 =	sor.u32 s5, s6;
	v3 =	vsel vm9, v18, v3;
	v8 =	vand.u32 $0x7FFFFF, v4;
	v2 =	vadd.f32 $6.666666860e-01, v2  }
0x90: {  	s9 =	sand.u32 $0x380, s28;
	s5 =	sor.u32 s7, s5;
	v5 =	vmul.f32 $3.333333320e-06, v16;
	v3 =	vmul.f32 $9.999866480e-01, v3;
	v8 =	vor.u32 $0x3F800000, v8  }
0x91: {  	s5 =	sor.u32 s9, s5;
	v9 =	vmul.f32 v9, v11;
	v13 =	vpop (erf);
	v11 =	vadd.f32 $1.000000000e+00, v8;
	v14 =	vmul.f32 v2, v14  }
0x92: {  	v12 =	vmul.f32 $6.931471820e-01, v12;
	v57 =	vld [tilespmem:s5+$0x10010];
	v13 =	vmul.f32 v13, v15;
	v3 =	vadd.f32 v3, v5  }
0x93: {  	v25 =	vld [tilespmem:s5+$0x14010];
	v5 =	vadd.f32 $-8.802969360e+01, v9;
	(erf) = vrcp.f32 v11;
	v11 =	vadd.f32 $2.000000000e+00, v14  }
0x94: {  	v28 =	vld [tilespmem:s5+$0x10000];
	v18 =	vshra.s32 v1, $0x17;
	v1 =	vsub.f32 $1.000000000e+00, v1;
	v16 =	vmul.f32 v13, v13  }
0x95: {  	v15 =	vld [tilespmem:s5+$0x12010];
	v20 =	vadd.f32 v5, v12;
	v5 =	vcvt.s32.f32 v18;
	v7 =	vmul.f32 v11, v7  }
0x96: {  	v9 =	vld [tilespmem:s5+$0x10];
	v17 =	vadd.f32 $9.999999740e-06, v3;
	v3 =	vmul.f32 $2.857142980e-01, v16  }
0x97: {  	v1 =	vmul.f32 v1, v1;
	v14 =	vld [tilespmem:s5+$0x2010];
	v5 =	vmul.f32 $6.931471820e-01, v5;
	v7 =	vadd.f32 $-8.802969360e+01, v7  }
0x98: {  	vm11 =	veq.s32 v57, $0x1;
	vm12 =	veq.s32 v25, $0x1;
	v12 =	vld [tilespmem:s5+$0x4010];
	v3 =	vadd.f32 $4.000000060e-01, v3  }
0x99: {  	vm13 =	veq.s32 v28, $0x1;
	v11 =	vld [tilespmem:s5+$0x6010];
	v18 =	vshra.s32 v17, $0x17;
	v5 =	vadd.f32 v7, v5  }
0x9a: {  	v56 =	vand.u32 $0x7FFFFF, v17;
	v18 =	vcvt.s32.f32 v18;
	v59 =	vmul.f32 v3, v16  }
0x9b: {  	v58 =	vld [tilespmem:s5+$0x0];
	v8 =	vadd.f32 $-1.000000000e+00, v8;
	vm10 =	veq.s32 v15, $0x1;
	v21 =	vor.u32 $0x3F800000, v56  }
0x9c: {  	v60 =	vld [tilespmem:s5+$0x4000];
	v26 =	vadd.f32 $1.000000000e+00, v21;
	v3 =	vmul.f32 $6.931471820e-01, v18;
	v18 =	vadd.f32 $6.666666860e-01, v59  }
0x9d: {  	v15 =	vld [tilespmem:s5+$0x6000];
	v61 =	vadd.f32 v14, v9;
	v14 =	vsel vm11, v14, v9;
	v1 =	vmul.f32 v5, v1;
	v5 =	vpop (erf)  }
0x9e: {  	v7 =	vld [tilespmem:s5+$0x2000];
	v27 =	vadd.f32 v11, v12;
	v16 =	vmul.f32 v18, v16;
	v9 =	vmul.f32 v5, v8  }
0x9f: {  	(erf) = vrcp.f32 v26;
	v5 =	vsub.f32 v19, v1;
	v1 =	vld [tilespmem:s5+$0x12000];
	v8 =	vsel vm10, v12, v14  }
0xa0: {  	v12 =	vld [tilespmem:s5+$0x14000];
	v8 =	vsel vm12, v11, v8;
	v11 =	vadd.f32 v27, v61;
	v19 =	vmul.f32 v9, v9  }
0xa1: {  	v2 =	vmul.f32 v55, v55;
	v17 =	vsub.f32 $1.000000000e+00, v17;
	v8 =	vmul.f32 $9.999866480e-01, v8  }
0xa2: {  	v16 =	vadd.f32 $2.000000000e+00, v16;
	v11 =	vmul.f32 $3.333333320e-06, v11;
	v62 =	vmul.f32 $2.857142980e-01, v19  }
0xa3: {  	v18 =	vadd.f32 v15, v60;
	v14 =	vadd.f32 v7, v58;
	v7 =	vsel vm13, v7, v58  }
0xa4: {  	v13 =	vmul.f32 v16, v13;
	v8 =	vadd.f32 v8, v11;
	v11 =	vadd.f32 $4.000000060e-01, v62  }
0xa5: {  	vm14 =	veq.s32 v1, $0x1;
	vm15 =	veq.s32 v12, $0x1;
	v1 =	vadd.f32 v18, v14  }
0xa6: {  	s28 =	simm.s32 $0x80;
	s6 =	simm.s32 $0x400;
	s5 =	simm.s32 $0x80;
	v7 =	vsel vm14, v60, v7;
	v8 =	vadd.f32 $9.999999740e-06, v8;
	v11 =	vmul.f32 v11, v19  }
0xa7: {  	s8 =	sand.u32 $0x1000, s28;
	s9 =	sand.u32 $0xC00, s6;
	v21 =	vadd.f32 $-1.000000000e+00, v21;
	s26 =	sand.u32 $0x60, s5;
	v18 =	vadd.f32 $-8.802969360e+01, v13;
	v7 =	vsel vm15, v15, v7  }
0xa8: {  	s7 =	sor.u32 s26, s9;
	s26 =	simm.s32 $0x20;
	v12 =	vmul.f32 $3.333333320e-06, v1;
	v15 =	vpop (erf);
	v14 =	vand.u32 $0x7FFFFF, v8;
	v11 =	vadd.f32 $6.666666860e-01, v11  }
0xa9: {  	s7 =	sor.u32 s8, s7;
	s28 =	sand.u32 $0x380, s26;
	v16 =	vmul.f32 $9.999866480e-01, v7;
	v7 =	vmul.f32 v15, v21;
	v14 =	vor.u32 $0x3F800000, v14  }
0xaa: {  	s8 =	sor.u32 s28, s7;
	v1 =	vmul.f32 v17, v17;
	v17 =	vadd.f32 $1.000000000e+00, v14;
	v11 =	vmul.f32 v11, v19  }
0xab: {  	v13 =	vld [tilespmem:s8+$0x10];
	v15 =	vmul.f32 v20, v6;
	v63 =	vadd.f32 v16, v12;
	v12 =	vmul.f32 v7, v7  }
0xac: {  	v6 =	vadd.f32 v18, v10;
	v10 =	vld [tilespmem:s8+$0x2010];
	(erf) = vrcp.f32 v17;
	v16 =	vadd.f32 $2.000000000e+00, v11  }
0xad: {  	s7 =	simm.s32 $0x5;
	v18 =	vshra.s32 v4, $0x17;
	v19 =	vld [tilespmem:s8+$0x12010];
	v17 =	vmul.f32 $2.857142980e-01, v12;
	v11 =	vadd.f32 $9.999999740e-06, v63  }
.LBB2_2:
0xae: {  	p0 =	sne.s32 s7, $0xFF;
	v20 =	vld [tilespmem:s8+$0x4010];
	v18 =	vcvt.s32.f32 v18;
	v9 =	vmul.f32 v16, v9;
	v0 =	vsub.f32 v0, v15  }
0xaf: {  	v15 =	vld [tilespmem:s8+$0x6010];
	v16 =	vshra.s32 v11, $0x17;
	v21 =	vand.u32 $0x7FFFFF, v11;
	v17 =	vadd.f32 $4.000000060e-01, v17  }
0xb0: {  	v23 =	vsub.f32 $1.000000000e+00, v4;
	v4 =	vmovc v8;
	v22 =	vld [tilespmem:s8+$0x10010];
	v18 =	vmul.f32 $6.931471820e-01, v18;
	v9 =	vadd.f32 $-8.802969360e+01, v9  }
0xb1: {  	v16 =	vcvt.s32.f32 v16;
	v21 =	vor.u32 $0x3F800000, v21;
	v8 =	vld [tilespmem:s8+$0x0];
	v17 =	vmul.f32 v17, v12  }
0xb2: {  	v23 =	vmul.f32 v23, v23;
	v25 =	vadd.f32 $1.000000000e+00, v21;
	v24 =	vld [tilespmem:s8+$0x14010];
	v28 =	vadd.f32 v9, v18  }
0xb3: {  	v21 =	vadd.f32 $-1.000000000e+00, v21;
	v26 =	vmul.f32 $6.931471820e-01, v16;
	v18 =	vld [tilespmem:s8+$0x2000];
	v16 =	vadd.f32 $6.666666860e-01, v17  }
0xb4: {  	v14 =	vadd.f32 $-1.000000000e+00, v14;
	vm0 =	veq.s32 v19, $0x1;
	v17 =	vld [tilespmem:s8+$0x4000];
	v19 =	vmul.f32 v28, v23  }
0xb5: {  	v27 =	vadd.f32 v15, v20;
	v23 =	vld [tilespmem:s8+$0x6000];
	vm1 =	veq.s32 v22, $0x1;
	v22 =	vadd.f32 v10, v13;
	v9 =	vpop (erf)  }
0xb6: {  	v28 =	vld [tilespmem:s8+$0x10000];
	v10 =	vsel vm1, v10, v13;
	v9 =	vmul.f32 v9, v14;
	v5 =	vsub.f32 v5, v19  }
0xb7: {  	v13 =	vld [tilespmem:s8+$0x12000];
	v10 =	vsel vm0, v20, v10;
	vm0 =	veq.s32 v24, $0x1;
	(erf) = vrcp.f32 v25  }
0xb8: {  	v14 =	vld [tilespmem:s8+$0x14000];
	v10 =	vsel vm0, v15, v10;
	v15 =	vadd.f32 v27, v22;
	v19 =	vmul.f32 v9, v9  }
0xb9: {  	v12 =	vmul.f32 v16, v12;
	v20 =	vadd.f32 v18, v8;
	v10 =	vmul.f32 $9.999866480e-01, v10  }
0xba: {  	v16 =	vadd.f32 v23, v17;
	v15 =	vmul.f32 $3.333333320e-06, v15;
	v22 =	vmul.f32 $2.857142980e-01, v19  }
0xbb: {  	v11 =	vsub.f32 $1.000000000e+00, v11;
	v12 =	vadd.f32 $2.000000000e+00, v12;
	vm0 =	veq.s32 v28, $0x1  }
0xbc: {  	v8 =	vsel vm0, v18, v8;
	v10 =	vadd.f32 v10, v15;
	v15 =	vadd.f32 $4.000000060e-01, v22  }
0xbd: {  	vm0 =	veq.s32 v13, $0x1;
	v13 =	vadd.f32 v16, v20;
	vm1 =	veq.s32 v14, $0x1  }
0xbe: {  	s5 =	sadd.s32 $0x20, s5;
	s6 =	sadd.s32 $0x100, s6;
	v14 =	vsel vm0, v17, v8;
	v8 =	vadd.f32 $9.999999740e-06, v10;
	v10 =	vmul.f32 v15, v19  }
0xbf: {  	s9 =	sshll.u32 s7, $0x5;
	s26 =	sand.u32 $0xC00, s6;
	s8 =	sand.u32 $0x60, s5;
	v12 =	vmul.f32 v12, v7;
	v14 =	vsel vm1, v23, v14;
	v13 =	vmul.f32 $3.333333320e-06, v13  }
0xc0: {  	s28 =	sshll.u32 s7, $0x3;
	s9 =	sand.u32 $0x1000, s9;
	v11 =	vmul.f32 v11, v11;
	s8 =	sor.u32 s8, s26;
	v7 =	vand.u32 $0x7FFFFF, v8;
	v10 =	vadd.f32 $6.666666860e-01, v10;
	v15 =	vpop (erf)  }
.Ltmp0:
0xc1: {  	s26 =	sand.u32 $0x380, s28;
	s8 =	sor.u32 s9, s8;
	v16 =	vmul.f32 $9.999866480e-01, v14;
	v14 =	vor.u32 $0x3F800000, v7;
	v7 =	vmul.f32 v15, v21;
	(pc) =	sbr.rel @p0 .LBB2_2-.Ltmp0, $4  }
0xc2: {  	s8 =	sor.u32 s26, s8;
	v18 =	vadd.f32 $-8.802969360e+01, v12;
	v17 =	vadd.f32 $1.000000000e+00, v14;
	v10 =	vmul.f32 v10, v19  }
0xc3: {  	v20 =	vadd.f32 v16, v13;
	v15 =	vmul.f32 v6, v2;
	v2 =	vmovc v1;
	v19 =	vld [tilespmem:s8+$0x12010];
	v12 =	vmul.f32 v7, v7  }
0xc4: {  	v6 =	vadd.f32 v18, v3;
	v3 =	vmovc v26;
	v1 =	vmovc v11;
	v13 =	vld [tilespmem:s8+$0x10];
	(erf) = vrcp.f32 v17;
	v16 =	vadd.f32 $2.000000000e+00, v10  }
0xc5: {  	s7 =	sadd.s32 $0x1, s7;
	v18 =	vshra.s32 v4, $0x17;
	v11 =	vadd.f32 $9.999999740e-06, v20;
	v10 =	vld [tilespmem:s8+$0x2010];
	v17 =	vmul.f32 $2.857142980e-01, v12  }
0xc6: {  	v20 =	vld [tilespmem:s8+$0x4010]  }
0xc7: {  	v21 =	vld [tilespmem:s8+$0x6010]  }
0xc8: {  	v22 =	vld [tilespmem:s8+$0x10010]  }
0xc9: {  	v23 =	vld [tilespmem:s8+$0x0]  }
0xca: {  	v24 =	vld [tilespmem:s8+$0x14010]  }
0xcb: {  	v26 =	vld [tilespmem:s8+$0x4000]  }
0xcc: {  	v27 =	vld [tilespmem:s8+$0x6000]  }
0xcd: {  	v28 =	vld [tilespmem:s8+$0x10000]  }
0xce: {  	v25 =	vld [tilespmem:s8+$0x2000]  }
0xcf: {  	v47 =	vld [tilespmem:s8+$0x12000]  }
0xd0: {  	v29 =	vld [tilespmem:s8+$0x14000]  }
0xd1: {  	vm1 =	veq.s32 v19, $0x1;
	vm0 =	veq.s32 v22, $0x1  }
0xd2: {  	vm12 =	veq.s32 v24, $0x1;
	v48 =	vadd.f32 v27, v26;
	vm13 =	veq.s32 v28, $0x1  }
0xd3: {  	v19 =	vsel vm0, v10, v13;
	v10 =	vadd.f32 v10, v13;
	v13 =	vadd.f32 v21, v20  }
0xd4: {  	vm14 =	veq.s32 v47, $0x1;
	v19 =	vsel vm1, v20, v19;
	v20 =	vadd.f32 v25, v23  }
0xd5: {  	vm15 =	veq.s32 v29, $0x1;
	v10 =	vadd.f32 v13, v10;
	v13 =	vsel vm13, v25, v23  }
0xd6: {  	v19 =	vsel vm12, v21, v19;
	v20 =	vadd.f32 v48, v20;
	v13 =	vsel vm14, v26, v13  }
0xd7: {  	v19 =	vmul.f32 $9.999866480e-01, v19;
	v10 =	vmul.f32 $3.333333320e-06, v10;
	v13 =	vsel vm15, v27, v13  }
0xd8: {  	v20 =	vmul.f32 $3.333333320e-06, v20;
	v13 =	vmul.f32 $9.999866480e-01, v13  }
0xd9: {  	v10 =	vadd.f32 v19, v10  }
0xda: {  	v13 =	vadd.f32 v13, v20  }
0xdb: {  	v10 =	vadd.f32 $9.999999740e-06, v10  }
0xdc: {  	v19 =	vand.u32 $0x7FFFFF, v11;
	v13 =	vadd.f32 $9.999999740e-06, v13  }
0xdd: {  	v19 =	vor.u32 $0x3F800000, v19;
	v20 =	vand.u32 $0x7FFFFF, v10  }
0xde: {  	s5 =	simm.s32 $0x0;
	v49 =	vadd.f32 $1.000000000e+00, v19;
	v20 =	vor.u32 $0x3F800000, v20;
	v50 =	vand.u32 $0x7FFFFF, v13  }
0xdf: {  	[tilespmem:s5], [sflag:$0x1] =	stream.linear.gather [hbm4b:s16+s5], $0x2000, $0x38;
	v51 =	vadd.f32 $1.000000000e+00, v20;
	v22 =	vor.u32 $0x3F800000, v50;
	[tilespmem:$0x1C080] =	vst v63  }
0xe0: {  	s6 =	simm.s32 $0x2000;
	(erf) = vrcp.f32 v49;
	v52 =	vadd.f32 $1.000000000e+00, v22  }
0xe1: {  	[tilespmem:s6], [sflag:$0x1] =	stream.linear.gather [hbm4b:s17+s5], $0x2000, $0x38;
	(erf) = vrcp.f32 v51;
	[tilespmem:$0x1C080] =	vst v63  }
0xe2: {  	s8 =	simm.s32 $0x4000;
	(erf) = vrcp.f32 v52  }
0xe3: {  	[tilespmem:s8], [sflag:$0x1] =	stream.linear.gather [hbm4b:s18+s5], $0x2000, $0x38;
	[tilespmem:$0x1C080] =	vst v63  }
0xe4: {  	_ = 	snop  }
0xe5: {  	[tilespmem:s29], [sflag:$0x1] =	stream.linear.gather [hbm4b:s20+s5], $0x2000, $0x38;
	[tilespmem:$0x1C080] =	vst v63  }
0xe6: {  	_ = 	snop  }
0xe7: {  	[tilespmem:s30], [sflag:$0x1] =	stream.linear.gather [hbm4b:s21+s5], $0x2000, $0x38;
	[tilespmem:$0x1C080] =	vst v63  }
0xe8: {  	v53 =	vpop (erf)  }
0xe9: {  	[tilespmem:s31], [sflag:$0x1] =	stream.linear.gather [hbm4b:s22+s5], $0x2000, $0x38;
	v54 =	vpop (erf);
	[tilespmem:$0x1C080] =	vst v63  }
0xea: {  	v55 =	vpop (erf)  }
0xeb: {  	[tilespmem:s19], [sflag:$0x1] =	stream.linear.gather [hbm4b:s23+s5], $0x2000, $0x38;
	v56 =	vpop (erf);
	[tilespmem:$0x1C080] =	vst v63  }
0xec: {  	_ =	swait.ge [sflag:s2], $0x2000  }
0xed: {  	[sflag:s2] =	ssyncset.done $0x0  }
0xee: {  	[sflag:s2] =	ssyncadd.s32 $0xFFFFE000  }
0xef: {  	v14 =	vadd.f32 $-1.000000000e+00, v14;
	_ =	swait.ge [sflag:s2], $0x2000  }
0xf0: {  	[sflag:s2] =	ssyncset.done $0x0  }
0xf1: {  	v14 =	vmul.f32 v53, v14;
	[sflag:s2] =	ssyncadd.s32 $0xFFFFE000  }
0xf2: {  	v17 =	vadd.f32 $4.000000060e-01, v17;
	_ =	swait.ge [sflag:s2], $0x2000  }
0xf3: {  	v21 =	vmul.f32 v14, v14;
	[sflag:s2] =	ssyncset.done $0x0  }
0xf4: {  	v17 =	vmul.f32 v17, v12;
	[sflag:s2] =	ssyncadd.s32 $0xFFFFE000  }
0xf5: {  	v57 =	vmul.f32 $2.857142980e-01, v21;
	_ =	swait.ge [sflag:s2], $0x2000  }
0xf6: {  	v18 =	vcvt.s32.f32 v18;
	v17 =	vadd.f32 $6.666666860e-01, v17;
	[sflag:s2] =	ssyncset.done $0x0  }
0xf7: {  	v9 =	vmul.f32 v16, v9;
	v4 =	vsub.f32 $1.000000000e+00, v4;
	v26 =	vadd.f32 $4.000000060e-01, v57;
	[sflag:s2] =	ssyncadd.s32 $0xFFFFE000  }
0xf8: {  	v15 =	vsub.f32 v0, v15;
	v2 =	vmul.f32 v6, v2;
	v12 =	vmul.f32 v17, v12;
	_ =	swait.ge [sflag:s2], $0x2000  }
0xf9: {  	v16 =	vmul.f32 $6.931471820e-01, v18;
	v18 =	vshra.s32 v11, $0x17;
	v17 =	vmul.f32 v26, v21;
	[sflag:s2] =	ssyncset.done $0x0  }
0xfa: {  	v9 =	vadd.f32 $-8.802969360e+01, v9;
	v18 =	vcvt.s32.f32 v18;
	v12 =	vadd.f32 $2.000000000e+00, v12;
	[sflag:s2] =	ssyncadd.s32 $0xFFFFE000  }
0xfb: {  	v4 =	vmul.f32 v4, v4;
	v19 =	vadd.f32 $-1.000000000e+00, v19;
	v17 =	vadd.f32 $6.666666860e-01, v17;
	_ =	swait.ge [sflag:s2], $0x2000  }
0xfc: {  	s7 =	simm.s32 $0x0;
	s26 =	simm.s32 $0x0;
	v9 =	vadd.f32 v9, v16;
	v0 =	vmul.f32 $6.931471820e-01, v18;
	v7 =	vmul.f32 v12, v7;
	[sflag:s2] =	ssyncset.done $0x0  }
0xfd: {  	s9 =	sand.u32 $0x60, s5;
	s5 =	sand.u32 $0xC00, s5;
	v12 =	vmul.f32 v17, v21;
	v16 =	vmul.f32 v54, v19;
	[sflag:s2] =	ssyncadd.s32 $0xFFFFE000  }
0xfe: {  	s7 =	sand.u32 $0x1000, s7;
	v18 =	vshra.s32 v8, $0x17;
	v4 =	vmul.f32 v9, v4;
	v9 =	vsub.f32 $1.000000000e+00, v11;
	s5 =	sor.u32 s9, s5;
	_ =	swait.ge [sflag:s2], $0x2000  }
0xff: {  	s28 =	sand.u32 $0x380, s26;
	v6 =	vcvt.s32.f32 v18;
	s5 =	sor.u32 s7, s5;
	v12 =	vadd.f32 $2.000000000e+00, v12;
	v11 =	vmul.f32 v16, v16;
	[sflag:s2] =	ssyncset.done $0x0  }
0x100: {  	v4 =	vsub.f32 v5, v4;
	v5 =	vmul.f32 v9, v9;
	s5 =	sor.u32 s28, s5;
	v17 =	vadd.f32 $-1.000000000e+00, v20;
	[sflag:s2] =	ssyncadd.s32 $0xFFFFE000  }
0x101: {  	v22 =	vadd.f32 $-1.000000000e+00, v22;
	v12 =	vmul.f32 v12, v14;
	v9 =	vmul.f32 $2.857142980e-01, v11;
	v19 =	vld [tilespmem:s5+$0x8010]  }
0x102: {  	v6 =	vmul.f32 $6.931471820e-01, v6;
	v7 =	vadd.f32 $-8.802969360e+01, v7;
	v17 =	vmul.f32 v55, v17;
	v18 =	vld [tilespmem:s5+$0xA010]  }
0x103: {  	v12 =	vadd.f32 $-8.802969360e+01, v12;
	v22 =	vmul.f32 v56, v22;
	v9 =	vadd.f32 $4.000000060e-01, v9;
	v20 =	vld [tilespmem:s5+$0xC010]  }
0x104: {  	v8 =	vsub.f32 $1.000000000e+00, v8;
	v3 =	vadd.f32 v7, v3;
	v14 =	vmul.f32 v17, v17;
	v59 =	vld [tilespmem:s5+$0xE010]  }
0x105: {  	v6 =	vadd.f32 v12, v6;
	v12 =	vmul.f32 v22, v22;
	v9 =	vmul.f32 v9, v11;
	v61 =	vld [tilespmem:s5+$0x16010]  }
0x106: {  	v8 =	vmul.f32 v8, v8;
	v58 =	vshra.s32 v13, $0x17;
	v1 =	vmul.f32 v3, v1;
	v62 =	vld [tilespmem:s5+$0x18010]  }
0x107: {  	v60 =	vmul.f32 $2.857142980e-01, v14;
	v36 =	vmul.f32 $2.857142980e-01, v12;
	v9 =	vadd.f32 $6.666666860e-01, v9;
	v63 =	vld [tilespmem:s5+$0x1A010]  }
0x108: {  	v15 =	vsub.f32 v15, v2;
	v21 =	vcvt.s32.f32 v58;
	v6 =	vmul.f32 v6, v8  }
0x109: {  	v24 =	vadd.f32 $4.000000060e-01, v60;
	v38 =	vadd.f32 $4.000000060e-01, v36;
	v9 =	vmul.f32 v9, v11;
	v32 =	vld [tilespmem:s5+$0x8000]  }
0x10a: {  	v33 =	vld [tilespmem:s5+$0xA000];
	vm4 =	veq.s32 v61, $0x1;
	v34 =	vadd.f32 v18, v19;
	v35 =	vadd.f32 v59, v20  }
0x10b: {  	v11 =	vmul.f32 v24, v14;
	v39 =	vld [tilespmem:s5+$0x16000];
	vm5 =	veq.s32 v62, $0x1;
	v18 =	vsel vm4, v18, v19  }
0x10c: {  	v40 =	vld [tilespmem:s5+$0x18000];
	vm6 =	veq.s32 v63, $0x1;
	v18 =	vsel vm5, v20, v18;
	v37 =	vadd.f32 v35, v34  }
0x10d: {  	v41 =	vmul.f32 v38, v12;
	v11 =	vadd.f32 $6.666666860e-01, v11;
	v19 =	vld [tilespmem:s5+$0xC000];
	v18 =	vsel vm6, v59, v18  }
0x10e: {  	v8 =	vadd.f32 $2.000000000e+00, v9;
	v20 =	vld [tilespmem:s5+$0xE000];
	v2 =	vmul.f32 $9.999866480e-01, v18;
	v18 =	vmul.f32 $3.333333320e-06, v37  }
0x10f: {  	v7 =	vmul.f32 $6.931471820e-01, v21;
	v9 =	vmul.f32 v11, v14;
	v11 =	vld [tilespmem:s5+$0x1A000]  }
0x110: {  	v8 =	vmul.f32 v8, v16;
	v16 =	vadd.f32 $6.666666860e-01, v41;
	v2 =	vadd.f32 v2, v18  }
0x111: {  	v4 =	vsub.f32 v4, v6;
	v14 =	vshra.s32 v10, $0x17;
	v9 =	vadd.f32 $2.000000000e+00, v9  }
0x112: {  	s8 =	simm.s32 $0x100;
	s7 =	simm.s32 $0x20;
	v12 =	vmul.f32 v16, v12;
	vm7 =	veq.s32 v39, $0x1;
	v2 =	vadd.f32 $9.999999740e-06, v2  }
0x113: {  	s6 =	sand.u32 $0xC00, s8;
	s9 =	simm.s32 $0x20;
	vm8 =	veq.s32 v40, $0x1;
	s5 =	sand.u32 $0x60, s7;
	v18 =	vadd.f32 v33, v32;
	v42 =	vadd.f32 v20, v19  }
0x114: {  	s26 =	simm.s32 $0x8;
	vm9 =	veq.s32 v11, $0x1;
	v21 =	vsel vm7, v33, v32;
	s7 =	sand.u32 $0x1000, s9;
	s5 =	sor.u32 s5, s6;
	v11 =	vand.u32 $0x7FFFFF, v2  }
0x115: {  	s28 =	sand.u32 $0x380, s26;
	s5 =	sor.u32 s7, s5;
	v19 =	vsel vm8, v19, v21;
	v18 =	vadd.f32 v42, v18;
	v11 =	vor.u32 $0x3F800000, v11  }
0x116: {  	v6 =	vmul.f32 v9, v17;
	s5 =	sor.u32 s28, s5;
	v16 =	vsel vm9, v20, v19;
	v19 =	vadd.f32 $1.000000000e+00, v11  }
0x117: {  	v10 =	vsub.f32 $1.000000000e+00, v10;
	v9 =	vld [tilespmem:s5+$0x8010];
	v16 =	vmul.f32 $9.999866480e-01, v16;
	v18 =	vmul.f32 $3.333333320e-06, v18  }
0x118: {  	v14 =	vcvt.s32.f32 v14;
	v8 =	vadd.f32 $-8.802969360e+01, v8;
	v17 =	vld [tilespmem:s5+$0xA010];
	(erf) = vrcp.f32 v19  }
0x119: {  	v3 =	vmul.f32 v10, v10;
	v12 =	vadd.f32 $2.000000000e+00, v12;
	v10 =	vld [tilespmem:s5+$0xE010];
	v16 =	vadd.f32 v16, v18  }
0x11a: {  	v14 =	vmul.f32 $6.931471820e-01, v14;
	v0 =	vadd.f32 v8, v0;
	v6 =	vadd.f32 $-8.802969360e+01, v6;
	v20 =	vld [tilespmem:s5+$0x18010]  }
0x11b: {  	v12 =	vmul.f32 v12, v22;
	v19 =	vld [tilespmem:s5+$0x16010];
	v16 =	vadd.f32 $9.999999740e-06, v16  }
0x11c: {  	v1 =	vsub.f32 v15, v1;
	v0 =	vmul.f32 v0, v5;
	v6 =	vadd.f32 v6, v14;
	v18 =	vld [tilespmem:s5+$0xC010]  }
0x11d: {  	v13 =	vsub.f32 $1.000000000e+00, v13;
	v8 =	vadd.f32 $-8.802969360e+01, v12;
	v14 =	vld [tilespmem:s5+$0x8000];
	v12 =	vand.u32 $0x7FFFFF, v16  }
0x11e: {  	v0 =	vsub.f32 v1, v0;
	v3 =	vmul.f32 v6, v3;
	v6 =	vor.u32 $0x3F800000, v12;
	v12 =	vld [tilespmem:s5+$0x1A010]  }
0x11f: {  	v13 =	vmul.f32 v13, v13;
	v5 =	vadd.f32 v8, v7;
	v8 =	vld [tilespmem:s5+$0xA000];
	v11 =	vadd.f32 $-1.000000000e+00, v11  }
0x120: {  	v15 =	vld [tilespmem:s5+$0xC000];
	vm10 =	veq.s32 v20, $0x1;
	v20 =	vadd.f32 v17, v9;
	vm11 =	veq.s32 v19, $0x1  }
0x121: {  	v1 =	vld [tilespmem:s5+$0x16000];
	v43 =	vadd.f32 v10, v18;
	v7 =	vadd.f32 $1.000000000e+00, v6;
	v9 =	vsel vm11, v17, v9;
	v44 =	vpop (erf)  }
0x122: {  	v3 =	vsub.f32 v4, v3;
	v19 =	vld [tilespmem:s5+$0xE000];
	v9 =	vsel vm10, v18, v9;
	v11 =	vmul.f32 v44, v11  }
0x123: {  	v4 =	vld [tilespmem:s5+$0x1A000];
	vm12 =	veq.s32 v12, $0x1;
	(erf) = vrcp.f32 v7;
	v7 =	vadd.f32 v43, v20  }
0x124: {  	s8 =	simm.s32 $0x200;
	v5 =	vmul.f32 v5, v13;
	s7 =	simm.s32 $0x40;
	v12 =	vld [tilespmem:s5+$0x18000];
	v9 =	vsel vm12, v10, v9;
	v10 =	vmul.f32 v11, v11  }
0x125: {  	s9 =	simm.s32 $0x40;
	s6 =	sand.u32 $0xC00, s8;
	s5 =	sand.u32 $0x60, s7;
	v9 =	vmul.f32 $9.999866480e-01, v9;
	v7 =	vmul.f32 $3.333333320e-06, v7  }
0x126: {  	s26 =	simm.s32 $0x10;
	v0 =	vsub.f32 v0, v5;
	v5 =	vadd.f32 v8, v14;
	s7 =	sand.u32 $0x1000, s9;
	s5 =	sor.u32 s5, s6;
	v13 =	vmul.f32 $2.857142980e-01, v10  }
0x127: {  	s28 =	sand.u32 $0x380, s26;
	vm13 =	veq.s32 v1, $0x1;
	v17 =	vadd.f32 v19, v15;
	s5 =	sor.u32 s7, s5;
	v1 =	vadd.f32 v9, v7  }
0x128: {  	vm15 =	veq.s32 v4, $0x1;
	s5 =	sor.u32 s28, s5;
	v7 =	vsel vm13, v8, v14;
	v8 =	vadd.f32 $4.000000060e-01, v13  }
0x129: {  	v5 =	vadd.f32 v17, v5;
	v17 =	vld [tilespmem:s5+$0xC010];
	vm14 =	veq.s32 v12, $0x1;
	v1 =	vadd.f32 $9.999999740e-06, v1  }
0x12a: {  	v6 =	vadd.f32 $-1.000000000e+00, v6;
	v20 =	vld [tilespmem:s5+$0xE010];
	v4 =	vsel vm14, v15, v7;
	v7 =	vmul.f32 v8, v10  }
0x12b: {  	v5 =	vmul.f32 $3.333333320e-06, v5;
	v12 =	vshra.s32 v16, $0x17;
	v8 =	vand.u32 $0x7FFFFF, v1  }
0x12c: {  	v46 =	vld [tilespmem:s5+$0x1A010];
	v4 =	vsel vm15, v19, v4;
	v9 =	vpop (erf);
	v8 =	vor.u32 $0x3F800000, v8;
	v7 =	vadd.f32 $6.666666860e-01, v7  }
0x12d: {  	v4 =	vmul.f32 $9.999866480e-01, v4;
	v9 =	vmul.f32 v9, v6;
	v6 =	vadd.f32 $1.000000000e+00, v8  }
0x12e: {  	v12 =	vcvt.s32.f32 v12;
	v7 =	vmul.f32 v7, v10  }
0x12f: {  	v49 =	vadd.f32 v20, v17;
	v4 =	vadd.f32 v4, v5;
	(erf) = vrcp.f32 v6  }
0x130: {  	v13 =	vld [tilespmem:s5+$0x18010];
	v5 =	vsub.f32 $1.000000000e+00, v16;
	v16 =	vshra.s32 v2, $0x17;
	v7 =	vadd.f32 $2.000000000e+00, v7  }
0x131: {  	v15 =	vld [tilespmem:s5+$0x8010];
	vm6 =	veq.s32 v46, $0x1;
	v2 =	vsub.f32 $1.000000000e+00, v2;
	v16 =	vcvt.s32.f32 v16  }
0x132: {  	v19 =	vld [tilespmem:s5+$0x16010];
	v14 =	vmul.f32 v9, v9;
	v4 =	vadd.f32 $9.999999740e-06, v4;
	v7 =	vmul.f32 v7, v11  }
0x133: {  	v8 =	vadd.f32 $-1.000000000e+00, v8;
	v6 =	vmul.f32 v5, v5;
	v5 =	vld [tilespmem:s5+$0xA010];
	v16 =	vmul.f32 $6.931471820e-01, v16  }
0x134: {  	v10 =	vmul.f32 $2.857142980e-01, v14;
	v18 =	vand.u32 $0x7FFFFF, v4;
	v7 =	vadd.f32 $-8.802969360e+01, v7  }
0x135: {  	v2 =	vmul.f32 v2, v2;
	vm4 =	veq.s32 v13, $0x1;
	v18 =	vor.u32 $0x3F800000, v18  }
0x136: {  	v10 =	vadd.f32 $4.000000060e-01, v10;
	v11 =	vshra.s32 v4, $0x17;
	v7 =	vadd.f32 v7, v16  }
0x137: {  	v48 =	vld [tilespmem:s5+$0x8000];
	vm5 =	veq.s32 v19, $0x1;
	v47 =	vadd.f32 $1.000000000e+00, v18;
	v11 =	vcvt.s32.f32 v11  }
0x138: {  	v19 =	vld [tilespmem:s5+$0xE000];
	v45 =	vmul.f32 v10, v14;
	v16 =	vadd.f32 $-1.000000000e+00, v18;
	v13 =	vpop (erf);
	v2 =	vmul.f32 v7, v2  }
0x139: {  	v18 =	vld [tilespmem:s5+$0xA000];
	v7 =	vadd.f32 v5, v15;
	v5 =	vsel vm5, v5, v15;
	v8 =	vmul.f32 v13, v8  }
0x13a: {  	v10 =	vmul.f32 $6.931471820e-01, v11;
	(erf) = vrcp.f32 v47;
	v13 =	vld [tilespmem:s5+$0x16000];
	v5 =	vsel vm4, v17, v5  }
0x13b: {  	v11 =	vld [tilespmem:s5+$0xC000];
	v5 =	vsel vm6, v20, v5;
	v7 =	vadd.f32 v49, v7;
	v15 =	vmul.f32 v8, v8  }
0x13c: {  	v17 =	vadd.f32 $6.666666860e-01, v45;
	v20 =	vsub.f32 v3, v2;
	v2 =	vld [tilespmem:s5+$0x18000];
	v3 =	vmul.f32 $9.999866480e-01, v5  }
0x13d: {  	v5 =	vld [tilespmem:s5+$0x1A000];
	v7 =	vmul.f32 $3.333333320e-06, v7;
	v51 =	vmul.f32 $2.857142980e-01, v15  }
0x13e: {  	v52 =	vsub.f32 $1.000000000e+00, v4;
	v50 =	vadd.f32 v18, v48;
	v14 =	vmul.f32 v17, v14  }
0x13f: {  	vm7 =	veq.s32 v13, $0x1;
	v3 =	vadd.f32 v3, v7;
	v7 =	vadd.f32 $4.000000060e-01, v51  }
0x140: {  	v17 =	vadd.f32 v19, v11;
	v13 =	vadd.f32 $2.000000000e+00, v14;
	v14 =	vsel vm7, v18, v48  }
0x141: {  	s6 =	simm.s32 $0x60;
	s7 =	simm.s32 $0x300;
	vm8 =	veq.s32 v2, $0x1;
	v4 =	vadd.f32 $9.999999740e-06, v3;
	v2 =	vmul.f32 v7, v15  }
0x142: {  	s8 =	simm.s32 $0x60;
	s5 =	sand.u32 $0x60, s6;
	s6 =	sand.u32 $0xC00, s7;
	v17 =	vadd.f32 v17, v50;
	vm9 =	veq.s32 v5, $0x1;
	v3 =	vsel vm8, v11, v14  }
0x143: {  	s9 =	simm.s32 $0x18;
	s7 =	sand.u32 $0x1000, s8;
	s5 =	sor.u32 s5, s6;
	v3 =	vsel vm9, v19, v3;
	v7 =	vand.u32 $0x7FFFFF, v4;
	v2 =	vadd.f32 $6.666666860e-01, v2  }
0x144: {  	s26 =	sand.u32 $0x380, s9;
	s5 =	sor.u32 s7, s5;
	v5 =	vmul.f32 $3.333333320e-06, v17;
	v3 =	vmul.f32 $9.999866480e-01, v3;
	v7 =	vor.u32 $0x3F800000, v7  }
0x145: {  	s5 =	sor.u32 s26, s5;
	v9 =	vmul.f32 v13, v9;
	v11 =	vpop (erf);
	v13 =	vadd.f32 $1.000000000e+00, v7;
	v14 =	vmul.f32 v2, v15  }
0x146: {  	v12 =	vmul.f32 $6.931471820e-01, v12;
	v54 =	vld [tilespmem:s5+$0x16010];
	v11 =	vmul.f32 v11, v16;
	v3 =	vadd.f32 v3, v5  }
0x147: {  	v57 =	vld [tilespmem:s5+$0x1A010];
	v5 =	vadd.f32 $-8.802969360e+01, v9;
	(erf) = vrcp.f32 v13;
	v13 =	vadd.f32 $2.000000000e+00, v14  }
0x148: {  	v18 =	vshra.s32 v1, $0x17;
	v16 =	vmul.f32 v11, v11;
	v15 =	vld [tilespmem:s5+$0x18010]  }
0x149: {  	v9 =	vld [tilespmem:s5+$0x8010];
	v19 =	vadd.f32 v5, v12;
	v5 =	vcvt.s32.f32 v18;
	v8 =	vmul.f32 v13, v8  }
0x14a: {  	v1 =	vsub.f32 $1.000000000e+00, v1;
	v14 =	vld [tilespmem:s5+$0xA010];
	v17 =	vadd.f32 $9.999999740e-06, v3  }
0x14b: {  	v3 =	vmul.f32 $2.857142980e-01, v16;
	v5 =	vmul.f32 $6.931471820e-01, v5;
	v8 =	vadd.f32 $-8.802969360e+01, v8  }
0x14c: {  	v1 =	vmul.f32 v1, v1;
	v7 =	vadd.f32 $-1.000000000e+00, v7;
	v12 =	vld [tilespmem:s5+$0xC010]  }
0x14d: {  	v13 =	vld [tilespmem:s5+$0xE010];
	v18 =	vshra.s32 v17, $0x17;
	v3 =	vadd.f32 $4.000000060e-01, v3;
	v5 =	vadd.f32 v8, v5  }
0x14e: {  	v55 =	vld [tilespmem:s5+$0x8000];
	vm11 =	veq.s32 v54, $0x1;
	v53 =	vand.u32 $0x7FFFFF, v17;
	v18 =	vcvt.s32.f32 v18  }
0x14f: {  	v59 =	vld [tilespmem:s5+$0xC000];
	vm12 =	veq.s32 v57, $0x1;
	v21 =	vor.u32 $0x3F800000, v53;
	v56 =	vmul.f32 v3, v16  }
0x150: {  	v62 =	vld [tilespmem:s5+$0x16000];
	vm10 =	veq.s32 v15, $0x1;
	v58 =	vadd.f32 $1.000000000e+00, v21;
	v3 =	vmul.f32 $6.931471820e-01, v18  }
0x151: {  	v15 =	vld [tilespmem:s5+$0xE000];
	v60 =	vadd.f32 v14, v9;
	v18 =	vadd.f32 $6.666666860e-01, v56;
	v1 =	vmul.f32 v5, v1;
	v5 =	vpop (erf)  }
0x152: {  	v14 =	vsel vm11, v14, v9;
	v8 =	vld [tilespmem:s5+$0xA000];
	v61 =	vadd.f32 v13, v12;
	v9 =	vmul.f32 v5, v7  }
0x153: {  	v16 =	vmul.f32 v18, v16;
	v5 =	vsub.f32 v20, v1;
	v1 =	vld [tilespmem:s5+$0x18000];
	v7 =	vsel vm10, v12, v14  }
0x154: {  	v12 =	vld [tilespmem:s5+$0x1A000];
	v7 =	vsel vm12, v13, v7;
	v13 =	vadd.f32 v61, v60;
	v20 =	vmul.f32 v9, v9  }
0x155: {  	(erf) = vrcp.f32 v58;
	v7 =	vmul.f32 $9.999866480e-01, v7  }
0x156: {  	v18 =	vadd.f32 v15, v59;
	v13 =	vmul.f32 $3.333333320e-06, v13;
	v63 =	vmul.f32 $2.857142980e-01, v20  }
0x157: {  	v16 =	vadd.f32 $2.000000000e+00, v16;
	v14 =	vadd.f32 v8, v55  }
0x158: {  	vm13 =	veq.s32 v62, $0x1;
	v7 =	vadd.f32 v7, v13;
	v13 =	vadd.f32 $4.000000060e-01, v63  }
0x159: {  	v8 =	vsel vm13, v8, v55;
	vm14 =	veq.s32 v1, $0x1;
	vm15 =	veq.s32 v12, $0x1  }
0x15a: {  	v12 =	vsel vm14, v59, v8;
	v8 =	vadd.f32 $9.999999740e-06, v7;
	v7 =	vmul.f32 v13, v20  }
0x15b: {  	v11 =	vmul.f32 v16, v11  }
0x15c: {  	s6 =	simm.s32 $0x400;
	s26 =	simm.s32 $0x80;
	v2 =	vmul.f32 v52, v52;
	v17 =	vsub.f32 $1.000000000e+00, v17;
	s5 =	simm.s32 $0x80;
	v1 =	vadd.f32 v18, v14  }
0x15d: {  	s9 =	sand.u32 $0xC00, s6;
	s8 =	sand.u32 $0x1000, s26;
	v21 =	vadd.f32 $-1.000000000e+00, v21;
	s28 =	sand.u32 $0x60, s5;
	v11 =	vadd.f32 $-8.802969360e+01, v11;
	v12 =	vsel vm15, v15, v12  }
0x15e: {  	s26 =	simm.s32 $0x20;
	s7 =	sor.u32 s28, s9;
	v13 =	vmul.f32 $3.333333320e-06, v1;
	v14 =	vand.u32 $0x7FFFFF, v8;
	v15 =	vadd.f32 $6.666666860e-01, v7;
	v7 =	vpop (erf)  }
0x15f: {  	s28 =	sand.u32 $0x380, s26;
	s7 =	sor.u32 s8, s7;
	v12 =	vmul.f32 $9.999866480e-01, v12;
	v14 =	vor.u32 $0x3F800000, v14;
	v7 =	vmul.f32 v7, v21  }
0x160: {  	s8 =	sor.u32 s28, s7;
	v1 =	vmul.f32 v17, v17;
	v16 =	vadd.f32 $1.000000000e+00, v14;
	v17 =	vmul.f32 v15, v20  }
0x161: {  	v18 =	vld [tilespmem:s8+$0x18010];
	v20 =	vadd.f32 v12, v13;
	v15 =	vmul.f32 v19, v6;
	v12 =	vmul.f32 v7, v7  }
0x162: {  	v13 =	vld [tilespmem:s8+$0x8010];
	v6 =	vadd.f32 v11, v10;
	(erf) = vrcp.f32 v16;
	v16 =	vadd.f32 $2.000000000e+00, v17  }
0x163: {  	s7 =	simm.s32 $0x5;
	v10 =	vld [tilespmem:s8+$0xA010];
	v19 =	vshra.s32 v4, $0x17;
	v11 =	vadd.f32 $9.999999740e-06, v20;
	v17 =	vmul.f32 $2.857142980e-01, v12  }
.LBB2_4:
0x164: {  	p0 =	sne.s32 s7, $0xFF;
	v20 =	vld [tilespmem:s8+$0xC010];
	v19 =	vcvt.s32.f32 v19;
	v9 =	vmul.f32 v16, v9;
	v0 =	vsub.f32 v0, v15  }
0x165: {  	v15 =	vld [tilespmem:s8+$0xE010];
	v16 =	vshra.s32 v11, $0x17;
	v21 =	vand.u32 $0x7FFFFF, v11;
	v17 =	vadd.f32 $4.000000060e-01, v17  }
0x166: {  	v23 =	vsub.f32 $1.000000000e+00, v4;
	v4 =	vmovc v8;
	v22 =	vld [tilespmem:s8+$0x16010];
	v19 =	vmul.f32 $6.931471820e-01, v19;
	v9 =	vadd.f32 $-8.802969360e+01, v9  }
0x167: {  	v16 =	vcvt.s32.f32 v16;
	v21 =	vor.u32 $0x3F800000, v21;
	v8 =	vld [tilespmem:s8+$0x8000];
	v17 =	vmul.f32 v17, v12  }
0x168: {  	v23 =	vmul.f32 v23, v23;
	v25 =	vadd.f32 $1.000000000e+00, v21;
	v24 =	vld [tilespmem:s8+$0x1A010];
	v28 =	vadd.f32 v9, v19  }
0x169: {  	v21 =	vadd.f32 $-1.000000000e+00, v21;
	v26 =	vmul.f32 $6.931471820e-01, v16;
	v19 =	vld [tilespmem:s8+$0xA000];
	v16 =	vadd.f32 $6.666666860e-01, v17  }
0x16a: {  	v14 =	vadd.f32 $-1.000000000e+00, v14;
	vm0 =	veq.s32 v18, $0x1;
	v17 =	vld [tilespmem:s8+$0xC000];
	v18 =	vmul.f32 v28, v23  }
0x16b: {  	v27 =	vadd.f32 v15, v20;
	v23 =	vld [tilespmem:s8+$0xE000];
	vm1 =	veq.s32 v22, $0x1;
	v22 =	vadd.f32 v10, v13;
	v9 =	vpop (erf)  }
0x16c: {  	v28 =	vld [tilespmem:s8+$0x16000];
	v10 =	vsel vm1, v10, v13;
	v9 =	vmul.f32 v9, v14;
	v5 =	vsub.f32 v5, v18  }
0x16d: {  	v13 =	vld [tilespmem:s8+$0x18000];
	v10 =	vsel vm0, v20, v10;
	vm0 =	veq.s32 v24, $0x1;
	(erf) = vrcp.f32 v25  }
0x16e: {  	v14 =	vld [tilespmem:s8+$0x1A000];
	v10 =	vsel vm0, v15, v10;
	v15 =	vadd.f32 v27, v22;
	v18 =	vmul.f32 v9, v9  }
0x16f: {  	v12 =	vmul.f32 v16, v12;
	v20 =	vadd.f32 v19, v8;
	v10 =	vmul.f32 $9.999866480e-01, v10  }
0x170: {  	v16 =	vadd.f32 v23, v17;
	v15 =	vmul.f32 $3.333333320e-06, v15;
	v22 =	vmul.f32 $2.857142980e-01, v18  }
0x171: {  	v11 =	vsub.f32 $1.000000000e+00, v11;
	v12 =	vadd.f32 $2.000000000e+00, v12;
	vm0 =	veq.s32 v28, $0x1  }
0x172: {  	v8 =	vsel vm0, v19, v8;
	v10 =	vadd.f32 v10, v15;
	v15 =	vadd.f32 $4.000000060e-01, v22  }
0x173: {  	vm0 =	veq.s32 v13, $0x1;
	v13 =	vadd.f32 v16, v20;
	vm1 =	veq.s32 v14, $0x1  }
0x174: {  	s5 =	sadd.s32 $0x20, s5;
	s6 =	sadd.s32 $0x100, s6;
	v14 =	vsel vm0, v17, v8;
	v8 =	vadd.f32 $9.999999740e-06, v10;
	v10 =	vmul.f32 v15, v18  }
0x175: {  	s9 =	sshll.u32 s7, $0x5;
	s26 =	sand.u32 $0xC00, s6;
	s8 =	sand.u32 $0x60, s5;
	v12 =	vmul.f32 v12, v7;
	v14 =	vsel vm1, v23, v14;
	v13 =	vmul.f32 $3.333333320e-06, v13  }
0x176: {  	s28 =	sshll.u32 s7, $0x3;
	s9 =	sand.u32 $0x1000, s9;
	v11 =	vmul.f32 v11, v11;
	s8 =	sor.u32 s8, s26;
	v7 =	vand.u32 $0x7FFFFF, v8;
	v10 =	vadd.f32 $6.666666860e-01, v10;
	v15 =	vpop (erf)  }
.Ltmp1:
0x177: {  	s26 =	sand.u32 $0x380, s28;
	s8 =	sor.u32 s9, s8;
	v16 =	vmul.f32 $9.999866480e-01, v14;
	v14 =	vor.u32 $0x3F800000, v7;
	v7 =	vmul.f32 v15, v21;
	(pc) =	sbr.rel @p0 .LBB2_4-.Ltmp1, $4  }
0x178: {  	s8 =	sor.u32 s26, s8;
	v19 =	vadd.f32 $-8.802969360e+01, v12;
	v17 =	vadd.f32 $1.000000000e+00, v14;
	v10 =	vmul.f32 v10, v18  }
0x179: {  	v20 =	vadd.f32 v16, v13;
	v15 =	vmul.f32 v6, v2;
	v2 =	vmovc v1;
	v18 =	vld [tilespmem:s8+$0x18010];
	v12 =	vmul.f32 v7, v7  }
0x17a: {  	v6 =	vadd.f32 v19, v3;
	v3 =	vmovc v26;
	v1 =	vmovc v11;
	v13 =	vld [tilespmem:s8+$0x8010];
	(erf) = vrcp.f32 v17;
	v16 =	vadd.f32 $2.000000000e+00, v10  }
0x17b: {  	s7 =	sadd.s32 $0x1, s7;
	v19 =	vshra.s32 v4, $0x17;
	v11 =	vadd.f32 $9.999999740e-06, v20;
	v10 =	vld [tilespmem:s8+$0xA010];
	v17 =	vmul.f32 $2.857142980e-01, v12  }
0x17c: {  	v20 =	vld [tilespmem:s8+$0xC010]  }
0x17d: {  	v21 =	vld [tilespmem:s8+$0xE010]  }
0x17e: {  	v22 =	vld [tilespmem:s8+$0x16010]  }
0x17f: {  	v23 =	vld [tilespmem:s8+$0x8000]  }
0x180: {  	v24 =	vld [tilespmem:s8+$0x1A010]  }
0x181: {  	v26 =	vld [tilespmem:s8+$0xC000]  }
0x182: {  	v27 =	vld [tilespmem:s8+$0xE000]  }
0x183: {  	v28 =	vld [tilespmem:s8+$0x16000]  }
0x184: {  	v25 =	vld [tilespmem:s8+$0xA000]  }
0x185: {  	v46 =	vld [tilespmem:s8+$0x18000]  }
0x186: {  	v29 =	vld [tilespmem:s8+$0x1A000]  }
0x187: {  	vm1 =	veq.s32 v18, $0x1;
	vm0 =	veq.s32 v22, $0x1  }
0x188: {  	vm12 =	veq.s32 v24, $0x1;
	v47 =	vadd.f32 v27, v26;
	vm13 =	veq.s32 v28, $0x1  }
0x189: {  	v18 =	vsel vm0, v10, v13;
	v10 =	vadd.f32 v10, v13;
	v13 =	vadd.f32 v21, v20  }
0x18a: {  	vm14 =	veq.s32 v46, $0x1;
	v18 =	vsel vm1, v20, v18;
	v20 =	vadd.f32 v25, v23  }
0x18b: {  	vm15 =	veq.s32 v29, $0x1;
	v10 =	vadd.f32 v13, v10;
	v13 =	vsel vm13, v25, v23  }
0x18c: {  	v18 =	vsel vm12, v21, v18;
	v20 =	vadd.f32 v47, v20;
	v13 =	vsel vm14, v26, v13  }
0x18d: {  	v18 =	vmul.f32 $9.999866480e-01, v18;
	v10 =	vmul.f32 $3.333333320e-06, v10;
	v13 =	vsel vm15, v27, v13  }
0x18e: {  	v20 =	vmul.f32 $3.333333320e-06, v20;
	v13 =	vmul.f32 $9.999866480e-01, v13  }
0x18f: {  	v10 =	vadd.f32 v18, v10  }
0x190: {  	v13 =	vadd.f32 v13, v20  }
0x191: {  	v10 =	vadd.f32 $9.999999740e-06, v10  }
0x192: {  	v18 =	vand.u32 $0x7FFFFF, v11;
	v13 =	vadd.f32 $9.999999740e-06, v13  }
0x193: {  	v18 =	vor.u32 $0x3F800000, v18;
	v20 =	vand.u32 $0x7FFFFF, v10  }
0x194: {  	v48 =	vadd.f32 $1.000000000e+00, v18;
	v20 =	vor.u32 $0x3F800000, v20;
	v49 =	vand.u32 $0x7FFFFF, v13  }
0x195: {  	v50 =	vadd.f32 $1.000000000e+00, v20;
	v22 =	vor.u32 $0x3F800000, v49  }
0x196: {  	(erf) = vrcp.f32 v48;
	v51 =	vadd.f32 $1.000000000e+00, v22  }
0x197: {  	(erf) = vrcp.f32 v50  }
0x198: {  	(erf) = vrcp.f32 v51;
	_ =	sdelay $0x5  }
0x199: {  	v52 =	vpop (erf)  }
0x19a: {  	v53 =	vpop (erf)  }
0x19b: {  	v54 =	vpop (erf)  }
0x19c: {  	v55 =	vpop (erf)  }
0x19d: {  	_ =	swait.ge [sflag:s0], $0x2000  }
0x19e: {  	v14 =	vadd.f32 $-1.000000000e+00, v14;
	[sflag:s0] =	ssyncset.done $0x0  }
0x19f: {  	[sflag:s0] =	ssyncadd.s32 $0xFFFFE000  }
0x1a0: {  	v14 =	vmul.f32 v52, v14;
	_ =	swait.ge [sflag:s0], $0x2000  }
0x1a1: {  	[sflag:s0] =	ssyncset.done $0x0  }
0x1a2: {  	v17 =	vadd.f32 $4.000000060e-01, v17;
	v21 =	vmul.f32 v14, v14;
	[sflag:s0] =	ssyncadd.s32 $0xFFFFE000  }
0x1a3: {  	_ =	swait.ge [sflag:s0], $0x2000  }
0x1a4: {  	v17 =	vmul.f32 v17, v12;
	v56 =	vmul.f32 $2.857142980e-01, v21;
	[sflag:s0] =	ssyncset.done $0x0  }
0x1a5: {  	v19 =	vcvt.s32.f32 v19;
	v9 =	vmul.f32 v16, v9;
	[sflag:s0] =	ssyncadd.s32 $0xFFFFE000  }
0x1a6: {  	v17 =	vadd.f32 $6.666666860e-01, v17;
	v26 =	vadd.f32 $4.000000060e-01, v56;
	_ =	swait.ge [sflag:s0], $0x2000  }
0x1a7: {  	v4 =	vsub.f32 $1.000000000e+00, v4;
	v16 =	vmul.f32 $6.931471820e-01, v19;
	v9 =	vadd.f32 $-8.802969360e+01, v9;
	[sflag:s0] =	ssyncset.done $0x0  }
0x1a8: {  	v15 =	vsub.f32 v0, v15;
	v12 =	vmul.f32 v17, v12;
	v17 =	vmul.f32 v26, v21;
	[sflag:s0] =	ssyncadd.s32 $0xFFFFE000  }
0x1a9: {  	v2 =	vmul.f32 v6, v2;
	v4 =	vmul.f32 v4, v4;
	v9 =	vadd.f32 v9, v16;
	_ =	swait.ge [sflag:s0], $0x2000  }
0x1aa: {  	v19 =	vshra.s32 v11, $0x17;
	v12 =	vadd.f32 $2.000000000e+00, v12;
	v17 =	vadd.f32 $6.666666860e-01, v17;
	[sflag:s0] =	ssyncset.done $0x0  }
0x1ab: {  	v19 =	vcvt.s32.f32 v19;
	v4 =	vmul.f32 v9, v4;
	v18 =	vadd.f32 $-1.000000000e+00, v18;
	[sflag:s0] =	ssyncadd.s32 $0xFFFFE000  }
0x1ac: {  	s5 =	simm.s32 $0x0;
	v9 =	vsub.f32 $1.000000000e+00, v11;
	v7 =	vmul.f32 v12, v7;
	v12 =	vmul.f32 v17, v21;
	_ =	swait.ge [sflag:s0], $0x2000  }
0x1ad: {  	s7 =	simm.s32 $0x0;
	s26 =	simm.s32 $0x0;
	v0 =	vmul.f32 $6.931471820e-01, v19;
	v4 =	vsub.f32 v5, v4;
	v16 =	vmul.f32 v53, v18;
	[sflag:s0] =	ssyncset.done $0x0  }
0x1ae: {  	s6 =	sand.u32 $0x60, s5;
	s5 =	sand.u32 $0xC00, s5;
	v5 =	vmul.f32 v9, v9;
	v12 =	vadd.f32 $2.000000000e+00, v12;
	v18 =	vshra.s32 v8, $0x17;
	[sflag:s0] =	ssyncadd.s32 $0xFFFFE000  }
0x1af: {  	s7 =	sand.u32 $0x1000, s7;
	s5 =	sor.u32 s6, s5;
	v7 =	vadd.f32 $-8.802969360e+01, v7;
	v6 =	vcvt.s32.f32 v18;
	v11 =	vmul.f32 v16, v16;
	_ =	swait.ge [sflag:s0], $0x2000  }
0x1b0: {  	s28 =	sand.u32 $0x380, s26;
	s5 =	sor.u32 s7, s5;
	v22 =	vadd.f32 $-1.000000000e+00, v22;
	v17 =	vadd.f32 $-1.000000000e+00, v20;
	v12 =	vmul.f32 v12, v14;
	[sflag:s0] =	ssyncset.done $0x0  }
0x1b1: {  	s5 =	sor.u32 s28, s5;
	v6 =	vmul.f32 $6.931471820e-01, v6;
	v9 =	vmul.f32 $2.857142980e-01, v11;
	[sflag:s0] =	ssyncadd.s32 $0xFFFFE000  }
0x1b2: {  	v12 =	vadd.f32 $-8.802969360e+01, v12;
	v17 =	vmul.f32 v54, v17;
	v22 =	vmul.f32 v55, v22;
	v19 =	vld [tilespmem:s5+$0x10]  }
0x1b3: {  	v8 =	vsub.f32 $1.000000000e+00, v8;
	v9 =	vadd.f32 $4.000000060e-01, v9;
	v18 =	vld [tilespmem:s5+$0x2010]  }
0x1b4: {  	v6 =	vadd.f32 v12, v6;
	v14 =	vmul.f32 v17, v17;
	v12 =	vmul.f32 v22, v22;
	v20 =	vld [tilespmem:s5+$0x4010]  }
0x1b5: {  	v3 =	vadd.f32 v7, v3;
	v8 =	vmul.f32 v8, v8;
	v9 =	vmul.f32 v9, v11;
	v58 =	vld [tilespmem:s5+$0x6010]  }
0x1b6: {  	v59 =	vmul.f32 $2.857142980e-01, v14;
	v35 =	vmul.f32 $2.857142980e-01, v12;
	v60 =	vld [tilespmem:s5+$0x10010]  }
0x1b7: {  	v57 =	vshra.s32 v13, $0x17;
	v1 =	vmul.f32 v3, v1;
	v9 =	vadd.f32 $6.666666860e-01, v9;
	v61 =	vld [tilespmem:s5+$0x12010]  }
0x1b8: {  	v6 =	vmul.f32 v6, v8;
	v24 =	vadd.f32 $4.000000060e-01, v59;
	v37 =	vadd.f32 $4.000000060e-01, v35;
	v62 =	vld [tilespmem:s5+$0x14010]  }
0x1b9: {  	v15 =	vsub.f32 v15, v2;
	v21 =	vcvt.s32.f32 v57;
	v9 =	vmul.f32 v9, v11  }
0x1ba: {  	v4 =	vsub.f32 v4, v6;
	v11 =	vmul.f32 v24, v14;
	v40 =	vmul.f32 v37, v12;
	v63 =	vld [tilespmem:s5+$0x0]  }
0x1bb: {  	v32 =	vld [tilespmem:s5+$0x2000];
	vm4 =	veq.s32 v60, $0x1;
	v33 =	vadd.f32 v18, v19;
	v34 =	vadd.f32 v58, v20  }
0x1bc: {  	v11 =	vadd.f32 $6.666666860e-01, v11;
	v38 =	vld [tilespmem:s5+$0x10000];
	vm5 =	veq.s32 v61, $0x1;
	v18 =	vsel vm4, v18, v19  }
0x1bd: {  	v39 =	vld [tilespmem:s5+$0x12000];
	vm6 =	veq.s32 v62, $0x1;
	v18 =	vsel vm5, v20, v18;
	v36 =	vadd.f32 v34, v33  }
0x1be: {  	v8 =	vadd.f32 $2.000000000e+00, v9;
	v9 =	vmul.f32 v11, v14;
	v19 =	vld [tilespmem:s5+$0x4000];
	v18 =	vsel vm6, v58, v18  }
0x1bf: {  	v14 =	vshra.s32 v10, $0x17;
	v20 =	vld [tilespmem:s5+$0x6000];
	v2 =	vmul.f32 $9.999866480e-01, v18;
	v18 =	vmul.f32 $3.333333320e-06, v36  }
0x1c0: {  	v8 =	vmul.f32 v8, v16;
	v16 =	vadd.f32 $6.666666860e-01, v40;
	v14 =	vcvt.s32.f32 v14;
	v11 =	vld [tilespmem:s5+$0x14000]  }
0x1c1: {  	v7 =	vmul.f32 $6.931471820e-01, v21;
	v9 =	vadd.f32 $2.000000000e+00, v9;
	v2 =	vadd.f32 v2, v18  }
0x1c2: {  	s8 =	simm.s32 $0x100;
	s7 =	simm.s32 $0x20;
	v10 =	vsub.f32 $1.000000000e+00, v10;
	v12 =	vmul.f32 v16, v12;
	v14 =	vmul.f32 $6.931471820e-01, v14  }
0x1c3: {  	s9 =	simm.s32 $0x20;
	s6 =	sand.u32 $0xC00, s8;
	v6 =	vmul.f32 v9, v17;
	vm7 =	veq.s32 v38, $0x1;
	s5 =	sand.u32 $0x60, s7;
	v2 =	vadd.f32 $9.999999740e-06, v2  }
0x1c4: {  	s26 =	simm.s32 $0x8;
	vm8 =	veq.s32 v39, $0x1;
	s7 =	sand.u32 $0x1000, s9;
	s5 =	sor.u32 s5, s6;
	v18 =	vadd.f32 v32, v63;
	v41 =	vadd.f32 v20, v19  }
0x1c5: {  	s28 =	sand.u32 $0x380, s26;
	vm9 =	veq.s32 v11, $0x1;
	v21 =	vsel vm7, v32, v63;
	s5 =	sor.u32 s7, s5;
	v11 =	vand.u32 $0x7FFFFF, v2  }
0x1c6: {  	s5 =	sor.u32 s28, s5;
	v19 =	vsel vm8, v19, v21;
	v18 =	vadd.f32 v41, v18;
	v11 =	vor.u32 $0x3F800000, v11  }
0x1c7: {  	v6 =	vadd.f32 $-8.802969360e+01, v6;
	v9 =	vld [tilespmem:s5+$0x10];
	v16 =	vsel vm9, v20, v19;
	v19 =	vadd.f32 $1.000000000e+00, v11  }
0x1c8: {  	v12 =	vadd.f32 $2.000000000e+00, v12;
	v17 =	vld [tilespmem:s5+$0x2010];
	v16 =	vmul.f32 $9.999866480e-01, v16;
	v18 =	vmul.f32 $3.333333320e-06, v18  }
0x1c9: {  	v8 =	vadd.f32 $-8.802969360e+01, v8;
	v3 =	vmul.f32 v10, v10;
	v10 =	vld [tilespmem:s5+$0x6010];
	(erf) = vrcp.f32 v19  }
0x1ca: {  	v12 =	vmul.f32 v12, v22;
	v6 =	vadd.f32 v6, v14;
	v14 =	vld [tilespmem:s5+$0x0];
	v16 =	vadd.f32 v16, v18  }
0x1cb: {  	v0 =	vadd.f32 v8, v0;
	v20 =	vld [tilespmem:s5+$0x12010]  }
0x1cc: {  	v8 =	vadd.f32 $-8.802969360e+01, v12;
	v19 =	vld [tilespmem:s5+$0x10010];
	v16 =	vadd.f32 $9.999999740e-06, v16  }
0x1cd: {  	v13 =	vsub.f32 $1.000000000e+00, v13;
	v1 =	vsub.f32 v15, v1;
	v18 =	vld [tilespmem:s5+$0x4010]  }
0x1ce: {  	v0 =	vmul.f32 v0, v5;
	v5 =	vadd.f32 v8, v7;
	v8 =	vld [tilespmem:s5+$0x2000];
	v12 =	vand.u32 $0x7FFFFF, v16  }
0x1cf: {  	v3 =	vmul.f32 v6, v3;
	v6 =	vor.u32 $0x3F800000, v12;
	v12 =	vld [tilespmem:s5+$0x14010]  }
0x1d0: {  	v13 =	vmul.f32 v13, v13;
	v0 =	vsub.f32 v1, v0;
	v15 =	vld [tilespmem:s5+$0x4000];
	v11 =	vadd.f32 $-1.000000000e+00, v11  }
0x1d1: {  	v1 =	vld [tilespmem:s5+$0x10000];
	vm10 =	veq.s32 v20, $0x1;
	v20 =	vadd.f32 v17, v9;
	vm11 =	veq.s32 v19, $0x1  }
0x1d2: {  	v42 =	vadd.f32 v10, v18;
	v7 =	vadd.f32 $1.000000000e+00, v6;
	v19 =	vld [tilespmem:s5+$0x6000];
	v9 =	vsel vm11, v17, v9;
	v43 =	vpop (erf)  }
0x1d3: {  	s8 =	simm.s32 $0x200;
	v5 =	vmul.f32 v5, v13;
	s7 =	simm.s32 $0x40;
	v13 =	vld [tilespmem:s5+$0x14000];
	v9 =	vsel vm10, v18, v9;
	v11 =	vmul.f32 v43, v11  }
0x1d4: {  	s9 =	simm.s32 $0x40;
	s6 =	sand.u32 $0xC00, s8;
	vm12 =	veq.s32 v12, $0x1;
	(erf) = vrcp.f32 v7;
	v7 =	vadd.f32 v42, v20;
	v12 =	vld [tilespmem:s5+$0x12000];
	s5 =	sand.u32 $0x60, s7  }
0x1d5: {  	s26 =	simm.s32 $0x10;
	v4 =	vsub.f32 v4, v3;
	s7 =	sand.u32 $0x1000, s9;
	v9 =	vsel vm12, v10, v9;
	s5 =	sor.u32 s5, s6;
	v10 =	vmul.f32 v11, v11  }
0x1d6: {  	v0 =	vsub.f32 v0, v5;
	s28 =	sand.u32 $0x380, s26;
	v3 =	vmul.f32 $9.999866480e-01, v9;
	v7 =	vmul.f32 $3.333333320e-06, v7;
	s5 =	sor.u32 s7, s5  }
0x1d7: {  	v5 =	vadd.f32 v8, v14;
	v17 =	vadd.f32 v19, v15;
	s5 =	sor.u32 s28, s5;
	v9 =	vmul.f32 $2.857142980e-01, v10  }
0x1d8: {  	vm13 =	veq.s32 v1, $0x1;
	vm15 =	veq.s32 v13, $0x1;
	v1 =	vadd.f32 v3, v7;
	v13 =	vld [tilespmem:s5+$0x12010]  }
0x1d9: {  	v5 =	vadd.f32 v17, v5;
	v7 =	vsel vm13, v8, v14;
	v17 =	vld [tilespmem:s5+$0x4010];
	v8 =	vadd.f32 $4.000000060e-01, v9  }
0x1da: {  	v6 =	vadd.f32 $-1.000000000e+00, v6;
	v20 =	vld [tilespmem:s5+$0x6010];
	vm14 =	veq.s32 v12, $0x1;
	v3 =	vadd.f32 $9.999999740e-06, v1  }
0x1db: {  	v12 =	vshra.s32 v16, $0x17;
	v1 =	vsel vm14, v15, v7;
	v7 =	vmul.f32 v8, v10  }
0x1dc: {  	v5 =	vmul.f32 $3.333333320e-06, v5;
	v12 =	vcvt.s32.f32 v12;
	v8 =	vand.u32 $0x7FFFFF, v3  }
0x1dd: {  	v45 =	vld [tilespmem:s5+$0x14010];
	v1 =	vsel vm15, v19, v1;
	v9 =	vpop (erf);
	v8 =	vor.u32 $0x3F800000, v8;
	v7 =	vadd.f32 $6.666666860e-01, v7  }
0x1de: {  	v1 =	vmul.f32 $9.999866480e-01, v1;
	v9 =	vmul.f32 v9, v6;
	v6 =	vadd.f32 $1.000000000e+00, v8  }
0x1df: {  	vm4 =	veq.s32 v13, $0x1;
	v48 =	vadd.f32 v20, v17;
	v7 =	vmul.f32 v7, v10  }
0x1e0: {  	v1 =	vadd.f32 v1, v5;
	v5 =	vsub.f32 $1.000000000e+00, v16;
	(erf) = vrcp.f32 v6  }
0x1e1: {  	v16 =	vshra.s32 v2, $0x17;
	v2 =	vsub.f32 $1.000000000e+00, v2;
	v7 =	vadd.f32 $2.000000000e+00, v7  }
0x1e2: {  	v19 =	vld [tilespmem:s5+$0x10010];
	vm6 =	veq.s32 v45, $0x1;
	v16 =	vcvt.s32.f32 v16;
	v14 =	vmul.f32 v9, v9  }
0x1e3: {  	v15 =	vld [tilespmem:s5+$0x10];
	v1 =	vadd.f32 $9.999999740e-06, v1;
	v2 =	vmul.f32 v2, v2;
	v7 =	vmul.f32 v7, v11  }
0x1e4: {  	v8 =	vadd.f32 $-1.000000000e+00, v8;
	v6 =	vmul.f32 v5, v5;
	v5 =	vld [tilespmem:s5+$0x2010];
	v10 =	vmul.f32 $2.857142980e-01, v14  }
0x1e5: {  	v16 =	vmul.f32 $6.931471820e-01, v16;
	v11 =	vshra.s32 v1, $0x17;
	v7 =	vadd.f32 $-8.802969360e+01, v7  }
0x1e6: {  	v47 =	vld [tilespmem:s5+$0x0];
	v18 =	vand.u32 $0x7FFFFF, v1;
	v10 =	vadd.f32 $4.000000060e-01, v10;
	v11 =	vcvt.s32.f32 v11  }
0x1e7: {  	vm5 =	veq.s32 v19, $0x1;
	v19 =	vld [tilespmem:s5+$0x6000];
	v18 =	vor.u32 $0x3F800000, v18;
	v7 =	vadd.f32 v7, v16  }
0x1e8: {  	v46 =	vadd.f32 $1.000000000e+00, v18;
	v44 =	vmul.f32 v10, v14;
	v10 =	vmul.f32 $6.931471820e-01, v11;
	v11 =	vld [tilespmem:s5+$0x4000]  }
0x1e9: {  	v16 =	vadd.f32 $-1.000000000e+00, v18;
	v18 =	vld [tilespmem:s5+$0x2000];
	v13 =	vpop (erf);
	v2 =	vmul.f32 v7, v2;
	v7 =	vadd.f32 v5, v15  }
0x1ea: {  	(erf) = vrcp.f32 v46;
	v5 =	vsel vm5, v5, v15;
	v8 =	vmul.f32 v13, v8  }
0x1eb: {  	v13 =	vld [tilespmem:s5+$0x10000];
	v5 =	vsel vm4, v17, v5;
	v17 =	vadd.f32 $6.666666860e-01, v44;
	v7 =	vadd.f32 v48, v7  }
0x1ec: {  	v5 =	vsel vm6, v20, v5;
	v15 =	vmul.f32 v8, v8;
	v4 =	vsub.f32 v4, v2;
	v2 =	vld [tilespmem:s5+$0x12000]  }
0x1ed: {  	v20 =	vld [tilespmem:s5+$0x14000];
	v5 =	vmul.f32 $9.999866480e-01, v5;
	v7 =	vmul.f32 $3.333333320e-06, v7  }
0x1ee: {  	v49 =	vadd.f32 v18, v47;
	v14 =	vmul.f32 v17, v14;
	v17 =	vadd.f32 v19, v11  }
0x1ef: {  	v12 =	vmul.f32 $6.931471820e-01, v12;
	v50 =	vmul.f32 $2.857142980e-01, v15;
	v5 =	vadd.f32 v5, v7  }
0x1f0: {  	s6 =	simm.s32 $0x60;
	s7 =	simm.s32 $0x300;
	vm7 =	veq.s32 v13, $0x1;
	v13 =	vadd.f32 $2.000000000e+00, v14;
	v17 =	vadd.f32 v17, v49  }
0x1f1: {  	s8 =	simm.s32 $0x60;
	s5 =	sand.u32 $0x60, s6;
	s6 =	sand.u32 $0xC00, s7;
	v7 =	vadd.f32 $4.000000060e-01, v50;
	vm8 =	veq.s32 v2, $0x1;
	v2 =	vadd.f32 $9.999999740e-06, v5  }
0x1f2: {  	s9 =	simm.s32 $0x18;
	s7 =	sand.u32 $0x1000, s8;
	s5 =	sor.u32 s5, s6;
	v14 =	vsel vm7, v18, v47;
	vm9 =	veq.s32 v20, $0x1;
	v9 =	vmul.f32 v13, v9  }
0x1f3: {  	s26 =	sand.u32 $0x380, s9;
	s5 =	sor.u32 s7, s5;
	v5 =	vmul.f32 v7, v15;
	v7 =	vsel vm8, v11, v14;
	v14 =	vand.u32 $0x7FFFFF, v2  }
0x1f4: {  	s5 =	sor.u32 s26, s5;
	v11 =	vmul.f32 $3.333333320e-06, v17;
	v9 =	vadd.f32 $-8.802969360e+01, v9;
	v14 =	vor.u32 $0x3F800000, v14  }
0x1f5: {  	v52 =	vld [tilespmem:s5+$0x10010];
	v7 =	vsel vm9, v19, v7;
	v17 =	vpop (erf);
	v5 =	vadd.f32 $6.666666860e-01, v5;
	v13 =	vadd.f32 $1.000000000e+00, v14  }
0x1f6: {  	v54 =	vld [tilespmem:s5+$0x14010];
	v19 =	vshra.s32 v3, $0x17;
	v7 =	vmul.f32 $9.999866480e-01, v7;
	v16 =	vmul.f32 v17, v16  }
0x1f7: {  	v3 =	vsub.f32 $1.000000000e+00, v3;
	v17 =	vld [tilespmem:s5+$0x10];
	v5 =	vmul.f32 v5, v15;
	(erf) = vrcp.f32 v13  }
0x1f8: {  	v20 =	vadd.f32 v9, v12;
	v15 =	vld [tilespmem:s5+$0x12010];
	v7 =	vadd.f32 v7, v11;
	v11 =	vmul.f32 v16, v16  }
0x1f9: {  	v9 =	vcvt.s32.f32 v19;
	v56 =	vmul.f32 v3, v3;
	v5 =	vadd.f32 $2.000000000e+00, v5;
	v13 =	vld [tilespmem:s5+$0x2010]  }
0x1fa: {  	v12 =	vld [tilespmem:s5+$0x4010];
	vm11 =	veq.s32 v52, $0x1;
	v7 =	vadd.f32 $9.999999740e-06, v7;
	v18 =	vmul.f32 $2.857142980e-01, v11  }
0x1fb: {  	vm12 =	veq.s32 v54, $0x1;
	v9 =	vmul.f32 $6.931471820e-01, v9;
	v5 =	vmul.f32 v5, v8;
	v8 =	vld [tilespmem:s5+$0x6010]  }
0x1fc: {  	v19 =	vshra.s32 v7, $0x17;
	v51 =	vand.u32 $0x7FFFFF, v7;
	v18 =	vadd.f32 $4.000000060e-01, v18  }
0x1fd: {  	v53 =	vld [tilespmem:s5+$0x0];
	v19 =	vcvt.s32.f32 v19;
	v21 =	vor.u32 $0x3F800000, v51;
	v5 =	vadd.f32 $-8.802969360e+01, v5  }
0x1fe: {  	v57 =	vld [tilespmem:s5+$0x2000];
	vm10 =	veq.s32 v15, $0x1;
	v18 =	vmul.f32 v18, v11;
	v15 =	vadd.f32 v13, v17  }
0x1ff: {  	v60 =	vld [tilespmem:s5+$0x10000];
	v3 =	vmul.f32 $6.931471820e-01, v19;
	v5 =	vadd.f32 v5, v9;
	v9 =	vadd.f32 $-1.000000000e+00, v14  }
0x200: {  	v19 =	vld [tilespmem:s5+$0x4000];
	v13 =	vsel vm11, v13, v17;
	v18 =	vadd.f32 $6.666666860e-01, v18;
	v58 =	vadd.f32 v8, v12;
	v59 =	vpop (erf)  }
0x201: {  	v14 =	vld [tilespmem:s5+$0x6000];
	v12 =	vsel vm10, v12, v13;
	v5 =	vmul.f32 v5, v56;
	v9 =	vmul.f32 v59, v9  }
0x202: {  	v55 =	vadd.f32 $1.000000000e+00, v21;
	v13 =	vld [tilespmem:s5+$0x14000];
	v8 =	vsel vm12, v8, v12;
	v11 =	vmul.f32 v18, v11  }
0x203: {  	v12 =	vadd.f32 v58, v15;
	v4 =	vsub.f32 v4, v5;
	v5 =	vld [tilespmem:s5+$0x12000];
	v15 =	vmul.f32 v9, v9  }
0x204: {  	v1 =	vsub.f32 $1.000000000e+00, v1;
	(erf) = vrcp.f32 v55;
	v8 =	vmul.f32 $9.999866480e-01, v8  }
0x205: {  	v62 =	vsub.f32 $1.000000000e+00, v7;
	v12 =	vmul.f32 $3.333333320e-06, v12;
	v61 =	vmul.f32 $2.857142980e-01, v15  }
0x206: {  	vm13 =	veq.s32 v60, $0x1;
	v17 =	vadd.f32 v57, v53;
	v11 =	vadd.f32 $2.000000000e+00, v11  }
0x207: {  	v7 =	vsel vm13, v57, v53;
	v8 =	vadd.f32 v8, v12;
	v12 =	vadd.f32 $4.000000060e-01, v61  }
0x208: {  	v18 =	vadd.f32 v14, v19;
	vm15 =	veq.s32 v13, $0x1;
	vm14 =	veq.s32 v5, $0x1  }
0x209: {  	v13 =	vsel vm14, v19, v7;
	v7 =	vadd.f32 $9.999999740e-06, v8;
	v8 =	vmul.f32 v12, v15  }
0x20a: {  	v11 =	vmul.f32 v11, v16  }
0x20b: {  	v1 =	vmul.f32 v1, v1;
	s6 =	simm.s32 $0x400;
	s26 =	simm.s32 $0x80;
	s5 =	simm.s32 $0x80;
	v5 =	vadd.f32 v18, v17  }
0x20c: {  	s9 =	sand.u32 $0xC00, s6;
	s8 =	sand.u32 $0x1000, s26;
	v21 =	vadd.f32 $-1.000000000e+00, v21;
	s28 =	sand.u32 $0x60, s5;
	v19 =	vadd.f32 $-8.802969360e+01, v11;
	v12 =	vsel vm15, v14, v13  }
0x20d: {  	s26 =	simm.s32 $0x20;
	s7 =	sor.u32 s28, s9;
	v13 =	vmul.f32 $3.333333320e-06, v5;
	v14 =	vand.u32 $0x7FFFFF, v7;
	v16 =	vadd.f32 $6.666666860e-01, v8;
	v8 =	vpop (erf)  }
0x20e: {  	s28 =	sand.u32 $0x380, s26;
	s7 =	sor.u32 s8, s7;
	v17 =	vmul.f32 $9.999866480e-01, v12;
	v12 =	vor.u32 $0x3F800000, v14;
	v8 =	vmul.f32 v8, v21  }
0x20f: {  	s8 =	sor.u32 s28, s7;
	v5 =	vmul.f32 v62, v62;
	v18 =	vadd.f32 $1.000000000e+00, v12;
	v16 =	vmul.f32 v16, v15  }
0x210: {  	v14 =	vld [tilespmem:s8+$0x10];
	v63 =	vadd.f32 v17, v13;
	v13 =	vmul.f32 v20, v6;
	v11 =	vmul.f32 v8, v8  }
0x211: {  	v6 =	vadd.f32 v19, v10;
	v15 =	vld [tilespmem:s8+$0x12010];
	(erf) = vrcp.f32 v18;
	v17 =	vadd.f32 $2.000000000e+00, v16  }
0x212: {  	s7 =	simm.s32 $0x5;
	v19 =	vshra.s32 v2, $0x17;
	v10 =	vadd.f32 $9.999999740e-06, v63;
	v16 =	vld [tilespmem:s8+$0x2010];
	v18 =	vmul.f32 $2.857142980e-01, v11  }
.LBB2_6:
0x213: {  	p0 =	sne.s32 s7, $0xFF;
	v20 =	vld [tilespmem:s8+$0x4010];
	v19 =	vcvt.s32.f32 v19;
	v9 =	vmul.f32 v17, v9;
	v0 =	vsub.f32 v0, v13  }
0x214: {  	v13 =	vld [tilespmem:s8+$0x6010];
	v17 =	vshra.s32 v10, $0x17;
	v21 =	vand.u32 $0x7FFFFF, v10;
	v18 =	vadd.f32 $4.000000060e-01, v18  }
0x215: {  	v23 =	vsub.f32 $1.000000000e+00, v2;
	v2 =	vmovc v7;
	v22 =	vld [tilespmem:s8+$0x10010];
	v19 =	vmul.f32 $6.931471820e-01, v19;
	v9 =	vadd.f32 $-8.802969360e+01, v9  }
0x216: {  	v17 =	vcvt.s32.f32 v17;
	v21 =	vor.u32 $0x3F800000, v21;
	v7 =	vld [tilespmem:s8+$0x0];
	v18 =	vmul.f32 v18, v11  }
0x217: {  	v23 =	vmul.f32 v23, v23;
	v25 =	vadd.f32 $1.000000000e+00, v21;
	v24 =	vld [tilespmem:s8+$0x14010];
	v28 =	vadd.f32 v9, v19  }
0x218: {  	v21 =	vadd.f32 $-1.000000000e+00, v21;
	v26 =	vmul.f32 $6.931471820e-01, v17;
	v19 =	vld [tilespmem:s8+$0x2000];
	v17 =	vadd.f32 $6.666666860e-01, v18  }
0x219: {  	v12 =	vadd.f32 $-1.000000000e+00, v12;
	vm0 =	veq.s32 v15, $0x1;
	v18 =	vld [tilespmem:s8+$0x4000];
	v15 =	vmul.f32 v28, v23  }
0x21a: {  	v27 =	vadd.f32 v13, v20;
	v23 =	vld [tilespmem:s8+$0x6000];
	vm1 =	veq.s32 v22, $0x1;
	v22 =	vadd.f32 v16, v14;
	v9 =	vpop (erf)  }
0x21b: {  	v28 =	vld [tilespmem:s8+$0x10000];
	v14 =	vsel vm1, v16, v14;
	v9 =	vmul.f32 v9, v12;
	v4 =	vsub.f32 v4, v15  }
0x21c: {  	v12 =	vld [tilespmem:s8+$0x12000];
	v14 =	vsel vm0, v20, v14;
	vm0 =	veq.s32 v24, $0x1;
	(erf) = vrcp.f32 v25  }
0x21d: {  	v15 =	vld [tilespmem:s8+$0x14000];
	v13 =	vsel vm0, v13, v14;
	v14 =	vadd.f32 v27, v22;
	v16 =	vmul.f32 v9, v9  }
0x21e: {  	v11 =	vmul.f32 v17, v11;
	v20 =	vadd.f32 v19, v7;
	v13 =	vmul.f32 $9.999866480e-01, v13  }
0x21f: {  	v17 =	vadd.f32 v23, v18;
	v14 =	vmul.f32 $3.333333320e-06, v14;
	v22 =	vmul.f32 $2.857142980e-01, v16  }
0x220: {  	v10 =	vsub.f32 $1.000000000e+00, v10;
	v11 =	vadd.f32 $2.000000000e+00, v11;
	vm0 =	veq.s32 v28, $0x1  }
0x221: {  	v7 =	vsel vm0, v19, v7;
	v13 =	vadd.f32 v13, v14;
	v14 =	vadd.f32 $4.000000060e-01, v22  }
0x222: {  	vm0 =	veq.s32 v12, $0x1;
	v12 =	vadd.f32 v17, v20;
	vm1 =	veq.s32 v15, $0x1  }
0x223: {  	s5 =	sadd.s32 $0x20, s5;
	s6 =	sadd.s32 $0x100, s6;
	v18 =	vsel vm0, v18, v7;
	v7 =	vadd.f32 $9.999999740e-06, v13;
	v13 =	vmul.f32 v14, v16  }
0x224: {  	s9 =	sshll.u32 s7, $0x5;
	s26 =	sand.u32 $0xC00, s6;
	s8 =	sand.u32 $0x60, s5;
	v11 =	vmul.f32 v11, v8;
	v14 =	vsel vm1, v23, v18;
	v17 =	vmul.f32 $3.333333320e-06, v12  }
0x225: {  	s28 =	sshll.u32 s7, $0x3;
	s9 =	sand.u32 $0x1000, s9;
	v10 =	vmul.f32 v10, v10;
	s8 =	sor.u32 s8, s26;
	v8 =	vand.u32 $0x7FFFFF, v7;
	v13 =	vadd.f32 $6.666666860e-01, v13;
	v15 =	vpop (erf)  }
.Ltmp2:
0x226: {  	s26 =	sand.u32 $0x380, s28;
	s8 =	sor.u32 s9, s8;
	v14 =	vmul.f32 $9.999866480e-01, v14;
	v12 =	vor.u32 $0x3F800000, v8;
	v8 =	vmul.f32 v15, v21;
	(pc) =	sbr.rel @p0 .LBB2_6-.Ltmp2, $4  }
0x227: {  	s8 =	sor.u32 s26, s8;
	v19 =	vadd.f32 $-8.802969360e+01, v11;
	v18 =	vadd.f32 $1.000000000e+00, v12;
	v16 =	vmul.f32 v13, v16  }
0x228: {  	v20 =	vadd.f32 v14, v17;
	v13 =	vmul.f32 v6, v1;
	v1 =	vmovc v5;
	v15 =	vld [tilespmem:s8+$0x12010];
	v11 =	vmul.f32 v8, v8  }
0x229: {  	v6 =	vadd.f32 v19, v3;
	v3 =	vmovc v26;
	v5 =	vmovc v10;
	v14 =	vld [tilespmem:s8+$0x10];
	(erf) = vrcp.f32 v18;
	v17 =	vadd.f32 $2.000000000e+00, v16  }
0x22a: {  	s7 =	sadd.s32 $0x1, s7;
	v19 =	vshra.s32 v2, $0x17;
	v10 =	vadd.f32 $9.999999740e-06, v20;
	v16 =	vld [tilespmem:s8+$0x2010];
	v18 =	vmul.f32 $2.857142980e-01, v11  }
0x22b: {  	v20 =	vld [tilespmem:s8+$0x4010]  }
0x22c: {  	v21 =	vld [tilespmem:s8+$0x6010]  }
0x22d: {  	v22 =	vld [tilespmem:s8+$0x10010]  }
0x22e: {  	v23 =	vld [tilespmem:s8+$0x0]  }
0x22f: {  	v24 =	vld [tilespmem:s8+$0x14010]  }
0x230: {  	v25 =	vld [tilespmem:s8+$0x2000]  }
0x231: {  	v26 =	vld [tilespmem:s8+$0x4000]  }
0x232: {  	v27 =	vld [tilespmem:s8+$0x6000]  }
0x233: {  	v28 =	vld [tilespmem:s8+$0x10000]  }
0x234: {  	v54 =	vld [tilespmem:s8+$0x12000]  }
0x235: {  	v29 =	vld [tilespmem:s8+$0x14000];
	_ =	sdelay $0x1  }
0x236: {  	vm1 =	veq.s32 v15, $0x1;
	v56 =	vadd.f32 v16, v14  }
0x237: {  	vm0 =	veq.s32 v22, $0x1;
	vm12 =	veq.s32 v24, $0x1;
	v57 =	vadd.f32 v21, v20  }
0x238: {  	v58 =	vadd.f32 v25, v23;
	v59 =	vadd.f32 v27, v26;
	vm13 =	veq.s32 v28, $0x1  }
0x239: {  	vm14 =	veq.s32 v54, $0x1;
	vm15 =	veq.s32 v29, $0x1;
	v55 =	vsel vm0, v16, v14  }
0x23a: {  	v60 =	vsel vm13, v25, v23;
	v15 =	vsel vm1, v20, v55;
	v14 =	vadd.f32 v57, v56  }
0x23b: {  	v20 =	vadd.f32 v59, v58;
	v16 =	vsel vm14, v26, v60;
	v15 =	vsel vm12, v21, v15  }
0x23c: {  	v16 =	vsel vm15, v27, v16;
	v15 =	vmul.f32 $9.999866480e-01, v15;
	v14 =	vmul.f32 $3.333333320e-06, v14  }
0x23d: {  	v20 =	vmul.f32 $3.333333320e-06, v20;
	v16 =	vmul.f32 $9.999866480e-01, v16  }
0x23e: {  	v14 =	vadd.f32 v15, v14  }
0x23f: {  	v61 =	vadd.f32 v16, v20  }
0x240: {  	v62 =	vand.u32 $0x7FFFFF, v10;
	v14 =	vadd.f32 $9.999999740e-06, v14  }
0x241: {  	v16 =	vor.u32 $0x3F800000, v62;
	v15 =	vadd.f32 $9.999999740e-06, v61  }
0x242: {  	v63 =	vadd.f32 $1.000000000e+00, v16;
	v24 =	vand.u32 $0x7FFFFF, v14  }
0x243: {  	v25 =	vand.u32 $0x7FFFFF, v15;
	v21 =	vor.u32 $0x3F800000, v24  }
0x244: {  	(erf) = vrcp.f32 v63;
	v22 =	vor.u32 $0x3F800000, v25;
	v26 =	vadd.f32 $1.000000000e+00, v21  }
0x245: {  	v29 =	vadd.f32 $1.000000000e+00, v22  }
0x246: {  	v19 =	vcvt.s32.f32 v19;
	v12 =	vadd.f32 $-1.000000000e+00, v12;
	v28 =	vpop (erf);
	(erf) = vrcp.f32 v26  }
0x247: {  	v9 =	vmul.f32 v17, v9;
	v2 =	vsub.f32 $1.000000000e+00, v2;
	(erf) = vrcp.f32 v29  }
0x248: {  	v1 =	vmul.f32 v6, v1;
	v50 =	vshra.s32 v7, $0x17;
	v52 =	vsub.f32 $1.000000000e+00, v7  }
0x249: {  	v30 =	vshra.s32 v10, $0x17;
	v19 =	vmul.f32 $6.931471820e-01, v19;
	v9 =	vadd.f32 $-8.802969360e+01, v9  }
0x24a: {  	v37 =	vsub.f32 $1.000000000e+00, v10;
	v2 =	vmul.f32 v2, v2;
	v27 =	vadd.f32 $4.000000060e-01, v18  }
0x24b: {  	v7 =	vmul.f32 v52, v52;
	v9 =	vadd.f32 v9, v19;
	v12 =	vmul.f32 v28, v12  }
0x24c: {  	v10 =	vmul.f32 v37, v37;
	v17 =	vmul.f32 v27, v11;
	v16 =	vadd.f32 $-1.000000000e+00, v16  }
0x24d: {  	v2 =	vmul.f32 v9, v2;
	v31 =	vmul.f32 v12, v12;
	v35 =	vpop (erf)  }
0x24e: {  	v18 =	vcvt.s32.f32 v30;
	v17 =	vadd.f32 $6.666666860e-01, v17;
	v16 =	vmul.f32 v35, v16  }
0x24f: {  	v32 =	vmul.f32 $2.857142980e-01, v31;
	v40 =	vadd.f32 $-1.000000000e+00, v22;
	v41 =	vadd.f32 $-1.000000000e+00, v21;
	v39 =	vpop (erf)  }
0x250: {  	v33 =	vmul.f32 v17, v11;
	v42 =	vmul.f32 v16, v16;
	v43 =	vpop (erf)  }
0x251: {  	v0 =	vsub.f32 v0, v13;
	v17 =	vmul.f32 v39, v41;
	v9 =	vmul.f32 v43, v40  }
0x252: {  	v18 =	vmul.f32 $6.931471820e-01, v18;
	v34 =	vadd.f32 $4.000000060e-01, v32;
	v44 =	vmul.f32 $2.857142980e-01, v42  }
0x253: {  	v0 =	vsub.f32 v0, v1;
	v45 =	vmul.f32 v17, v17;
	v46 =	vmul.f32 v9, v9  }
0x254: {  	v36 =	vadd.f32 $2.000000000e+00, v33;
	v38 =	vmul.f32 v34, v31;
	v47 =	vadd.f32 $4.000000060e-01, v44  }
0x255: {  	v2 =	vsub.f32 v4, v2;
	v48 =	vmul.f32 $2.857142980e-01, v45;
	v49 =	vmul.f32 $2.857142980e-01, v46  }
0x256: {  	v8 =	vmul.f32 v36, v8;
	v11 =	vadd.f32 $6.666666860e-01, v38;
	v6 =	vmul.f32 v47, v42  }
0x257: {  	v51 =	vshra.s32 v15, $0x17;
	v4 =	vadd.f32 $4.000000060e-01, v48;
	v19 =	vadd.f32 $4.000000060e-01, v49  }
0x258: {  	v11 =	vmul.f32 v11, v31;
	v8 =	vadd.f32 $-8.802969360e+01, v8;
	v6 =	vadd.f32 $6.666666860e-01, v6  }
0x259: {  	v56 =	vshra.s32 v14, $0x17;
	v4 =	vmul.f32 v4, v45;
	v19 =	vmul.f32 v19, v46  }
0x25a: {  	v11 =	vadd.f32 $2.000000000e+00, v11;
	v3 =	vadd.f32 v8, v3;
	v6 =	vmul.f32 v6, v42  }
0x25b: {  	v57 =	vcvt.s32.f32 v56;
	v4 =	vadd.f32 $6.666666860e-01, v4;
	v19 =	vadd.f32 $6.666666860e-01, v19  }
0x25c: {  	v8 =	vcvt.s32.f32 v50;
	v11 =	vmul.f32 v11, v12;
	v6 =	vadd.f32 $2.000000000e+00, v6  }
0x25d: {  	v58 =	vsub.f32 $1.000000000e+00, v15;
	v53 =	vmul.f32 v4, v45;
	v54 =	vmul.f32 v19, v46  }
0x25e: {  	v8 =	vmul.f32 $6.931471820e-01, v8;
	v11 =	vadd.f32 $-8.802969360e+01, v11;
	v6 =	vmul.f32 v6, v16  }
0x25f: {  	v12 =	vcvt.s32.f32 v51;
	v1 =	vadd.f32 $2.000000000e+00, v53;
	v4 =	vadd.f32 $2.000000000e+00, v54  }
0x260: {  	v3 =	vmul.f32 v3, v5;
	v8 =	vadd.f32 v11, v8;
	v6 =	vadd.f32 $-8.802969360e+01, v6  }
0x261: {  	v60 =	vsub.f32 $1.000000000e+00, v14;
	v1 =	vmul.f32 v1, v17;
	v4 =	vmul.f32 v4, v9  }
0x262: {  	v55 =	vmul.f32 $6.931471820e-01, v12;
	v7 =	vmul.f32 v8, v7;
	v59 =	vadd.f32 v6, v18  }
0x263: {  	v8 =	vmul.f32 $6.931471820e-01, v57;
	v1 =	vadd.f32 $-8.802969360e+01, v1;
	v4 =	vadd.f32 $-8.802969360e+01, v4  }
0x264: {  	v61 =	vmul.f32 v58, v58;
	v62 =	vmul.f32 v60, v60;
	v0 =	vsub.f32 v0, v3  }
0x265: {  	v5 =	vmul.f32 v59, v10;
	v1 =	vadd.f32 v1, v8;
	v4 =	vadd.f32 v4, v55  }
0x266: {  	v2 =	vsub.f32 v2, v7  }
0x267: {  	v0 =	vsub.f32 v0, v5;
	v1 =	vmul.f32 v1, v62;
	v63 =	vmul.f32 v4, v61;
	_ =	sdelay $0x1  }
0x268: {  	v1 =	vsub.f32 v2, v1;
	v0 =	vsub.f32 v0, v63;
	_ =	sdelay $0x1  }
0x269: {  	s4 =	sadd.s32 $0x1, s4;
	v0 =	vadd.f32 v1, v0  }
0x26a: {  	p0 =	sne.s32 s4, s25  }
.Ltmp3:
0x26b: {  	s5 =	simm.s32 $0x1C000;
	[tilespmem:$0x1C000] =	vst v0;
	(pc) =	sbr.rel @p0 .LBB2_1-.Ltmp3, $4  }
0x26c: {  	[hbm4b:s24+s1] =	stream.linear.scatter [tilespmem:s5], [sflag:$0x3], $0x10, $0x38;
	[tilespmem:$0x1C080] =	vst v63  }
0x26d: {  	_ =	swait.ge [sflag:s3], $0x10  }
0x26e: {  	[sflag:s3] =	ssyncset.done $0x0  }
0x26f: {  	[sflag:s3] =	ssyncadd.s32 $0xFFFFFFF0  }
0x270: {  	_ =	sfence.sel $0x180000  }
0x271: {  	[bflag:$0x0] =	sbarrier.arrive $0xFFFF  }
0x272: {  	_ =	strace $0x90000047  }
0x273: {  	s0 =	stileid.u32;
	[bflag:$0x2] =	sbarrier.arrive $0xFFFF  }
0x274: {  	p0 =	sne.s32 s0, $0x0;
	s0 =	rddreg [dreg:$0x3]  }
0x275: {  	s0 =	sadd.s32 @!p0 $0x100000, s0  }
0x276: {  	[sflag:s0] =	ssyncadd.tile.s32 @!p0 $0x1;
	_ =	shalt  }
.Lfunc_end2:
_tile_overlayer_lowered:
.L_overlay_start_2:
0x277: {  	(tag) =	ssettag $0x2  }
0x278: {  	s0 =	rddreg [dreg:$0x0];
	s2 =	stileid.u32  }
0x279: {  	s1 =	rddreg [dreg:$0x1];
	p0 =	sne.s32 s2, $0x0  }
0x27a: {  	s3 =	rddreg [dreg:$0x2];
	[bflag:$0x3] =	sbarrier.arrive $0xFFFF;
	s2 =	simm.s32 @!p0 $0x1C03  }
0x27b: {  	[timem:s3], [sflag:s2] =	dma.local @!p0 [hbm:s0], s1  }
0x27c: {  	s0 =	simm.s32 @!p0 $0x3  }
0x27d: {  	_ =	swait.ge @!p0 [sflag:s0], s1  }
0x27e: {  	s1 =	ssub.s32 @!p0 $0x0, s1;
	[sflag:s0] =	ssyncset.done @!p0 $0x0  }
0x27f: {  	[sflag:s0] =	ssyncadd.s32 @!p0 s1  }
0x280: {  	[bflag:$0x3] =	sbarrier.arrive $0xFFFF  }
0x281: {  	_ =	shalt  }

</sc_bundles>
